<compile_context>
chip_gen: v7x
topology: tpu7x:2x2x1
jax: 0.10.2.dev20260603
libtpu: 0.0.44.dev20260713+nightly
codegen_flags: <defaults>
</compile_context>

<pallas_src>
import functools

import jax
import jax.numpy as jnp
from jax import lax
from jax.experimental import pallas as pl
from jax.experimental.pallas import tpu as pltpu
from jax.experimental.pallas import tpu_sc as plsc

N = 10000
D = 128
DH = D // 2
E = 320000
NC, NS = 2, 16
NW = NC * NS
CHUNK = 128
CPW = 80
E_PAD = NW * CPW * CHUNK
CPT = E_PAD // (NS * CHUNK)
N_TAB = 10240
ROWS_PT = N_TAB // NS
NBUF = 4
NPT = N // NS
IDX_H = CPT // 4
ROUNDS_H = IDX_H // NBUF

_sc_mesh = plsc.VectorSubcoreMesh(
    core_axis_name="c", subcore_axis_name="s", num_cores=NC, num_subcores=NS)
_sc_params = pltpu.CompilerParams(needs_layout_passes=False,
                                  use_tc_tiling_on_sc=False)


@functools.partial(
    pl.kernel,
    out_type=jax.ShapeDtypeStruct((NW, N_TAB), jnp.float32),
    mesh=_sc_mesh,
    compiler_params=_sc_params,
    scratch_types=[
        pltpu.VMEM((CPW * CHUNK,), jnp.int32),
        pltpu.VMEM((N_TAB,), jnp.float32),
    ],
)
def _deg_kernel(col_hbm, out_hbm, col_v, deg_v):
    c = lax.axis_index("c")
    s = lax.axis_index("s")
    w = c * NS + s
    pltpu.sync_copy(col_hbm.at[pl.ds(w * (CPW * CHUNK), CPW * CHUNK)], col_v)
    z16 = jnp.zeros((16,), jnp.float32)

    def zbody(i, carry):
        deg_v[pl.ds(i * 16, 16)] = z16
        return carry

    lax.fori_loop(0, N_TAB // 16, zbody, 0)
    ones16 = jnp.ones((16,), jnp.float32)

    def body(i, carry):
        idx = col_v[pl.ds(i * 16, 16)]
        plsc.addupdate_scatter(deg_v, [idx], ones16)
        return carry

    lax.fori_loop(0, CPW * CHUNK // 16, body, 0)
    pltpu.sync_copy(deg_v, out_hbm.at[w])


@functools.partial(
    pl.kernel,
    out_type=jax.ShapeDtypeStruct((NC, N_TAB, DH), jnp.float32),
    mesh=_sc_mesh,
    compiler_params=_sc_params,
    scratch_types=(
        [pltpu.VMEM((IDX_H, CHUNK), jnp.int32)] * 2 +
        [pltpu.VMEM((CHUNK, DH), jnp.float32)] * NBUF +
        [pltpu.VMEM_SHARED((N_TAB, DH), jnp.float32)] +
        [pltpu.VMEM_SHARED((N, DH), jnp.float32)] +
        [pltpu.SemaphoreType.DMA] * (2 * NBUF)
    ),
)
def _agg_kernel(rows_hbm, col_hbm, y2_hbm, zeros_hbm, out_hbm, *scr):
    row_v, col_v = scr[0], scr[1]
    gbufs = scr[2:2 + NBUF]
    acc_sh = scr[2 + NBUF]
    y_sh = scr[3 + NBUF]
    gsems = scr[4 + NBUF:4 + 2 * NBUF]
    ssems = scr[4 + 2 * NBUF:4 + 3 * NBUF]
    c = lax.axis_index("c")
    s = lax.axis_index("s")
    pltpu.sync_copy(zeros_hbm, acc_sh.at[pl.ds(s * ROWS_PT, ROWS_PT)])
    pltpu.sync_copy(y2_hbm.at[c, pl.ds(s * NPT, NPT)],
                    y_sh.at[pl.ds(s * NPT, NPT)])

    def _gather(j, b):
        pltpu.async_copy(y_sh.at[row_v.at[j]], gbufs[b], gsems[b])

    def _scatter(j, b):
        pltpu.async_copy(gbufs[b], acc_sh.at[col_v.at[j]], ssems[b], add=True)

    def _gwait(b):
        pltpu.make_async_copy(y_sh.at[row_v.at[0]], gbufs[b],
                              gsems[b]).wait()

    def _swait(b):
        pltpu.make_async_copy(gbufs[b], out_hbm.at[c, pl.ds(0, CHUNK)],
                              ssems[b]).wait()

    first = True
    for h in range(CPT // IDX_H):
        pltpu.sync_copy(rows_hbm.at[pl.ds(s * CPT + h * IDX_H, IDX_H)],
                        row_v)
        pltpu.sync_copy(col_hbm.at[pl.ds(s * CPT + h * IDX_H, IDX_H)], col_v)
        if first:
            plsc.subcore_barrier()
            first = False
        for b in range(NBUF):
            _gather(b, b)

        def body(g, carry):
            j0 = g * NBUF
            for b in range(NBUF):
                _gwait(b)
                _scatter(j0 + b, b)
            for b in range(NBUF):
                _swait(b)

                @pl.when(g < ROUNDS_H - 1)
                def _():
                    _gather(j0 + NBUF + b, b)

            return carry

        lax.fori_loop(0, ROUNDS_H, body, 0)
    plsc.subcore_barrier()

    nob = ROWS_PT // CHUNK
    for i in range(nob):
        b = i % NBUF
        r0 = s * ROWS_PT + i * CHUNK
        if i >= NBUF:
            rp = s * ROWS_PT + (i - NBUF) * CHUNK
            pltpu.make_async_copy(gbufs[b], out_hbm.at[c, pl.ds(rp, CHUNK)],
                                  ssems[b]).wait()
        pltpu.async_copy(acc_sh.at[pl.ds(r0, CHUNK)], gbufs[b], gsems[b])
        pltpu.make_async_copy(acc_sh.at[pl.ds(r0, CHUNK)], gbufs[b],
                              gsems[b]).wait()
        pltpu.async_copy(gbufs[b], out_hbm.at[c, pl.ds(r0, CHUNK)], ssems[b])
    for i in range(max(nob - NBUF, 0), nob):
        b = i % NBUF
        r0 = s * ROWS_PT + i * CHUNK
        pltpu.make_async_copy(gbufs[b], out_hbm.at[c, pl.ds(r0, CHUNK)],
                              ssems[b]).wait()


_BR = 1000


def _scale_body(counts_ref, x_ref, dinv_ref, y2_ref):
    deg = jnp.sum(counts_ref[...], axis=1, keepdims=True) + 1.0
    dinv = lax.rsqrt(deg)
    dinv_ref[...] = dinv
    y2_ref[0] = dinv * x_ref[:, :DH]
    y2_ref[1] = dinv * x_ref[:, DH:]


_scale_call = pl.pallas_call(
    _scale_body,
    grid=(N // _BR,),
    in_specs=[
        pl.BlockSpec((_BR, NW), lambda i: (i, 0)),
        pl.BlockSpec((_BR, D), lambda i: (i, 0)),
    ],
    out_specs=[
        pl.BlockSpec((_BR, 1), lambda i: (i, 0)),
        pl.BlockSpec((2, _BR, DH), lambda i: (0, i, 0)),
    ],
    out_shape=[
        jax.ShapeDtypeStruct((N, 1), jnp.float32),
        jax.ShapeDtypeStruct((2, N, DH), jnp.float32),
    ],
)


def _combine_body(dinv_ref, y2_ref, p0_ref, p1_ref, o_ref):
    dinv = dinv_ref[...]
    o_ref[:, :DH] = dinv * (p0_ref[...] + y2_ref[0])
    o_ref[:, DH:] = dinv * (p1_ref[...] + y2_ref[1])


_combine_call = pl.pallas_call(
    _combine_body,
    grid=(N // _BR,),
    in_specs=[
        pl.BlockSpec((_BR, 1), lambda i: (i, 0)),
        pl.BlockSpec((2, _BR, DH), lambda i: (0, i, 0)),
        pl.BlockSpec((_BR, DH), lambda i: (i, 0)),
        pl.BlockSpec((_BR, DH), lambda i: (i, 0)),
    ],
    out_specs=pl.BlockSpec((_BR, D), lambda i: (i, 0)),
    out_shape=jax.ShapeDtypeStruct((N, D), jnp.float32),
)


def kernel(x, edge_index):
    ei = edge_index.astype(jnp.int32)
    pad = E_PAD - E
    row_p = jnp.concatenate([ei[0], jnp.zeros((pad,), jnp.int32)])
    col_p = jnp.concatenate([ei[1], jnp.full((pad,), N, jnp.int32)])
    counts = _deg_kernel(col_p)
    counts_t = counts.T[:N]
    dinv, y2 = _scale_call(counts_t, x)
    zeros = jnp.zeros((ROWS_PT, DH), jnp.float32)
    parts = _agg_kernel(row_p.reshape(NS * CPT, CHUNK),
                        col_p.reshape(NS * CPT, CHUNK),
                        y2, zeros)
    return _combine_call(dinv, y2, parts[0, :N], parts[1, :N])

# --- scband reference (transcript-rebuilt; emitter-appended) ---
"""Pipeline reference for scband-ham-graph-convolution-27745488732226 (READ-ONLY COPY).

The authoritative reference and input builder live on the scoring server;
editing this copy changes nothing except your own understanding.
"""

import jax, jax.numpy as jnp
import numpy as np

N_NODES = 10000
N_EDGES = 320000
D_FEAT = 128


def setup_inputs(seed: int = 0) -> dict:
    key = jax.random.key(seed)
    k1, k2 = jax.random.split(key)
    x = jax.random.normal(k1, (N_NODES, D_FEAT), dtype=jnp.float32)
    edge_index = jax.random.randint(k2, (2, N_EDGES), 0, N_NODES, dtype=jnp.int64)
    return {"x": x, "edge_index": edge_index}


def reference(x, edge_index):
    # HAM_GCNConv.forward: add self-loops, symmetric degree norm, scatter-add aggregation.
    n = x.shape[0]
    loops = jnp.arange(n, dtype=edge_index.dtype)
    ei = jnp.concatenate([edge_index, jnp.stack([loops, loops], axis=0)], axis=1)
    row = ei[0]
    col = ei[1]
    # degree of target nodes (col), same dtype as x
    deg = jnp.zeros((n,), dtype=x.dtype).at[col].add(jnp.ones_like(col, dtype=x.dtype))
    deg_inv_sqrt = jnp.power(deg, -0.5)
    deg_inv_sqrt = jnp.where(jnp.isinf(deg_inv_sqrt), 0.0, deg_inv_sqrt)
    norm = deg_inv_sqrt[row] * deg_inv_sqrt[col]
    # message: norm * x_j where x_j = x[row] (source), aggregated at col (target) via add
    msgs = norm[:, None] * jnp.take(x, row, axis=0)
    out = jnp.zeros_like(x).at[col].add(msgs)
    return out

if __name__ == "__main__":
    import jax
    _d = setup_inputs()
    print(jax.jit(kernel)(*tuple(_d.values())))

</pallas_src>

<mosaic_0001>
#map = affine_map<(d0, d1) -> (0, 0)>
#map1 = affine_map<(d0, d1) -> (0, 0, 0)>
module attributes {stable_mosaic.version = 14 : i64} {
  func.func @_agg_kernel(%arg0: i32, %arg1: i32, %arg2: memref<2560x128xi32, #tpu.memory_space<hbm>>, %arg3: memref<2560x128xi32, #tpu.memory_space<hbm>>, %arg4: memref<2x10000x64xf32, #tpu.memory_space<hbm>>, %arg5: memref<640x64xf32, #tpu.memory_space<hbm>>, %arg6: memref<2x10240x64xf32, #tpu.memory_space<hbm>>, %arg7: memref<40x128xi32, #tpu.memory_space<vmem>>, %arg8: memref<40x128xi32, #tpu.memory_space<vmem>>, %arg9: memref<128x64xf32, #tpu.memory_space<vmem>>, %arg10: memref<128x64xf32, #tpu.memory_space<vmem>>, %arg11: memref<128x64xf32, #tpu.memory_space<vmem>>, %arg12: memref<128x64xf32, #tpu.memory_space<vmem>>, %arg13: memref<10240x64xf32, #tpu.memory_space<vmem_shared>>, %arg14: memref<10000x64xf32, #tpu.memory_space<vmem_shared>>, %arg15: memref<!tpu.dma_semaphore, #tpu.memory_space<semaphore_mem>>, %arg16: memref<!tpu.dma_semaphore, #tpu.memory_space<semaphore_mem>>, %arg17: memref<!tpu.dma_semaphore, #tpu.memory_space<semaphore_mem>>, %arg18: memref<!tpu.dma_semaphore, #tpu.memory_space<semaphore_mem>>, %arg19: memref<!tpu.dma_semaphore, #tpu.memory_space<semaphore_mem>>, %arg20: memref<!tpu.dma_semaphore, #tpu.memory_space<semaphore_mem>>, %arg21: memref<!tpu.dma_semaphore, #tpu.memory_space<semaphore_mem>>, %arg22: memref<!tpu.dma_semaphore, #tpu.memory_space<semaphore_mem>>) attributes {dimension_semantics = [#tpu.dimension_semantics<core_parallel>, #tpu.dimension_semantics<subcore_parallel>], iteration_bounds = array<i64: 2, 16>, scalar_prefetch = 0 : i64, scratch_operands = 16 : i64, tpu.core_type = #tpu.core_type<sc_vector_subcore>, window_params = [{transform_indices = #map}, {transform_indices = #map}, {transform_indices = #map1}, {transform_indices = #map}, {transform_indices = #map1}]} {
    %mul3A = arith.constant 640 : i32
    %mul3A_0 = arith.muli %arg1, %mul3A : i32
    "tpu.region"() ({
      %run_scoped3A = tpu.sem_alloc : memref<!tpu.dma_semaphore, #tpu.memory_space<semaphore_mem>>
      %dma_start3A_310 = arith.constant 0 : i32
      %dma_start3A_311 = tpu.memref_slice %arg13[%mul3A_0, %dma_start3A_310] : memref<10240x64xf32, #tpu.memory_space<vmem_shared>> -> memref<640x64xf32, #tpu.memory_space<vmem_shared>>
      tpu.enqueue_dma source(%arg5 : memref<640x64xf32, #tpu.memory_space<hbm>>) target(%dma_start3A_311 : memref<640x64xf32, #tpu.memory_space<vmem_shared>>) target_semaphore(%run_scoped3A : memref<!tpu.dma_semaphore, #tpu.memory_space<semaphore_mem>>)
      %dma_wait3A_312 = arith.constant 0 : i32
      %dma_wait3A_313 = tpu.memref_slice %arg13[%mul3A_0, %dma_wait3A_312] : memref<10240x64xf32, #tpu.memory_space<vmem_shared>> -> memref<640x64xf32, #tpu.memory_space<vmem_shared>>
      tpu.wait_dma2 semaphore(%run_scoped3A : memref<!tpu.dma_semaphore, #tpu.memory_space<semaphore_mem>>) src(%arg5 : memref<640x64xf32, #tpu.memory_space<hbm>>) dst(%dma_wait3A_313 : memref<640x64xf32, #tpu.memory_space<vmem_shared>>)
      tpu.yield
    }) : () -> ()
    %mul3A_1 = arith.constant 625 : i32
    %mul3A_2 = arith.muli %arg1, %mul3A_1 : i32
    %mul3A_3 = arith.constant 625 : i32
    %mul3A_4 = arith.muli %arg1, %mul3A_3 : i32
    "tpu.region"() ({
      %run_scoped3A = tpu.sem_alloc : memref<!tpu.dma_semaphore, #tpu.memory_space<semaphore_mem>>
      %dma_start3A_310 = arith.constant 0 : i32
      %dma_start3A_311 = tpu.memref_slice %arg14[%mul3A_4, %dma_start3A_310] : memref<10000x64xf32, #tpu.memory_space<vmem_shared>> -> memref<625x64xf32, #tpu.memory_space<vmem_shared>>
      %dma_start3A_312 = arith.constant 0 : i32
      %dma_start3A_313 = tpu.memref_slice %arg4[%arg0, %mul3A_2, %dma_start3A_312] : memref<2x10000x64xf32, #tpu.memory_space<hbm>> -> memref<1x625x64xf32, #tpu.memory_space<hbm>>
      %dma_start3A_314 = tpu.memref_squeeze %dma_start3A_313 : memref<1x625x64xf32, #tpu.memory_space<hbm>> -> memref<625x64xf32, #tpu.memory_space<hbm>>
      tpu.enqueue_dma source(%dma_start3A_314 : memref<625x64xf32, #tpu.memory_space<hbm>>) target(%dma_start3A_311 : memref<625x64xf32, #tpu.memory_space<vmem_shared>>) target_semaphore(%run_scoped3A : memref<!tpu.dma_semaphore, #tpu.memory_space<semaphore_mem>>)
      %dma_wait3A_315 = arith.constant 0 : i32
      %dma_wait3A_316 = tpu.memref_slice %arg14[%mul3A_4, %dma_wait3A_315] : memref<10000x64xf32, #tpu.memory_space<vmem_shared>> -> memref<625x64xf32, #tpu.memory_space<vmem_shared>>
      %dma_wait3A_317 = arith.constant 0 : i32
      %dma_wait3A_318 = tpu.memref_slice %arg4[%arg0, %mul3A_2, %dma_wait3A_317] : memref<2x10000x64xf32, #tpu.memory_space<hbm>> -> memref<1x625x64xf32, #tpu.memory_space<hbm>>
      %dma_wait3A_319 = tpu.memref_squeeze %dma_wait3A_318 : memref<1x625x64xf32, #tpu.memory_space<hbm>> -> memref<625x64xf32, #tpu.memory_space<hbm>>
      tpu.wait_dma2 semaphore(%run_scoped3A : memref<!tpu.dma_semaphore, #tpu.memory_space<semaphore_mem>>) src(%dma_wait3A_319 : memref<625x64xf32, #tpu.memory_space<hbm>>) dst(%dma_wait3A_316 : memref<625x64xf32, #tpu.memory_space<vmem_shared>>)
      tpu.yield
    }) : () -> ()
    %mul3A_5 = arith.constant 160 : i32
    %mul3A_6 = arith.muli %arg1, %mul3A_5 : i32
    %add3A = arith.constant 0 : i32
    %add3A_7 = arith.addi %mul3A_6, %add3A : i32
    "tpu.region"() ({
      %run_scoped3A = tpu.sem_alloc : memref<!tpu.dma_semaphore, #tpu.memory_space<semaphore_mem>>
      %dma_start3A_310 = arith.constant 0 : i32
      %dma_start3A_311 = tpu.memref_slice %arg2[%add3A_7, %dma_start3A_310] : memref<2560x128xi32, #tpu.memory_space<hbm>> -> memref<40x128xi32, #tpu.memory_space<hbm>>
      %dma_start3A_312 = arith.constant 0 : i32
      %dma_start3A_313 = tpu.memref_slice %arg2[%add3A_7, %dma_start3A_312] : memref<2560x128xi32, #tpu.memory_space<hbm>> -> memref<40x128xi32, #tpu.memory_space<hbm>>
      tpu.enqueue_dma source(%dma_start3A_313 : memref<40x128xi32, #tpu.memory_space<hbm>>) target(%arg7 : memref<40x128xi32, #tpu.memory_space<vmem>>) target_semaphore(%run_scoped3A : memref<!tpu.dma_semaphore, #tpu.memory_space<semaphore_mem>>)
      %dma_wait3A_314 = arith.constant 0 : i32
      %dma_wait3A_315 = tpu.memref_slice %arg2[%add3A_7, %dma_wait3A_314] : memref<2560x128xi32, #tpu.memory_space<hbm>> -> memref<40x128xi32, #tpu.memory_space<hbm>>
      %dma_wait3A_316 = arith.constant 0 : i32
      %dma_wait3A_317 = tpu.memref_slice %arg2[%add3A_7, %dma_wait3A_316] : memref<2560x128xi32, #tpu.memory_space<hbm>> -> memref<40x128xi32, #tpu.memory_space<hbm>>
      tpu.wait_dma2 semaphore(%run_scoped3A : memref<!tpu.dma_semaphore, #tpu.memory_space<semaphore_mem>>) src(%dma_wait3A_317 : memref<40x128xi32, #tpu.memory_space<hbm>>) dst(%arg7 : memref<40x128xi32, #tpu.memory_space<vmem>>)
      tpu.yield
    }) : () -> ()
    %mul3A_8 = arith.constant 160 : i32
    %mul3A_9 = arith.muli %arg1, %mul3A_8 : i32
    %add3A_10 = arith.constant 0 : i32
    %add3A_11 = arith.addi %mul3A_9, %add3A_10 : i32
    "tpu.region"() ({
      %run_scoped3A = tpu.sem_alloc : memref<!tpu.dma_semaphore, #tpu.memory_space<semaphore_mem>>
      %dma_start3A_310 = arith.constant 0 : i32
      %dma_start3A_311 = tpu.memref_slice %arg3[%add3A_11, %dma_start3A_310] : memref<2560x128xi32, #tpu.memory_space<hbm>> -> memref<40x128xi32, #tpu.memory_space<hbm>>
      %dma_start3A_312 = arith.constant 0 : i32
      %dma_start3A_313 = tpu.memref_slice %arg3[%add3A_11, %dma_start3A_312] : memref<2560x128xi32, #tpu.memory_space<hbm>> -> memref<40x128xi32, #tpu.memory_space<hbm>>
      tpu.enqueue_dma source(%dma_start3A_313 : memref<40x128xi32, #tpu.memory_space<hbm>>) target(%arg8 : memref<40x128xi32, #tpu.memory_space<vmem>>) target_semaphore(%run_scoped3A : memref<!tpu.dma_semaphore, #tpu.memory_space<semaphore_mem>>)
      %dma_wait3A_314 = arith.constant 0 : i32
      %dma_wait3A_315 = tpu.memref_slice %arg3[%add3A_11, %dma_wait3A_314] : memref<2560x128xi32, #tpu.memory_space<hbm>> -> memref<40x128xi32, #tpu.memory_space<hbm>>
      %dma_wait3A_316 = arith.constant 0 : i32
      %dma_wait3A_317 = tpu.memref_slice %arg3[%add3A_11, %dma_wait3A_316] : memref<2560x128xi32, #tpu.memory_space<hbm>> -> memref<40x128xi32, #tpu.memory_space<hbm>>
      tpu.wait_dma2 semaphore(%run_scoped3A : memref<!tpu.dma_semaphore, #tpu.memory_space<semaphore_mem>>) src(%dma_wait3A_317 : memref<40x128xi32, #tpu.memory_space<hbm>>) dst(%arg8 : memref<40x128xi32, #tpu.memory_space<vmem>>)
      tpu.yield
    }) : () -> ()
    %barrier3A = arith.constant 0 : index
    tpu.barrier barrier_id(%barrier3A)
    %dma_start3A = arith.constant 0 : i32
    %dma_start3A_12 = arith.constant 0 : i32
    %dma_start3A_13 = tpu.memref_slice %arg7[%dma_start3A, %dma_start3A_12] : memref<40x128xi32, #tpu.memory_space<vmem>> -> memref<1x128xi32, #tpu.memory_space<vmem>>
    %dma_start3A_14 = tpu.memref_squeeze %dma_start3A_13 : memref<1x128xi32, #tpu.memory_space<vmem>> -> memref<128xi32, #tpu.memory_space<vmem>>
    %dma_start3A_15 = arith.constant 0 : i32
    %dma_start3A_16 = arith.constant 0 : i32
    %dma_start3A_17 = tpu.memref_slice %arg14[%dma_start3A_15, %dma_start3A_16] : memref<10000x64xf32, #tpu.memory_space<vmem_shared>> -> memref<10000x64xf32, #tpu.memory_space<vmem_shared>>
    tpu.enqueue_indirect_dma source(%dma_start3A_17 : memref<10000x64xf32, #tpu.memory_space<vmem_shared>>) target(%arg9 : memref<128x64xf32, #tpu.memory_space<vmem>>) offsets(%dma_start3A_14 : memref<128xi32, #tpu.memory_space<vmem>>) semaphore(%arg15 : memref<!tpu.dma_semaphore, #tpu.memory_space<semaphore_mem>>)
    %dma_start3A_18 = arith.constant 1 : i32
    %dma_start3A_19 = arith.constant 0 : i32
    %dma_start3A_20 = tpu.memref_slice %arg7[%dma_start3A_18, %dma_start3A_19] : memref<40x128xi32, #tpu.memory_space<vmem>> -> memref<1x128xi32, #tpu.memory_space<vmem>>
    %dma_start3A_21 = tpu.memref_squeeze %dma_start3A_20 : memref<1x128xi32, #tpu.memory_space<vmem>> -> memref<128xi32, #tpu.memory_space<vmem>>
    %dma_start3A_22 = arith.constant 0 : i32
    %dma_start3A_23 = arith.constant 0 : i32
    %dma_start3A_24 = tpu.memref_slice %arg14[%dma_start3A_22, %dma_start3A_23] : memref<10000x64xf32, #tpu.memory_space<vmem_shared>> -> memref<10000x64xf32, #tpu.memory_space<vmem_shared>>
    tpu.enqueue_indirect_dma source(%dma_start3A_24 : memref<10000x64xf32, #tpu.memory_space<vmem_shared>>) target(%arg10 : memref<128x64xf32, #tpu.memory_space<vmem>>) offsets(%dma_start3A_21 : memref<128xi32, #tpu.memory_space<vmem>>) semaphore(%arg16 : memref<!tpu.dma_semaphore, #tpu.memory_space<semaphore_mem>>)
    %dma_start3A_25 = arith.constant 2 : i32
    %dma_start3A_26 = arith.constant 0 : i32
    %dma_start3A_27 = tpu.memref_slice %arg7[%dma_start3A_25, %dma_start3A_26] : memref<40x128xi32, #tpu.memory_space<vmem>> -> memref<1x128xi32, #tpu.memory_space<vmem>>
    %dma_start3A_28 = tpu.memref_squeeze %dma_start3A_27 : memref<1x128xi32, #tpu.memory_space<vmem>> -> memref<128xi32, #tpu.memory_space<vmem>>
    %dma_start3A_29 = arith.constant 0 : i32
    %dma_start3A_30 = arith.constant 0 : i32
    %dma_start3A_31 = tpu.memref_slice %arg14[%dma_start3A_29, %dma_start3A_30] : memref<10000x64xf32, #tpu.memory_space<vmem_shared>> -> memref<10000x64xf32, #tpu.memory_space<vmem_shared>>
    tpu.enqueue_indirect_dma source(%dma_start3A_31 : memref<10000x64xf32, #tpu.memory_space<vmem_shared>>) target(%arg11 : memref<128x64xf32, #tpu.memory_space<vmem>>) offsets(%dma_start3A_28 : memref<128xi32, #tpu.memory_space<vmem>>) semaphore(%arg17 : memref<!tpu.dma_semaphore, #tpu.memory_space<semaphore_mem>>)
    %dma_start3A_32 = arith.constant 3 : i32
    %dma_start3A_33 = arith.constant 0 : i32
    %dma_start3A_34 = tpu.memref_slice %arg7[%dma_start3A_32, %dma_start3A_33] : memref<40x128xi32, #tpu.memory_space<vmem>> -> memref<1x128xi32, #tpu.memory_space<vmem>>
    %dma_start3A_35 = tpu.memref_squeeze %dma_start3A_34 : memref<1x128xi32, #tpu.memory_space<vmem>> -> memref<128xi32, #tpu.memory_space<vmem>>
    %dma_start3A_36 = arith.constant 0 : i32
    %dma_start3A_37 = arith.constant 0 : i32
    %dma_start3A_38 = tpu.memref_slice %arg14[%dma_start3A_36, %dma_start3A_37] : memref<10000x64xf32, #tpu.memory_space<vmem_shared>> -> memref<10000x64xf32, #tpu.memory_space<vmem_shared>>
    tpu.enqueue_indirect_dma source(%dma_start3A_38 : memref<10000x64xf32, #tpu.memory_space<vmem_shared>>) target(%arg12 : memref<128x64xf32, #tpu.memory_space<vmem>>) offsets(%dma_start3A_35 : memref<128xi32, #tpu.memory_space<vmem>>) semaphore(%arg18 : memref<!tpu.dma_semaphore, #tpu.memory_space<semaphore_mem>>)
    %scan3A = arith.constant 0 : i32
    %scan3A_39 = arith.constant 0 : i32
    %scan3A_40 = arith.constant 10 : i32
    %scan3A_41 = arith.addi %scan3A_39, %scan3A_40 : i32
    %scan3A_42 = arith.constant 1 : i32
    scf.for %scan3A_310 = %scan3A_39 to %scan3A_41 step %scan3A_42  : i32 {
      %mul3A_311 = arith.constant 4 : i32
      %mul3A_312 = arith.muli %scan3A_310, %mul3A_311 : i32
      %dma_wait3A_313 = arith.constant 0 : i32
      %dma_wait3A_314 = arith.constant 0 : i32
      %dma_wait3A_315 = tpu.memref_slice %arg7[%dma_wait3A_313, %dma_wait3A_314] : memref<40x128xi32, #tpu.memory_space<vmem>> -> memref<1x128xi32, #tpu.memory_space<vmem>>
      %dma_wait3A_316 = tpu.memref_squeeze %dma_wait3A_315 : memref<1x128xi32, #tpu.memory_space<vmem>> -> memref<128xi32, #tpu.memory_space<vmem>>
      %dma_wait3A_317 = arith.constant 0 : i32
      %dma_wait3A_318 = arith.constant 0 : i32
      %dma_wait3A_319 = tpu.memref_slice %arg14[%dma_wait3A_317, %dma_wait3A_318] : memref<10000x64xf32, #tpu.memory_space<vmem_shared>> -> memref<10000x64xf32, #tpu.memory_space<vmem_shared>>
      tpu.wait_indirect_dma semaphore(%arg15 : memref<!tpu.dma_semaphore, #tpu.memory_space<semaphore_mem>>) src(%dma_wait3A_319 : memref<10000x64xf32, #tpu.memory_space<vmem_shared>>) dst(%arg9 : memref<128x64xf32, #tpu.memory_space<vmem>>)
      %add3A_320 = arith.constant 0 : i32
      %add3A_321 = arith.addi %mul3A_312, %add3A_320 : i32
      %dma_start3A_322 = arith.constant 0 : i32
      %dma_start3A_323 = tpu.memref_slice %arg8[%add3A_321, %dma_start3A_322] : memref<40x128xi32, #tpu.memory_space<vmem>> -> memref<1x128xi32, #tpu.memory_space<vmem>>
      %dma_start3A_324 = tpu.memref_squeeze %dma_start3A_323 : memref<1x128xi32, #tpu.memory_space<vmem>> -> memref<128xi32, #tpu.memory_space<vmem>>
      %dma_start3A_325 = arith.constant 0 : i32
      %dma_start3A_326 = arith.constant 0 : i32
      %dma_start3A_327 = tpu.memref_slice %arg13[%dma_start3A_325, %dma_start3A_326] : memref<10240x64xf32, #tpu.memory_space<vmem_shared>> -> memref<10240x64xf32, #tpu.memory_space<vmem_shared>>
      tpu.enqueue_indirect_dma source(%arg9 : memref<128x64xf32, #tpu.memory_space<vmem>>) target(%dma_start3A_327 : memref<10240x64xf32, #tpu.memory_space<vmem_shared>>) offsets(%dma_start3A_324 : memref<128xi32, #tpu.memory_space<vmem>>) semaphore(%arg19 : memref<!tpu.dma_semaphore, #tpu.memory_space<semaphore_mem>>) {add = true}
      %dma_wait3A_328 = arith.constant 0 : i32
      %dma_wait3A_329 = arith.constant 0 : i32
      %dma_wait3A_330 = tpu.memref_slice %arg7[%dma_wait3A_328, %dma_wait3A_329] : memref<40x128xi32, #tpu.memory_space<vmem>> -> memref<1x128xi32, #tpu.memory_space<vmem>>
      %dma_wait3A_331 = tpu.memref_squeeze %dma_wait3A_330 : memref<1x128xi32, #tpu.memory_space<vmem>> -> memref<128xi32, #tpu.memory_space<vmem>>
      %dma_wait3A_332 = arith.constant 0 : i32
      %dma_wait3A_333 = arith.constant 0 : i32
      %dma_wait3A_334 = tpu.memref_slice %arg14[%dma_wait3A_332, %dma_wait3A_333] : memref<10000x64xf32, #tpu.memory_space<vmem_shared>> -> memref<10000x64xf32, #tpu.memory_space<vmem_shared>>
      tpu.wait_indirect_dma semaphore(%arg16 : memref<!tpu.dma_semaphore, #tpu.memory_space<semaphore_mem>>) src(%dma_wait3A_334 : memref<10000x64xf32, #tpu.memory_space<vmem_shared>>) dst(%arg10 : memref<128x64xf32, #tpu.memory_space<vmem>>)
      %add3A_335 = arith.constant 1 : i32
      %add3A_336 = arith.addi %mul3A_312, %add3A_335 : i32
      %dma_start3A_337 = arith.constant 0 : i32
      %dma_start3A_338 = tpu.memref_slice %arg8[%add3A_336, %dma_start3A_337] : memref<40x128xi32, #tpu.memory_space<vmem>> -> memref<1x128xi32, #tpu.memory_space<vmem>>
      %dma_start3A_339 = tpu.memref_squeeze %dma_start3A_338 : memref<1x128xi32, #tpu.memory_space<vmem>> -> memref<128xi32, #tpu.memory_space<vmem>>
      %dma_start3A_340 = arith.constant 0 : i32
      %dma_start3A_341 = arith.constant 0 : i32
      %dma_start3A_342 = tpu.memref_slice %arg13[%dma_start3A_340, %dma_start3A_341] : memref<10240x64xf32, #tpu.memory_space<vmem_shared>> -> memref<10240x64xf32, #tpu.memory_space<vmem_shared>>
      tpu.enqueue_indirect_dma source(%arg10 : memref<128x64xf32, #tpu.memory_space<vmem>>) target(%dma_start3A_342 : memref<10240x64xf32, #tpu.memory_space<vmem_shared>>) offsets(%dma_start3A_339 : memref<128xi32, #tpu.memory_space<vmem>>) semaphore(%arg20 : memref<!tpu.dma_semaphore, #tpu.memory_space<semaphore_mem>>) {add = true}
      %dma_wait3A_343 = arith.constant 0 : i32
      %dma_wait3A_344 = arith.constant 0 : i32
      %dma_wait3A_345 = tpu.memref_slice %arg7[%dma_wait3A_343, %dma_wait3A_344] : memref<40x128xi32, #tpu.memory_space<vmem>> -> memref<1x128xi32, #tpu.memory_space<vmem>>
      %dma_wait3A_346 = tpu.memref_squeeze %dma_wait3A_345 : memref<1x128xi32, #tpu.memory_space<vmem>> -> memref<128xi32, #tpu.memory_space<vmem>>
      %dma_wait3A_347 = arith.constant 0 : i32
      %dma_wait3A_348 = arith.constant 0 : i32
      %dma_wait3A_349 = tpu.memref_slice %arg14[%dma_wait3A_347, %dma_wait3A_348] : memref<10000x64xf32, #tpu.memory_space<vmem_shared>> -> memref<10000x64xf32, #tpu.memory_space<vmem_shared>>
      tpu.wait_indirect_dma semaphore(%arg17 : memref<!tpu.dma_semaphore, #tpu.memory_space<semaphore_mem>>) src(%dma_wait3A_349 : memref<10000x64xf32, #tpu.memory_space<vmem_shared>>) dst(%arg11 : memref<128x64xf32, #tpu.memory_space<vmem>>)
      %add3A_350 = arith.constant 2 : i32
      %add3A_351 = arith.addi %mul3A_312, %add3A_350 : i32
      %dma_start3A_352 = arith.constant 0 : i32
      %dma_start3A_353 = tpu.memref_slice %arg8[%add3A_351, %dma_start3A_352] : memref<40x128xi32, #tpu.memory_space<vmem>> -> memref<1x128xi32, #tpu.memory_space<vmem>>
      %dma_start3A_354 = tpu.memref_squeeze %dma_start3A_353 : memref<1x128xi32, #tpu.memory_space<vmem>> -> memref<128xi32, #tpu.memory_space<vmem>>
      %dma_start3A_355 = arith.constant 0 : i32
      %dma_start3A_356 = arith.constant 0 : i32
      %dma_start3A_357 = tpu.memref_slice %arg13[%dma_start3A_355, %dma_start3A_356] : memref<10240x64xf32, #tpu.memory_space<vmem_shared>> -> memref<10240x64xf32, #tpu.memory_space<vmem_shared>>
      tpu.enqueue_indirect_dma source(%arg11 : memref<128x64xf32, #tpu.memory_space<vmem>>) target(%dma_start3A_357 : memref<10240x64xf32, #tpu.memory_space<vmem_shared>>) offsets(%dma_start3A_354 : memref<128xi32, #tpu.memory_space<vmem>>) semaphore(%arg21 : memref<!tpu.dma_semaphore, #tpu.memory_space<semaphore_mem>>) {add = true}
      %dma_wait3A_358 = arith.constant 0 : i32
      %dma_wait3A_359 = arith.constant 0 : i32
      %dma_wait3A_360 = tpu.memref_slice %arg7[%dma_wait3A_358, %dma_wait3A_359] : memref<40x128xi32, #tpu.memory_space<vmem>> -> memref<1x128xi32, #tpu.memory_space<vmem>>
      %dma_wait3A_361 = tpu.memref_squeeze %dma_wait3A_360 : memref<1x128xi32, #tpu.memory_space<vmem>> -> memref<128xi32, #tpu.memory_space<vmem>>
      %dma_wait3A_362 = arith.constant 0 : i32
      %dma_wait3A_363 = arith.constant 0 : i32
      %dma_wait3A_364 = tpu.memref_slice %arg14[%dma_wait3A_362, %dma_wait3A_363] : memref<10000x64xf32, #tpu.memory_space<vmem_shared>> -> memref<10000x64xf32, #tpu.memory_space<vmem_shared>>
      tpu.wait_indirect_dma semaphore(%arg18 : memref<!tpu.dma_semaphore, #tpu.memory_space<semaphore_mem>>) src(%dma_wait3A_364 : memref<10000x64xf32, #tpu.memory_space<vmem_shared>>) dst(%arg12 : memref<128x64xf32, #tpu.memory_space<vmem>>)
      %add3A_365 = arith.constant 3 : i32
      %add3A_366 = arith.addi %mul3A_312, %add3A_365 : i32
      %dma_start3A_367 = arith.constant 0 : i32
      %dma_start3A_368 = tpu.memref_slice %arg8[%add3A_366, %dma_start3A_367] : memref<40x128xi32, #tpu.memory_space<vmem>> -> memref<1x128xi32, #tpu.memory_space<vmem>>
      %dma_start3A_369 = tpu.memref_squeeze %dma_start3A_368 : memref<1x128xi32, #tpu.memory_space<vmem>> -> memref<128xi32, #tpu.memory_space<vmem>>
      %dma_start3A_370 = arith.constant 0 : i32
      %dma_start3A_371 = arith.constant 0 : i32
      %dma_start3A_372 = tpu.memref_slice %arg13[%dma_start3A_370, %dma_start3A_371] : memref<10240x64xf32, #tpu.memory_space<vmem_shared>> -> memref<10240x64xf32, #tpu.memory_space<vmem_shared>>
      tpu.enqueue_indirect_dma source(%arg12 : memref<128x64xf32, #tpu.memory_space<vmem>>) target(%dma_start3A_372 : memref<10240x64xf32, #tpu.memory_space<vmem_shared>>) offsets(%dma_start3A_369 : memref<128xi32, #tpu.memory_space<vmem>>) semaphore(%arg22 : memref<!tpu.dma_semaphore, #tpu.memory_space<semaphore_mem>>) {add = true}
      %dma_wait3A_373 = arith.constant 0 : i32
      %dma_wait3A_374 = arith.constant 0 : i32
      %dma_wait3A_375 = tpu.memref_slice %arg6[%arg0, %dma_wait3A_373, %dma_wait3A_374] : memref<2x10240x64xf32, #tpu.memory_space<hbm>> -> memref<1x128x64xf32, #tpu.memory_space<hbm>>
      %dma_wait3A_376 = tpu.memref_squeeze %dma_wait3A_375 : memref<1x128x64xf32, #tpu.memory_space<hbm>> -> memref<128x64xf32, #tpu.memory_space<hbm>>
      %dma_wait3A_377 = arith.constant 0 : i32
      %dma_wait3A_378 = arith.constant 0 : i32
      %dma_wait3A_379 = tpu.memref_slice %arg6[%arg0, %dma_wait3A_377, %dma_wait3A_378] : memref<2x10240x64xf32, #tpu.memory_space<hbm>> -> memref<1x128x64xf32, #tpu.memory_space<hbm>>
      %dma_wait3A_380 = tpu.memref_squeeze %dma_wait3A_379 : memref<1x128x64xf32, #tpu.memory_space<hbm>> -> memref<128x64xf32, #tpu.memory_space<hbm>>
      tpu.wait_dma2 semaphore(%arg19 : memref<!tpu.dma_semaphore, #tpu.memory_space<semaphore_mem>>) src(%arg9 : memref<128x64xf32, #tpu.memory_space<vmem>>) dst(%dma_wait3A_380 : memref<128x64xf32, #tpu.memory_space<hbm>>)
      %lt3A = arith.constant 9 : i32
      %lt3A_381 = arith.cmpi slt, %scan3A_310, %lt3A : i32
      %convert_element_type3A = arith.extui %lt3A_381 : i1 to i32
      %cond3A = arith.constant 0 : i32
      %cond3A_382 = arith.cmpi ne, %convert_element_type3A, %cond3A : i32
      scf.if %cond3A_382 {
        %add3A_422 = arith.constant 4 : i32
        %add3A_423 = arith.addi %mul3A_312, %add3A_422 : i32
        %add3A_424 = arith.constant 0 : i32
        %add3A_425 = arith.addi %add3A_423, %add3A_424 : i32
        %dma_start3A_426 = arith.constant 0 : i32
        %dma_start3A_427 = tpu.memref_slice %arg7[%add3A_425, %dma_start3A_426] : memref<40x128xi32, #tpu.memory_space<vmem>> -> memref<1x128xi32, #tpu.memory_space<vmem>>
        %dma_start3A_428 = tpu.memref_squeeze %dma_start3A_427 : memref<1x128xi32, #tpu.memory_space<vmem>> -> memref<128xi32, #tpu.memory_space<vmem>>
        %dma_start3A_429 = arith.constant 0 : i32
        %dma_start3A_430 = arith.constant 0 : i32
        %dma_start3A_431 = tpu.memref_slice %arg14[%dma_start3A_429, %dma_start3A_430] : memref<10000x64xf32, #tpu.memory_space<vmem_shared>> -> memref<10000x64xf32, #tpu.memory_space<vmem_shared>>
        tpu.enqueue_indirect_dma source(%dma_start3A_431 : memref<10000x64xf32, #tpu.memory_space<vmem_shared>>) target(%arg9 : memref<128x64xf32, #tpu.memory_space<vmem>>) offsets(%dma_start3A_428 : memref<128xi32, #tpu.memory_space<vmem>>) semaphore(%arg15 : memref<!tpu.dma_semaphore, #tpu.memory_space<semaphore_mem>>)
      } else {
      }
      %dma_wait3A_383 = arith.constant 0 : i32
      %dma_wait3A_384 = arith.constant 0 : i32
      %dma_wait3A_385 = tpu.memref_slice %arg6[%arg0, %dma_wait3A_383, %dma_wait3A_384] : memref<2x10240x64xf32, #tpu.memory_space<hbm>> -> memref<1x128x64xf32, #tpu.memory_space<hbm>>
      %dma_wait3A_386 = tpu.memref_squeeze %dma_wait3A_385 : memref<1x128x64xf32, #tpu.memory_space<hbm>> -> memref<128x64xf32, #tpu.memory_space<hbm>>
      %dma_wait3A_387 = arith.constant 0 : i32
      %dma_wait3A_388 = arith.constant 0 : i32
      %dma_wait3A_389 = tpu.memref_slice %arg6[%arg0, %dma_wait3A_387, %dma_wait3A_388] : memref<2x10240x64xf32, #tpu.memory_space<hbm>> -> memref<1x128x64xf32, #tpu.memory_space<hbm>>
      %dma_wait3A_390 = tpu.memref_squeeze %dma_wait3A_389 : memref<1x128x64xf32, #tpu.memory_space<hbm>> -> memref<128x64xf32, #tpu.memory_space<hbm>>
      tpu.wait_dma2 semaphore(%arg20 : memref<!tpu.dma_semaphore, #tpu.memory_space<semaphore_mem>>) src(%arg10 : memref<128x64xf32, #tpu.memory_space<vmem>>) dst(%dma_wait3A_390 : memref<128x64xf32, #tpu.memory_space<hbm>>)
      %lt3A_391 = arith.constant 9 : i32
      %lt3A_392 = arith.cmpi slt, %scan3A_310, %lt3A_391 : i32
      %convert_element_type3A_393 = arith.extui %lt3A_392 : i1 to i32
      %cond3A_394 = arith.constant 0 : i32
      %cond3A_395 = arith.cmpi ne, %convert_element_type3A_393, %cond3A_394 : i32
      scf.if %cond3A_395 {
        %add3A_422 = arith.constant 4 : i32
        %add3A_423 = arith.addi %mul3A_312, %add3A_422 : i32
        %add3A_424 = arith.constant 1 : i32
        %add3A_425 = arith.addi %add3A_423, %add3A_424 : i32
        %dma_start3A_426 = arith.constant 0 : i32
        %dma_start3A_427 = tpu.memref_slice %arg7[%add3A_425, %dma_start3A_426] : memref<40x128xi32, #tpu.memory_space<vmem>> -> memref<1x128xi32, #tpu.memory_space<vmem>>
        %dma_start3A_428 = tpu.memref_squeeze %dma_start3A_427 : memref<1x128xi32, #tpu.memory_space<vmem>> -> memref<128xi32, #tpu.memory_space<vmem>>
        %dma_start3A_429 = arith.constant 0 : i32
        %dma_start3A_430 = arith.constant 0 : i32
        %dma_start3A_431 = tpu.memref_slice %arg14[%dma_start3A_429, %dma_start3A_430] : memref<10000x64xf32, #tpu.memory_space<vmem_shared>> -> memref<10000x64xf32, #tpu.memory_space<vmem_shared>>
        tpu.enqueue_indirect_dma source(%dma_start3A_431 : memref<10000x64xf32, #tpu.memory_space<vmem_shared>>) target(%arg10 : memref<128x64xf32, #tpu.memory_space<vmem>>) offsets(%dma_start3A_428 : memref<128xi32, #tpu.memory_space<vmem>>) semaphore(%arg16 : memref<!tpu.dma_semaphore, #tpu.memory_space<semaphore_mem>>)
      } else {
      }
      %dma_wait3A_396 = arith.constant 0 : i32
      %dma_wait3A_397 = arith.constant 0 : i32
      %dma_wait3A_398 = tpu.memref_slice %arg6[%arg0, %dma_wait3A_396, %dma_wait3A_397] : memref<2x10240x64xf32, #tpu.memory_space<hbm>> -> memref<1x128x64xf32, #tpu.memory_space<hbm>>
      %dma_wait3A_399 = tpu.memref_squeeze %dma_wait3A_398 : memref<1x128x64xf32, #tpu.memory_space<hbm>> -> memref<128x64xf32, #tpu.memory_space<hbm>>
      %dma_wait3A_400 = arith.constant 0 : i32
      %dma_wait3A_401 = arith.constant 0 : i32
      %dma_wait3A_402 = tpu.memref_slice %arg6[%arg0, %dma_wait3A_400, %dma_wait3A_401] : memref<2x10240x64xf32, #tpu.memory_space<hbm>> -> memref<1x128x64xf32, #tpu.memory_space<hbm>>
      %dma_wait3A_403 = tpu.memref_squeeze %dma_wait3A_402 : memref<1x128x64xf32, #tpu.memory_space<hbm>> -> memref<128x64xf32, #tpu.memory_space<hbm>>
      tpu.wait_dma2 semaphore(%arg21 : memref<!tpu.dma_semaphore, #tpu.memory_space<semaphore_mem>>) src(%arg11 : memref<128x64xf32, #tpu.memory_space<vmem>>) dst(%dma_wait3A_403 : memref<128x64xf32, #tpu.memory_space<hbm>>)
      %lt3A_404 = arith.constant 9 : i32
      %lt3A_405 = arith.cmpi slt, %scan3A_310, %lt3A_404 : i32
      %convert_element_type3A_406 = arith.extui %lt3A_405 : i1 to i32
      %cond3A_407 = arith.constant 0 : i32
      %cond3A_408 = arith.cmpi ne, %convert_element_type3A_406, %cond3A_407 : i32
      scf.if %cond3A_408 {
        %add3A_422 = arith.constant 4 : i32
        %add3A_423 = arith.addi %mul3A_312, %add3A_422 : i32
        %add3A_424 = arith.constant 2 : i32
        %add3A_425 = arith.addi %add3A_423, %add3A_424 : i32
        %dma_start3A_426 = arith.constant 0 : i32
        %dma_start3A_427 = tpu.memref_slice %arg7[%add3A_425, %dma_start3A_426] : memref<40x128xi32, #tpu.memory_space<vmem>> -> memref<1x128xi32, #tpu.memory_space<vmem>>
        %dma_start3A_428 = tpu.memref_squeeze %dma_start3A_427 : memref<1x128xi32, #tpu.memory_space<vmem>> -> memref<128xi32, #tpu.memory_space<vmem>>
        %dma_start3A_429 = arith.constant 0 : i32
        %dma_start3A_430 = arith.constant 0 : i32
        %dma_start3A_431 = tpu.memref_slice %arg14[%dma_start3A_429, %dma_start3A_430] : memref<10000x64xf32, #tpu.memory_space<vmem_shared>> -> memref<10000x64xf32, #tpu.memory_space<vmem_shared>>
        tpu.enqueue_indirect_dma source(%dma_start3A_431 : memref<10000x64xf32, #tpu.memory_space<vmem_shared>>) target(%arg11 : memref<128x64xf32, #tpu.memory_space<vmem>>) offsets(%dma_start3A_428 : memref<128xi32, #tpu.memory_space<vmem>>) semaphore(%arg17 : memref<!tpu.dma_semaphore, #tpu.memory_space<semaphore_mem>>)
      } else {
      }
      %dma_wait3A_409 = arith.constant 0 : i32
      %dma_wait3A_410 = arith.constant 0 : i32
      %dma_wait3A_411 = tpu.memref_slice %arg6[%arg0, %dma_wait3A_409, %dma_wait3A_410] : memref<2x10240x64xf32, #tpu.memory_space<hbm>> -> memref<1x128x64xf32, #tpu.memory_space<hbm>>
      %dma_wait3A_412 = tpu.memref_squeeze %dma_wait3A_411 : memref<1x128x64xf32, #tpu.memory_space<hbm>> -> memref<128x64xf32, #tpu.memory_space<hbm>>
      %dma_wait3A_413 = arith.constant 0 : i32
      %dma_wait3A_414 = arith.constant 0 : i32
      %dma_wait3A_415 = tpu.memref_slice %arg6[%arg0, %dma_wait3A_413, %dma_wait3A_414] : memref<2x10240x64xf32, #tpu.memory_space<hbm>> -> memref<1x128x64xf32, #tpu.memory_space<hbm>>
      %dma_wait3A_416 = tpu.memref_squeeze %dma_wait3A_415 : memref<1x128x64xf32, #tpu.memory_space<hbm>> -> memref<128x64xf32, #tpu.memory_space<hbm>>
      tpu.wait_dma2 semaphore(%arg22 : memref<!tpu.dma_semaphore, #tpu.memory_space<semaphore_mem>>) src(%arg12 : memref<128x64xf32, #tpu.memory_space<vmem>>) dst(%dma_wait3A_416 : memref<128x64xf32, #tpu.memory_space<hbm>>)
      %lt3A_417 = arith.constant 9 : i32
      %lt3A_418 = arith.cmpi slt, %scan3A_310, %lt3A_417 : i32
      %convert_element_type3A_419 = arith.extui %lt3A_418 : i1 to i32
      %cond3A_420 = arith.constant 0 : i32
      %cond3A_421 = arith.cmpi ne, %convert_element_type3A_419, %cond3A_420 : i32
      scf.if %cond3A_421 {
        %add3A_422 = arith.constant 4 : i32
        %add3A_423 = arith.addi %mul3A_312, %add3A_422 : i32
        %add3A_424 = arith.constant 3 : i32
        %add3A_425 = arith.addi %add3A_423, %add3A_424 : i32
        %dma_start3A_426 = arith.constant 0 : i32
        %dma_start3A_427 = tpu.memref_slice %arg7[%add3A_425, %dma_start3A_426] : memref<40x128xi32, #tpu.memory_space<vmem>> -> memref<1x128xi32, #tpu.memory_space<vmem>>
        %dma_start3A_428 = tpu.memref_squeeze %dma_start3A_427 : memref<1x128xi32, #tpu.memory_space<vmem>> -> memref<128xi32, #tpu.memory_space<vmem>>
        %dma_start3A_429 = arith.constant 0 : i32
        %dma_start3A_430 = arith.constant 0 : i32
        %dma_start3A_431 = tpu.memref_slice %arg14[%dma_start3A_429, %dma_start3A_430] : memref<10000x64xf32, #tpu.memory_space<vmem_shared>> -> memref<10000x64xf32, #tpu.memory_space<vmem_shared>>
        tpu.enqueue_indirect_dma source(%dma_start3A_431 : memref<10000x64xf32, #tpu.memory_space<vmem_shared>>) target(%arg12 : memref<128x64xf32, #tpu.memory_space<vmem>>) offsets(%dma_start3A_428 : memref<128xi32, #tpu.memory_space<vmem>>) semaphore(%arg18 : memref<!tpu.dma_semaphore, #tpu.memory_space<semaphore_mem>>)
      } else {
      }
    }
    %scan3A_43 = arith.constant 10 : i32
    %mul3A_44 = arith.constant 160 : i32
    %mul3A_45 = arith.muli %arg1, %mul3A_44 : i32
    %add3A_46 = arith.constant 40 : i32
    %add3A_47 = arith.addi %mul3A_45, %add3A_46 : i32
    "tpu.region"() ({
      %run_scoped3A = tpu.sem_alloc : memref<!tpu.dma_semaphore, #tpu.memory_space<semaphore_mem>>
      %dma_start3A_310 = arith.constant 0 : i32
      %dma_start3A_311 = tpu.memref_slice %arg2[%add3A_47, %dma_start3A_310] : memref<2560x128xi32, #tpu.memory_space<hbm>> -> memref<40x128xi32, #tpu.memory_space<hbm>>
      %dma_start3A_312 = arith.constant 0 : i32
      %dma_start3A_313 = tpu.memref_slice %arg2[%add3A_47, %dma_start3A_312] : memref<2560x128xi32, #tpu.memory_space<hbm>> -> memref<40x128xi32, #tpu.memory_space<hbm>>
      tpu.enqueue_dma source(%dma_start3A_313 : memref<40x128xi32, #tpu.memory_space<hbm>>) target(%arg7 : memref<40x128xi32, #tpu.memory_space<vmem>>) target_semaphore(%run_scoped3A : memref<!tpu.dma_semaphore, #tpu.memory_space<semaphore_mem>>)
      %dma_wait3A_314 = arith.constant 0 : i32
      %dma_wait3A_315 = tpu.memref_slice %arg2[%add3A_47, %dma_wait3A_314] : memref<2560x128xi32, #tpu.memory_space<hbm>> -> memref<40x128xi32, #tpu.memory_space<hbm>>
      %dma_wait3A_316 = arith.constant 0 : i32
      %dma_wait3A_317 = tpu.memref_slice %arg2[%add3A_47, %dma_wait3A_316] : memref<2560x128xi32, #tpu.memory_space<hbm>> -> memref<40x128xi32, #tpu.memory_space<hbm>>
      tpu.wait_dma2 semaphore(%run_scoped3A : memref<!tpu.dma_semaphore, #tpu.memory_space<semaphore_mem>>) src(%dma_wait3A_317 : memref<40x128xi32, #tpu.memory_space<hbm>>) dst(%arg7 : memref<40x128xi32, #tpu.memory_space<vmem>>)
      tpu.yield
    }) : () -> ()
    %mul3A_48 = arith.constant 160 : i32
    %mul3A_49 = arith.muli %arg1, %mul3A_48 : i32
    %add3A_50 = arith.constant 40 : i32
    %add3A_51 = arith.addi %mul3A_49, %add3A_50 : i32
    "tpu.region"() ({
      %run_scoped3A = tpu.sem_alloc : memref<!tpu.dma_semaphore, #tpu.memory_space<semaphore_mem>>
      %dma_start3A_310 = arith.constant 0 : i32
      %dma_start3A_311 = tpu.memref_slice %arg3[%add3A_51, %dma_start3A_310] : memref<2560x128xi32, #tpu.memory_space<hbm>> -> memref<40x128xi32, #tpu.memory_space<hbm>>
      %dma_start3A_312 = arith.constant 0 : i32
      %dma_start3A_313 = tpu.memref_slice %arg3[%add3A_51, %dma_start3A_312] : memref<2560x128xi32, #tpu.memory_space<hbm>> -> memref<40x128xi32, #tpu.memory_space<hbm>>
      tpu.enqueue_dma source(%dma_start3A_313 : memref<40x128xi32, #tpu.memory_space<hbm>>) target(%arg8 : memref<40x128xi32, #tpu.memory_space<vmem>>) target_semaphore(%run_scoped3A : memref<!tpu.dma_semaphore, #tpu.memory_space<semaphore_mem>>)
      %dma_wait3A_314 = arith.constant 0 : i32
      %dma_wait3A_315 = tpu.memref_slice %arg3[%add3A_51, %dma_wait3A_314] : memref<2560x128xi32, #tpu.memory_space<hbm>> -> memref<40x128xi32, #tpu.memory_space<hbm>>
      %dma_wait3A_316 = arith.constant 0 : i32
      %dma_wait3A_317 = tpu.memref_slice %arg3[%add3A_51, %dma_wait3A_316] : memref<2560x128xi32, #tpu.memory_space<hbm>> -> memref<40x128xi32, #tpu.memory_space<hbm>>
      tpu.wait_dma2 semaphore(%run_scoped3A : memref<!tpu.dma_semaphore, #tpu.memory_space<semaphore_mem>>) src(%dma_wait3A_317 : memref<40x128xi32, #tpu.memory_space<hbm>>) dst(%arg8 : memref<40x128xi32, #tpu.memory_space<vmem>>)
      tpu.yield
    }) : () -> ()
    %dma_start3A_52 = arith.constant 0 : i32
    %dma_start3A_53 = arith.constant 0 : i32
    %dma_start3A_54 = tpu.memref_slice %arg7[%dma_start3A_52, %dma_start3A_53] : memref<40x128xi32, #tpu.memory_space<vmem>> -> memref<1x128xi32, #tpu.memory_space<vmem>>
    %dma_start3A_55 = tpu.memref_squeeze %dma_start3A_54 : memref<1x128xi32, #tpu.memory_space<vmem>> -> memref<128xi32, #tpu.memory_space<vmem>>
    %dma_start3A_56 = arith.constant 0 : i32
    %dma_start3A_57 = arith.constant 0 : i32
    %dma_start3A_58 = tpu.memref_slice %arg14[%dma_start3A_56, %dma_start3A_57] : memref<10000x64xf32, #tpu.memory_space<vmem_shared>> -> memref<10000x64xf32, #tpu.memory_space<vmem_shared>>
    tpu.enqueue_indirect_dma source(%dma_start3A_58 : memref<10000x64xf32, #tpu.memory_space<vmem_shared>>) target(%arg9 : memref<128x64xf32, #tpu.memory_space<vmem>>) offsets(%dma_start3A_55 : memref<128xi32, #tpu.memory_space<vmem>>) semaphore(%arg15 : memref<!tpu.dma_semaphore, #tpu.memory_space<semaphore_mem>>)
    %dma_start3A_59 = arith.constant 1 : i32
    %dma_start3A_60 = arith.constant 0 : i32
    %dma_start3A_61 = tpu.memref_slice %arg7[%dma_start3A_59, %dma_start3A_60] : memref<40x128xi32, #tpu.memory_space<vmem>> -> memref<1x128xi32, #tpu.memory_space<vmem>>
    %dma_start3A_62 = tpu.memref_squeeze %dma_start3A_61 : memref<1x128xi32, #tpu.memory_space<vmem>> -> memref<128xi32, #tpu.memory_space<vmem>>
    %dma_start3A_63 = arith.constant 0 : i32
    %dma_start3A_64 = arith.constant 0 : i32
    %dma_start3A_65 = tpu.memref_slice %arg14[%dma_start3A_63, %dma_start3A_64] : memref<10000x64xf32, #tpu.memory_space<vmem_shared>> -> memref<10000x64xf32, #tpu.memory_space<vmem_shared>>
    tpu.enqueue_indirect_dma source(%dma_start3A_65 : memref<10000x64xf32, #tpu.memory_space<vmem_shared>>) target(%arg10 : memref<128x64xf32, #tpu.memory_space<vmem>>) offsets(%dma_start3A_62 : memref<128xi32, #tpu.memory_space<vmem>>) semaphore(%arg16 : memref<!tpu.dma_semaphore, #tpu.memory_space<semaphore_mem>>)
    %dma_start3A_66 = arith.constant 2 : i32
    %dma_start3A_67 = arith.constant 0 : i32
    %dma_start3A_68 = tpu.memref_slice %arg7[%dma_start3A_66, %dma_start3A_67] : memref<40x128xi32, #tpu.memory_space<vmem>> -> memref<1x128xi32, #tpu.memory_space<vmem>>
    %dma_start3A_69 = tpu.memref_squeeze %dma_start3A_68 : memref<1x128xi32, #tpu.memory_space<vmem>> -> memref<128xi32, #tpu.memory_space<vmem>>
    %dma_start3A_70 = arith.constant 0 : i32
    %dma_start3A_71 = arith.constant 0 : i32
    %dma_start3A_72 = tpu.memref_slice %arg14[%dma_start3A_70, %dma_start3A_71] : memref<10000x64xf32, #tpu.memory_space<vmem_shared>> -> memref<10000x64xf32, #tpu.memory_space<vmem_shared>>
    tpu.enqueue_indirect_dma source(%dma_start3A_72 : memref<10000x64xf32, #tpu.memory_space<vmem_shared>>) target(%arg11 : memref<128x64xf32, #tpu.memory_space<vmem>>) offsets(%dma_start3A_69 : memref<128xi32, #tpu.memory_space<vmem>>) semaphore(%arg17 : memref<!tpu.dma_semaphore, #tpu.memory_space<semaphore_mem>>)
    %dma_start3A_73 = arith.constant 3 : i32
    %dma_start3A_74 = arith.constant 0 : i32
    %dma_start3A_75 = tpu.memref_slice %arg7[%dma_start3A_73, %dma_start3A_74] : memref<40x128xi32, #tpu.memory_space<vmem>> -> memref<1x128xi32, #tpu.memory_space<vmem>>
    %dma_start3A_76 = tpu.memref_squeeze %dma_start3A_75 : memref<1x128xi32, #tpu.memory_space<vmem>> -> memref<128xi32, #tpu.memory_space<vmem>>
    %dma_start3A_77 = arith.constant 0 : i32
    %dma_start3A_78 = arith.constant 0 : i32
    %dma_start3A_79 = tpu.memref_slice %arg14[%dma_start3A_77, %dma_start3A_78] : memref<10000x64xf32, #tpu.memory_space<vmem_shared>> -> memref<10000x64xf32, #tpu.memory_space<vmem_shared>>
    tpu.enqueue_indirect_dma source(%dma_start3A_79 : memref<10000x64xf32, #tpu.memory_space<vmem_shared>>) target(%arg12 : memref<128x64xf32, #tpu.memory_space<vmem>>) offsets(%dma_start3A_76 : memref<128xi32, #tpu.memory_space<vmem>>) semaphore(%arg18 : memref<!tpu.dma_semaphore, #tpu.memory_space<semaphore_mem>>)
    %scan3A_80 = arith.constant 0 : i32
    %scan3A_81 = arith.constant 0 : i32
    %scan3A_82 = arith.constant 10 : i32
    %scan3A_83 = arith.addi %scan3A_81, %scan3A_82 : i32
    %scan3A_84 = arith.constant 1 : i32
    scf.for %scan3A_310 = %scan3A_81 to %scan3A_83 step %scan3A_84  : i32 {
      %mul3A_311 = arith.constant 4 : i32
      %mul3A_312 = arith.muli %scan3A_310, %mul3A_311 : i32
      %dma_wait3A_313 = arith.constant 0 : i32
      %dma_wait3A_314 = arith.constant 0 : i32
      %dma_wait3A_315 = tpu.memref_slice %arg7[%dma_wait3A_313, %dma_wait3A_314] : memref<40x128xi32, #tpu.memory_space<vmem>> -> memref<1x128xi32, #tpu.memory_space<vmem>>
      %dma_wait3A_316 = tpu.memref_squeeze %dma_wait3A_315 : memref<1x128xi32, #tpu.memory_space<vmem>> -> memref<128xi32, #tpu.memory_space<vmem>>
      %dma_wait3A_317 = arith.constant 0 : i32
      %dma_wait3A_318 = arith.constant 0 : i32
      %dma_wait3A_319 = tpu.memref_slice %arg14[%dma_wait3A_317, %dma_wait3A_318] : memref<10000x64xf32, #tpu.memory_space<vmem_shared>> -> memref<10000x64xf32, #tpu.memory_space<vmem_shared>>
      tpu.wait_indirect_dma semaphore(%arg15 : memref<!tpu.dma_semaphore, #tpu.memory_space<semaphore_mem>>) src(%dma_wait3A_319 : memref<10000x64xf32, #tpu.memory_space<vmem_shared>>) dst(%arg9 : memref<128x64xf32, #tpu.memory_space<vmem>>)
      %add3A_320 = arith.constant 0 : i32
      %add3A_321 = arith.addi %mul3A_312, %add3A_320 : i32
      %dma_start3A_322 = arith.constant 0 : i32
      %dma_start3A_323 = tpu.memref_slice %arg8[%add3A_321, %dma_start3A_322] : memref<40x128xi32, #tpu.memory_space<vmem>> -> memref<1x128xi32, #tpu.memory_space<vmem>>
      %dma_start3A_324 = tpu.memref_squeeze %dma_start3A_323 : memref<1x128xi32, #tpu.memory_space<vmem>> -> memref<128xi32, #tpu.memory_space<vmem>>
      %dma_start3A_325 = arith.constant 0 : i32
      %dma_start3A_326 = arith.constant 0 : i32
      %dma_start3A_327 = tpu.memref_slice %arg13[%dma_start3A_325, %dma_start3A_326] : memref<10240x64xf32, #tpu.memory_space<vmem_shared>> -> memref<10240x64xf32, #tpu.memory_space<vmem_shared>>
      tpu.enqueue_indirect_dma source(%arg9 : memref<128x64xf32, #tpu.memory_space<vmem>>) target(%dma_start3A_327 : memref<10240x64xf32, #tpu.memory_space<vmem_shared>>) offsets(%dma_start3A_324 : memref<128xi32, #tpu.memory_space<vmem>>) semaphore(%arg19 : memref<!tpu.dma_semaphore, #tpu.memory_space<semaphore_mem>>) {add = true}
      %dma_wait3A_328 = arith.constant 0 : i32
      %dma_wait3A_329 = arith.constant 0 : i32
      %dma_wait3A_330 = tpu.memref_slice %arg7[%dma_wait3A_328, %dma_wait3A_329] : memref<40x128xi32, #tpu.memory_space<vmem>> -> memref<1x128xi32, #tpu.memory_space<vmem>>
      %dma_wait3A_331 = tpu.memref_squeeze %dma_wait3A_330 : memref<1x128xi32, #tpu.memory_space<vmem>> -> memref<128xi32, #tpu.memory_space<vmem>>
      %dma_wait3A_332 = arith.constant 0 : i32
      %dma_wait3A_333 = arith.constant 0 : i32
      %dma_wait3A_334 = tpu.memref_slice %arg14[%dma_wait3A_332, %dma_wait3A_333] : memref<10000x64xf32, #tpu.memory_space<vmem_shared>> -> memref<10000x64xf32, #tpu.memory_space<vmem_shared>>
      tpu.wait_indirect_dma semaphore(%arg16 : memref<!tpu.dma_semaphore, #tpu.memory_space<semaphore_mem>>) src(%dma_wait3A_334 : memref<10000x64xf32, #tpu.memory_space<vmem_shared>>) dst(%arg10 : memref<128x64xf32, #tpu.memory_space<vmem>>)
      %add3A_335 = arith.constant 1 : i32
      %add3A_336 = arith.addi %mul3A_312, %add3A_335 : i32
      %dma_start3A_337 = arith.constant 0 : i32
      %dma_start3A_338 = tpu.memref_slice %arg8[%add3A_336, %dma_start3A_337] : memref<40x128xi32, #tpu.memory_space<vmem>> -> memref<1x128xi32, #tpu.memory_space<vmem>>
      %dma_start3A_339 = tpu.memref_squeeze %dma_start3A_338 : memref<1x128xi32, #tpu.memory_space<vmem>> -> memref<128xi32, #tpu.memory_space<vmem>>
      %dma_start3A_340 = arith.constant 0 : i32
      %dma_start3A_341 = arith.constant 0 : i32
      %dma_start3A_342 = tpu.memref_slice %arg13[%dma_start3A_340, %dma_start3A_341] : memref<10240x64xf32, #tpu.memory_space<vmem_shared>> -> memref<10240x64xf32, #tpu.memory_space<vmem_shared>>
      tpu.enqueue_indirect_dma source(%arg10 : memref<128x64xf32, #tpu.memory_space<vmem>>) target(%dma_start3A_342 : memref<10240x64xf32, #tpu.memory_space<vmem_shared>>) offsets(%dma_start3A_339 : memref<128xi32, #tpu.memory_space<vmem>>) semaphore(%arg20 : memref<!tpu.dma_semaphore, #tpu.memory_space<semaphore_mem>>) {add = true}
      %dma_wait3A_343 = arith.constant 0 : i32
      %dma_wait3A_344 = arith.constant 0 : i32
      %dma_wait3A_345 = tpu.memref_slice %arg7[%dma_wait3A_343, %dma_wait3A_344] : memref<40x128xi32, #tpu.memory_space<vmem>> -> memref<1x128xi32, #tpu.memory_space<vmem>>
      %dma_wait3A_346 = tpu.memref_squeeze %dma_wait3A_345 : memref<1x128xi32, #tpu.memory_space<vmem>> -> memref<128xi32, #tpu.memory_space<vmem>>
      %dma_wait3A_347 = arith.constant 0 : i32
      %dma_wait3A_348 = arith.constant 0 : i32
      %dma_wait3A_349 = tpu.memref_slice %arg14[%dma_wait3A_347, %dma_wait3A_348] : memref<10000x64xf32, #tpu.memory_space<vmem_shared>> -> memref<10000x64xf32, #tpu.memory_space<vmem_shared>>
      tpu.wait_indirect_dma semaphore(%arg17 : memref<!tpu.dma_semaphore, #tpu.memory_space<semaphore_mem>>) src(%dma_wait3A_349 : memref<10000x64xf32, #tpu.memory_space<vmem_shared>>) dst(%arg11 : memref<128x64xf32, #tpu.memory_space<vmem>>)
      %add3A_350 = arith.constant 2 : i32
      %add3A_351 = arith.addi %mul3A_312, %add3A_350 : i32
      %dma_start3A_352 = arith.constant 0 : i32
      %dma_start3A_353 = tpu.memref_slice %arg8[%add3A_351, %dma_start3A_352] : memref<40x128xi32, #tpu.memory_space<vmem>> -> memref<1x128xi32, #tpu.memory_space<vmem>>
      %dma_start3A_354 = tpu.memref_squeeze %dma_start3A_353 : memref<1x128xi32, #tpu.memory_space<vmem>> -> memref<128xi32, #tpu.memory_space<vmem>>
      %dma_start3A_355 = arith.constant 0 : i32
      %dma_start3A_356 = arith.constant 0 : i32
      %dma_start3A_357 = tpu.memref_slice %arg13[%dma_start3A_355, %dma_start3A_356] : memref<10240x64xf32, #tpu.memory_space<vmem_shared>> -> memref<10240x64xf32, #tpu.memory_space<vmem_shared>>
      tpu.enqueue_indirect_dma source(%arg11 : memref<128x64xf32, #tpu.memory_space<vmem>>) target(%dma_start3A_357 : memref<10240x64xf32, #tpu.memory_space<vmem_shared>>) offsets(%dma_start3A_354 : memref<128xi32, #tpu.memory_space<vmem>>) semaphore(%arg21 : memref<!tpu.dma_semaphore, #tpu.memory_space<semaphore_mem>>) {add = true}
      %dma_wait3A_358 = arith.constant 0 : i32
      %dma_wait3A_359 = arith.constant 0 : i32
      %dma_wait3A_360 = tpu.memref_slice %arg7[%dma_wait3A_358, %dma_wait3A_359] : memref<40x128xi32, #tpu.memory_space<vmem>> -> memref<1x128xi32, #tpu.memory_space<vmem>>
      %dma_wait3A_361 = tpu.memref_squeeze %dma_wait3A_360 : memref<1x128xi32, #tpu.memory_space<vmem>> -> memref<128xi32, #tpu.memory_space<vmem>>
      %dma_wait3A_362 = arith.constant 0 : i32
      %dma_wait3A_363 = arith.constant 0 : i32
      %dma_wait3A_364 = tpu.memref_slice %arg14[%dma_wait3A_362, %dma_wait3A_363] : memref<10000x64xf32, #tpu.memory_space<vmem_shared>> -> memref<10000x64xf32, #tpu.memory_space<vmem_shared>>
      tpu.wait_indirect_dma semaphore(%arg18 : memref<!tpu.dma_semaphore, #tpu.memory_space<semaphore_mem>>) src(%dma_wait3A_364 : memref<10000x64xf32, #tpu.memory_space<vmem_shared>>) dst(%arg12 : memref<128x64xf32, #tpu.memory_space<vmem>>)
      %add3A_365 = arith.constant 3 : i32
      %add3A_366 = arith.addi %mul3A_312, %add3A_365 : i32
      %dma_start3A_367 = arith.constant 0 : i32
      %dma_start3A_368 = tpu.memref_slice %arg8[%add3A_366, %dma_start3A_367] : memref<40x128xi32, #tpu.memory_space<vmem>> -> memref<1x128xi32, #tpu.memory_space<vmem>>
      %dma_start3A_369 = tpu.memref_squeeze %dma_start3A_368 : memref<1x128xi32, #tpu.memory_space<vmem>> -> memref<128xi32, #tpu.memory_space<vmem>>
      %dma_start3A_370 = arith.constant 0 : i32
      %dma_start3A_371 = arith.constant 0 : i32
      %dma_start3A_372 = tpu.memref_slice %arg13[%dma_start3A_370, %dma_start3A_371] : memref<10240x64xf32, #tpu.memory_space<vmem_shared>> -> memref<10240x64xf32, #tpu.memory_space<vmem_shared>>
      tpu.enqueue_indirect_dma source(%arg12 : memref<128x64xf32, #tpu.memory_space<vmem>>) target(%dma_start3A_372 : memref<10240x64xf32, #tpu.memory_space<vmem_shared>>) offsets(%dma_start3A_369 : memref<128xi32, #tpu.memory_space<vmem>>) semaphore(%arg22 : memref<!tpu.dma_semaphore, #tpu.memory_space<semaphore_mem>>) {add = true}
      %dma_wait3A_373 = arith.constant 0 : i32
      %dma_wait3A_374 = arith.constant 0 : i32
      %dma_wait3A_375 = tpu.memref_slice %arg6[%arg0, %dma_wait3A_373, %dma_wait3A_374] : memref<2x10240x64xf32, #tpu.memory_space<hbm>> -> memref<1x128x64xf32, #tpu.memory_space<hbm>>
      %dma_wait3A_376 = tpu.memref_squeeze %dma_wait3A_375 : memref<1x128x64xf32, #tpu.memory_space<hbm>> -> memref<128x64xf32, #tpu.memory_space<hbm>>
      %dma_wait3A_377 = arith.constant 0 : i32
      %dma_wait3A_378 = arith.constant 0 : i32
      %dma_wait3A_379 = tpu.memref_slice %arg6[%arg0, %dma_wait3A_377, %dma_wait3A_378] : memref<2x10240x64xf32, #tpu.memory_space<hbm>> -> memref<1x128x64xf32, #tpu.memory_space<hbm>>
      %dma_wait3A_380 = tpu.memref_squeeze %dma_wait3A_379 : memref<1x128x64xf32, #tpu.memory_space<hbm>> -> memref<128x64xf32, #tpu.memory_space<hbm>>
      tpu.wait_dma2 semaphore(%arg19 : memref<!tpu.dma_semaphore, #tpu.memory_space<semaphore_mem>>) src(%arg9 : memref<128x64xf32, #tpu.memory_space<vmem>>) dst(%dma_wait3A_380 : memref<128x64xf32, #tpu.memory_space<hbm>>)
      %lt3A = arith.constant 9 : i32
      %lt3A_381 = arith.cmpi slt, %scan3A_310, %lt3A : i32
      %convert_element_type3A = arith.extui %lt3A_381 : i1 to i32
      %cond3A = arith.constant 0 : i32
      %cond3A_382 = arith.cmpi ne, %convert_element_type3A, %cond3A : i32
      scf.if %cond3A_382 {
        %add3A_422 = arith.constant 4 : i32
        %add3A_423 = arith.addi %mul3A_312, %add3A_422 : i32
        %add3A_424 = arith.constant 0 : i32
        %add3A_425 = arith.addi %add3A_423, %add3A_424 : i32
        %dma_start3A_426 = arith.constant 0 : i32
        %dma_start3A_427 = tpu.memref_slice %arg7[%add3A_425, %dma_start3A_426] : memref<40x128xi32, #tpu.memory_space<vmem>> -> memref<1x128xi32, #tpu.memory_space<vmem>>
        %dma_start3A_428 = tpu.memref_squeeze %dma_start3A_427 : memref<1x128xi32, #tpu.memory_space<vmem>> -> memref<128xi32, #tpu.memory_space<vmem>>
        %dma_start3A_429 = arith.constant 0 : i32
        %dma_start3A_430 = arith.constant 0 : i32
        %dma_start3A_431 = tpu.memref_slice %arg14[%dma_start3A_429, %dma_start3A_430] : memref<10000x64xf32, #tpu.memory_space<vmem_shared>> -> memref<10000x64xf32, #tpu.memory_space<vmem_shared>>
        tpu.enqueue_indirect_dma source(%dma_start3A_431 : memref<10000x64xf32, #tpu.memory_space<vmem_shared>>) target(%arg9 : memref<128x64xf32, #tpu.memory_space<vmem>>) offsets(%dma_start3A_428 : memref<128xi32, #tpu.memory_space<vmem>>) semaphore(%arg15 : memref<!tpu.dma_semaphore, #tpu.memory_space<semaphore_mem>>)
      } else {
      }
      %dma_wait3A_383 = arith.constant 0 : i32
      %dma_wait3A_384 = arith.constant 0 : i32
      %dma_wait3A_385 = tpu.memref_slice %arg6[%arg0, %dma_wait3A_383, %dma_wait3A_384] : memref<2x10240x64xf32, #tpu.memory_space<hbm>> -> memref<1x128x64xf32, #tpu.memory_space<hbm>>
      %dma_wait3A_386 = tpu.memref_squeeze %dma_wait3A_385 : memref<1x128x64xf32, #tpu.memory_space<hbm>> -> memref<128x64xf32, #tpu.memory_space<hbm>>
      %dma_wait3A_387 = arith.constant 0 : i32
      %dma_wait3A_388 = arith.constant 0 : i32
      %dma_wait3A_389 = tpu.memref_slice %arg6[%arg0, %dma_wait3A_387, %dma_wait3A_388] : memref<2x10240x64xf32, #tpu.memory_space<hbm>> -> memref<1x128x64xf32, #tpu.memory_space<hbm>>
      %dma_wait3A_390 = tpu.memref_squeeze %dma_wait3A_389 : memref<1x128x64xf32, #tpu.memory_space<hbm>> -> memref<128x64xf32, #tpu.memory_space<hbm>>
      tpu.wait_dma2 semaphore(%arg20 : memref<!tpu.dma_semaphore, #tpu.memory_space<semaphore_mem>>) src(%arg10 : memref<128x64xf32, #tpu.memory_space<vmem>>) dst(%dma_wait3A_390 : memref<128x64xf32, #tpu.memory_space<hbm>>)
      %lt3A_391 = arith.constant 9 : i32
      %lt3A_392 = arith.cmpi slt, %scan3A_310, %lt3A_391 : i32
      %convert_element_type3A_393 = arith.extui %lt3A_392 : i1 to i32
      %cond3A_394 = arith.constant 0 : i32
      %cond3A_395 = arith.cmpi ne, %convert_element_type3A_393, %cond3A_394 : i32
      scf.if %cond3A_395 {
        %add3A_422 = arith.constant 4 : i32
        %add3A_423 = arith.addi %mul3A_312, %add3A_422 : i32
        %add3A_424 = arith.constant 1 : i32
        %add3A_425 = arith.addi %add3A_423, %add3A_424 : i32
        %dma_start3A_426 = arith.constant 0 : i32
        %dma_start3A_427 = tpu.memref_slice %arg7[%add3A_425, %dma_start3A_426] : memref<40x128xi32, #tpu.memory_space<vmem>> -> memref<1x128xi32, #tpu.memory_space<vmem>>
        %dma_start3A_428 = tpu.memref_squeeze %dma_start3A_427 : memref<1x128xi32, #tpu.memory_space<vmem>> -> memref<128xi32, #tpu.memory_space<vmem>>
        %dma_start3A_429 = arith.constant 0 : i32
        %dma_start3A_430 = arith.constant 0 : i32
        %dma_start3A_431 = tpu.memref_slice %arg14[%dma_start3A_429, %dma_start3A_430] : memref<10000x64xf32, #tpu.memory_space<vmem_shared>> -> memref<10000x64xf32, #tpu.memory_space<vmem_shared>>
        tpu.enqueue_indirect_dma source(%dma_start3A_431 : memref<10000x64xf32, #tpu.memory_space<vmem_shared>>) target(%arg10 : memref<128x64xf32, #tpu.memory_space<vmem>>) offsets(%dma_start3A_428 : memref<128xi32, #tpu.memory_space<vmem>>) semaphore(%arg16 : memref<!tpu.dma_semaphore, #tpu.memory_space<semaphore_mem>>)
      } else {
      }
      %dma_wait3A_396 = arith.constant 0 : i32
      %dma_wait3A_397 = arith.constant 0 : i32
      %dma_wait3A_398 = tpu.memref_slice %arg6[%arg0, %dma_wait3A_396, %dma_wait3A_397] : memref<2x10240x64xf32, #tpu.memory_space<hbm>> -> memref<1x128x64xf32, #tpu.memory_space<hbm>>
      %dma_wait3A_399 = tpu.memref_squeeze %dma_wait3A_398 : memref<1x128x64xf32, #tpu.memory_space<hbm>> -> memref<128x64xf32, #tpu.memory_space<hbm>>
      %dma_wait3A_400 = arith.constant 0 : i32
      %dma_wait3A_401 = arith.constant 0 : i32
      %dma_wait3A_402 = tpu.memref_slice %arg6[%arg0, %dma_wait3A_400, %dma_wait3A_401] : memref<2x10240x64xf32, #tpu.memory_space<hbm>> -> memref<1x128x64xf32, #tpu.memory_space<hbm>>
      %dma_wait3A_403 = tpu.memref_squeeze %dma_wait3A_402 : memref<1x128x64xf32, #tpu.memory_space<hbm>> -> memref<128x64xf32, #tpu.memory_space<hbm>>
      tpu.wait_dma2 semaphore(%arg21 : memref<!tpu.dma_semaphore, #tpu.memory_space<semaphore_mem>>) src(%arg11 : memref<128x64xf32, #tpu.memory_space<vmem>>) dst(%dma_wait3A_403 : memref<128x64xf32, #tpu.memory_space<hbm>>)
      %lt3A_404 = arith.constant 9 : i32
      %lt3A_405 = arith.cmpi slt, %scan3A_310, %lt3A_404 : i32
      %convert_element_type3A_406 = arith.extui %lt3A_405 : i1 to i32
      %cond3A_407 = arith.constant 0 : i32
      %cond3A_408 = arith.cmpi ne, %convert_element_type3A_406, %cond3A_407 : i32
      scf.if %cond3A_408 {
        %add3A_422 = arith.constant 4 : i32
        %add3A_423 = arith.addi %mul3A_312, %add3A_422 : i32
        %add3A_424 = arith.constant 2 : i32
        %add3A_425 = arith.addi %add3A_423, %add3A_424 : i32
        %dma_start3A_426 = arith.constant 0 : i32
        %dma_start3A_427 = tpu.memref_slice %arg7[%add3A_425, %dma_start3A_426] : memref<40x128xi32, #tpu.memory_space<vmem>> -> memref<1x128xi32, #tpu.memory_space<vmem>>
        %dma_start3A_428 = tpu.memref_squeeze %dma_start3A_427 : memref<1x128xi32, #tpu.memory_space<vmem>> -> memref<128xi32, #tpu.memory_space<vmem>>
        %dma_start3A_429 = arith.constant 0 : i32
        %dma_start3A_430 = arith.constant 0 : i32
        %dma_start3A_431 = tpu.memref_slice %arg14[%dma_start3A_429, %dma_start3A_430] : memref<10000x64xf32, #tpu.memory_space<vmem_shared>> -> memref<10000x64xf32, #tpu.memory_space<vmem_shared>>
        tpu.enqueue_indirect_dma source(%dma_start3A_431 : memref<10000x64xf32, #tpu.memory_space<vmem_shared>>) target(%arg11 : memref<128x64xf32, #tpu.memory_space<vmem>>) offsets(%dma_start3A_428 : memref<128xi32, #tpu.memory_space<vmem>>) semaphore(%arg17 : memref<!tpu.dma_semaphore, #tpu.memory_space<semaphore_mem>>)
      } else {
      }
      %dma_wait3A_409 = arith.constant 0 : i32
      %dma_wait3A_410 = arith.constant 0 : i32
      %dma_wait3A_411 = tpu.memref_slice %arg6[%arg0, %dma_wait3A_409, %dma_wait3A_410] : memref<2x10240x64xf32, #tpu.memory_space<hbm>> -> memref<1x128x64xf32, #tpu.memory_space<hbm>>
      %dma_wait3A_412 = tpu.memref_squeeze %dma_wait3A_411 : memref<1x128x64xf32, #tpu.memory_space<hbm>> -> memref<128x64xf32, #tpu.memory_space<hbm>>
      %dma_wait3A_413 = arith.constant 0 : i32
      %dma_wait3A_414 = arith.constant 0 : i32
      %dma_wait3A_415 = tpu.memref_slice %arg6[%arg0, %dma_wait3A_413, %dma_wait3A_414] : memref<2x10240x64xf32, #tpu.memory_space<hbm>> -> memref<1x128x64xf32, #tpu.memory_space<hbm>>
      %dma_wait3A_416 = tpu.memref_squeeze %dma_wait3A_415 : memref<1x128x64xf32, #tpu.memory_space<hbm>> -> memref<128x64xf32, #tpu.memory_space<hbm>>
      tpu.wait_dma2 semaphore(%arg22 : memref<!tpu.dma_semaphore, #tpu.memory_space<semaphore_mem>>) src(%arg12 : memref<128x64xf32, #tpu.memory_space<vmem>>) dst(%dma_wait3A_416 : memref<128x64xf32, #tpu.memory_space<hbm>>)
      %lt3A_417 = arith.constant 9 : i32
      %lt3A_418 = arith.cmpi slt, %scan3A_310, %lt3A_417 : i32
      %convert_element_type3A_419 = arith.extui %lt3A_418 : i1 to i32
      %cond3A_420 = arith.constant 0 : i32
      %cond3A_421 = arith.cmpi ne, %convert_element_type3A_419, %cond3A_420 : i32
      scf.if %cond3A_421 {
        %add3A_422 = arith.constant 4 : i32
        %add3A_423 = arith.addi %mul3A_312, %add3A_422 : i32
        %add3A_424 = arith.constant 3 : i32
        %add3A_425 = arith.addi %add3A_423, %add3A_424 : i32
        %dma_start3A_426 = arith.constant 0 : i32
        %dma_start3A_427 = tpu.memref_slice %arg7[%add3A_425, %dma_start3A_426] : memref<40x128xi32, #tpu.memory_space<vmem>> -> memref<1x128xi32, #tpu.memory_space<vmem>>
        %dma_start3A_428 = tpu.memref_squeeze %dma_start3A_427 : memref<1x128xi32, #tpu.memory_space<vmem>> -> memref<128xi32, #tpu.memory_space<vmem>>
        %dma_start3A_429 = arith.constant 0 : i32
        %dma_start3A_430 = arith.constant 0 : i32
        %dma_start3A_431 = tpu.memref_slice %arg14[%dma_start3A_429, %dma_start3A_430] : memref<10000x64xf32, #tpu.memory_space<vmem_shared>> -> memref<10000x64xf32, #tpu.memory_space<vmem_shared>>
        tpu.enqueue_indirect_dma source(%dma_start3A_431 : memref<10000x64xf32, #tpu.memory_space<vmem_shared>>) target(%arg12 : memref<128x64xf32, #tpu.memory_space<vmem>>) offsets(%dma_start3A_428 : memref<128xi32, #tpu.memory_space<vmem>>) semaphore(%arg18 : memref<!tpu.dma_semaphore, #tpu.memory_space<semaphore_mem>>)
      } else {
      }
    }
    %scan3A_85 = arith.constant 10 : i32
    %mul3A_86 = arith.constant 160 : i32
    %mul3A_87 = arith.muli %arg1, %mul3A_86 : i32
    %add3A_88 = arith.constant 80 : i32
    %add3A_89 = arith.addi %mul3A_87, %add3A_88 : i32
    "tpu.region"() ({
      %run_scoped3A = tpu.sem_alloc : memref<!tpu.dma_semaphore, #tpu.memory_space<semaphore_mem>>
      %dma_start3A_310 = arith.constant 0 : i32
      %dma_start3A_311 = tpu.memref_slice %arg2[%add3A_89, %dma_start3A_310] : memref<2560x128xi32, #tpu.memory_space<hbm>> -> memref<40x128xi32, #tpu.memory_space<hbm>>
      %dma_start3A_312 = arith.constant 0 : i32
      %dma_start3A_313 = tpu.memref_slice %arg2[%add3A_89, %dma_start3A_312] : memref<2560x128xi32, #tpu.memory_space<hbm>> -> memref<40x128xi32, #tpu.memory_space<hbm>>
      tpu.enqueue_dma source(%dma_start3A_313 : memref<40x128xi32, #tpu.memory_space<hbm>>) target(%arg7 : memref<40x128xi32, #tpu.memory_space<vmem>>) target_semaphore(%run_scoped3A : memref<!tpu.dma_semaphore, #tpu.memory_space<semaphore_mem>>)
      %dma_wait3A_314 = arith.constant 0 : i32
      %dma_wait3A_315 = tpu.memref_slice %arg2[%add3A_89, %dma_wait3A_314] : memref<2560x128xi32, #tpu.memory_space<hbm>> -> memref<40x128xi32, #tpu.memory_space<hbm>>
      %dma_wait3A_316 = arith.constant 0 : i32
      %dma_wait3A_317 = tpu.memref_slice %arg2[%add3A_89, %dma_wait3A_316] : memref<2560x128xi32, #tpu.memory_space<hbm>> -> memref<40x128xi32, #tpu.memory_space<hbm>>
      tpu.wait_dma2 semaphore(%run_scoped3A : memref<!tpu.dma_semaphore, #tpu.memory_space<semaphore_mem>>) src(%dma_wait3A_317 : memref<40x128xi32, #tpu.memory_space<hbm>>) dst(%arg7 : memref<40x128xi32, #tpu.memory_space<vmem>>)
      tpu.yield
    }) : () -> ()
    %mul3A_90 = arith.constant 160 : i32
    %mul3A_91 = arith.muli %arg1, %mul3A_90 : i32
    %add3A_92 = arith.constant 80 : i32
    %add3A_93 = arith.addi %mul3A_91, %add3A_92 : i32
    "tpu.region"() ({
      %run_scoped3A = tpu.sem_alloc : memref<!tpu.dma_semaphore, #tpu.memory_space<semaphore_mem>>
      %dma_start3A_310 = arith.constant 0 : i32
      %dma_start3A_311 = tpu.memref_slice %arg3[%add3A_93, %dma_start3A_310] : memref<2560x128xi32, #tpu.memory_space<hbm>> -> memref<40x128xi32, #tpu.memory_space<hbm>>
      %dma_start3A_312 = arith.constant 0 : i32
      %dma_start3A_313 = tpu.memref_slice %arg3[%add3A_93, %dma_start3A_312] : memref<2560x128xi32, #tpu.memory_space<hbm>> -> memref<40x128xi32, #tpu.memory_space<hbm>>
      tpu.enqueue_dma source(%dma_start3A_313 : memref<40x128xi32, #tpu.memory_space<hbm>>) target(%arg8 : memref<40x128xi32, #tpu.memory_space<vmem>>) target_semaphore(%run_scoped3A : memref<!tpu.dma_semaphore, #tpu.memory_space<semaphore_mem>>)
      %dma_wait3A_314 = arith.constant 0 : i32
      %dma_wait3A_315 = tpu.memref_slice %arg3[%add3A_93, %dma_wait3A_314] : memref<2560x128xi32, #tpu.memory_space<hbm>> -> memref<40x128xi32, #tpu.memory_space<hbm>>
      %dma_wait3A_316 = arith.constant 0 : i32
      %dma_wait3A_317 = tpu.memref_slice %arg3[%add3A_93, %dma_wait3A_316] : memref<2560x128xi32, #tpu.memory_space<hbm>> -> memref<40x128xi32, #tpu.memory_space<hbm>>
      tpu.wait_dma2 semaphore(%run_scoped3A : memref<!tpu.dma_semaphore, #tpu.memory_space<semaphore_mem>>) src(%dma_wait3A_317 : memref<40x128xi32, #tpu.memory_space<hbm>>) dst(%arg8 : memref<40x128xi32, #tpu.memory_space<vmem>>)
      tpu.yield
    }) : () -> ()
    %dma_start3A_94 = arith.constant 0 : i32
    %dma_start3A_95 = arith.constant 0 : i32
    %dma_start3A_96 = tpu.memref_slice %arg7[%dma_start3A_94, %dma_start3A_95] : memref<40x128xi32, #tpu.memory_space<vmem>> -> memref<1x128xi32, #tpu.memory_space<vmem>>
    %dma_start3A_97 = tpu.memref_squeeze %dma_start3A_96 : memref<1x128xi32, #tpu.memory_space<vmem>> -> memref<128xi32, #tpu.memory_space<vmem>>
    %dma_start3A_98 = arith.constant 0 : i32
    %dma_start3A_99 = arith.constant 0 : i32
    %dma_start3A_100 = tpu.memref_slice %arg14[%dma_start3A_98, %dma_start3A_99] : memref<10000x64xf32, #tpu.memory_space<vmem_shared>> -> memref<10000x64xf32, #tpu.memory_space<vmem_shared>>
    tpu.enqueue_indirect_dma source(%dma_start3A_100 : memref<10000x64xf32, #tpu.memory_space<vmem_shared>>) target(%arg9 : memref<128x64xf32, #tpu.memory_space<vmem>>) offsets(%dma_start3A_97 : memref<128xi32, #tpu.memory_space<vmem>>) semaphore(%arg15 : memref<!tpu.dma_semaphore, #tpu.memory_space<semaphore_mem>>)
    %dma_start3A_101 = arith.constant 1 : i32
    %dma_start3A_102 = arith.constant 0 : i32
    %dma_start3A_103 = tpu.memref_slice %arg7[%dma_start3A_101, %dma_start3A_102] : memref<40x128xi32, #tpu.memory_space<vmem>> -> memref<1x128xi32, #tpu.memory_space<vmem>>
    %dma_start3A_104 = tpu.memref_squeeze %dma_start3A_103 : memref<1x128xi32, #tpu.memory_space<vmem>> -> memref<128xi32, #tpu.memory_space<vmem>>
    %dma_start3A_105 = arith.constant 0 : i32
    %dma_start3A_106 = arith.constant 0 : i32
    %dma_start3A_107 = tpu.memref_slice %arg14[%dma_start3A_105, %dma_start3A_106] : memref<10000x64xf32, #tpu.memory_space<vmem_shared>> -> memref<10000x64xf32, #tpu.memory_space<vmem_shared>>
    tpu.enqueue_indirect_dma source(%dma_start3A_107 : memref<10000x64xf32, #tpu.memory_space<vmem_shared>>) target(%arg10 : memref<128x64xf32, #tpu.memory_space<vmem>>) offsets(%dma_start3A_104 : memref<128xi32, #tpu.memory_space<vmem>>) semaphore(%arg16 : memref<!tpu.dma_semaphore, #tpu.memory_space<semaphore_mem>>)
    %dma_start3A_108 = arith.constant 2 : i32
    %dma_start3A_109 = arith.constant 0 : i32
    %dma_start3A_110 = tpu.memref_slice %arg7[%dma_start3A_108, %dma_start3A_109] : memref<40x128xi32, #tpu.memory_space<vmem>> -> memref<1x128xi32, #tpu.memory_space<vmem>>
    %dma_start3A_111 = tpu.memref_squeeze %dma_start3A_110 : memref<1x128xi32, #tpu.memory_space<vmem>> -> memref<128xi32, #tpu.memory_space<vmem>>
    %dma_start3A_112 = arith.constant 0 : i32
    %dma_start3A_113 = arith.constant 0 : i32
    %dma_start3A_114 = tpu.memref_slice %arg14[%dma_start3A_112, %dma_start3A_113] : memref<10000x64xf32, #tpu.memory_space<vmem_shared>> -> memref<10000x64xf32, #tpu.memory_space<vmem_shared>>
    tpu.enqueue_indirect_dma source(%dma_start3A_114 : memref<10000x64xf32, #tpu.memory_space<vmem_shared>>) target(%arg11 : memref<128x64xf32, #tpu.memory_space<vmem>>) offsets(%dma_start3A_111 : memref<128xi32, #tpu.memory_space<vmem>>) semaphore(%arg17 : memref<!tpu.dma_semaphore, #tpu.memory_space<semaphore_mem>>)
    %dma_start3A_115 = arith.constant 3 : i32
    %dma_start3A_116 = arith.constant 0 : i32
    %dma_start3A_117 = tpu.memref_slice %arg7[%dma_start3A_115, %dma_start3A_116] : memref<40x128xi32, #tpu.memory_space<vmem>> -> memref<1x128xi32, #tpu.memory_space<vmem>>
    %dma_start3A_118 = tpu.memref_squeeze %dma_start3A_117 : memref<1x128xi32, #tpu.memory_space<vmem>> -> memref<128xi32, #tpu.memory_space<vmem>>
    %dma_start3A_119 = arith.constant 0 : i32
    %dma_start3A_120 = arith.constant 0 : i32
    %dma_start3A_121 = tpu.memref_slice %arg14[%dma_start3A_119, %dma_start3A_120] : memref<10000x64xf32, #tpu.memory_space<vmem_shared>> -> memref<10000x64xf32, #tpu.memory_space<vmem_shared>>
    tpu.enqueue_indirect_dma source(%dma_start3A_121 : memref<10000x64xf32, #tpu.memory_space<vmem_shared>>) target(%arg12 : memref<128x64xf32, #tpu.memory_space<vmem>>) offsets(%dma_start3A_118 : memref<128xi32, #tpu.memory_space<vmem>>) semaphore(%arg18 : memref<!tpu.dma_semaphore, #tpu.memory_space<semaphore_mem>>)
    %scan3A_122 = arith.constant 0 : i32
    %scan3A_123 = arith.constant 0 : i32
    %scan3A_124 = arith.constant 10 : i32
    %scan3A_125 = arith.addi %scan3A_123, %scan3A_124 : i32
    %scan3A_126 = arith.constant 1 : i32
    scf.for %scan3A_310 = %scan3A_123 to %scan3A_125 step %scan3A_126  : i32 {
      %mul3A_311 = arith.constant 4 : i32
      %mul3A_312 = arith.muli %scan3A_310, %mul3A_311 : i32
      %dma_wait3A_313 = arith.constant 0 : i32
      %dma_wait3A_314 = arith.constant 0 : i32
      %dma_wait3A_315 = tpu.memref_slice %arg7[%dma_wait3A_313, %dma_wait3A_314] : memref<40x128xi32, #tpu.memory_space<vmem>> -> memref<1x128xi32, #tpu.memory_space<vmem>>
      %dma_wait3A_316 = tpu.memref_squeeze %dma_wait3A_315 : memref<1x128xi32, #tpu.memory_space<vmem>> -> memref<128xi32, #tpu.memory_space<vmem>>
      %dma_wait3A_317 = arith.constant 0 : i32
      %dma_wait3A_318 = arith.constant 0 : i32
      %dma_wait3A_319 = tpu.memref_slice %arg14[%dma_wait3A_317, %dma_wait3A_318] : memref<10000x64xf32, #tpu.memory_space<vmem_shared>> -> memref<10000x64xf32, #tpu.memory_space<vmem_shared>>
      tpu.wait_indirect_dma semaphore(%arg15 : memref<!tpu.dma_semaphore, #tpu.memory_space<semaphore_mem>>) src(%dma_wait3A_319 : memref<10000x64xf32, #tpu.memory_space<vmem_shared>>) dst(%arg9 : memref<128x64xf32, #tpu.memory_space<vmem>>)
      %add3A_320 = arith.constant 0 : i32
      %add3A_321 = arith.addi %mul3A_312, %add3A_320 : i32
      %dma_start3A_322 = arith.constant 0 : i32
      %dma_start3A_323 = tpu.memref_slice %arg8[%add3A_321, %dma_start3A_322] : memref<40x128xi32, #tpu.memory_space<vmem>> -> memref<1x128xi32, #tpu.memory_space<vmem>>
      %dma_start3A_324 = tpu.memref_squeeze %dma_start3A_323 : memref<1x128xi32, #tpu.memory_space<vmem>> -> memref<128xi32, #tpu.memory_space<vmem>>
      %dma_start3A_325 = arith.constant 0 : i32
      %dma_start3A_326 = arith.constant 0 : i32
      %dma_start3A_327 = tpu.memref_slice %arg13[%dma_start3A_325, %dma_start3A_326] : memref<10240x64xf32, #tpu.memory_space<vmem_shared>> -> memref<10240x64xf32, #tpu.memory_space<vmem_shared>>
      tpu.enqueue_indirect_dma source(%arg9 : memref<128x64xf32, #tpu.memory_space<vmem>>) target(%dma_start3A_327 : memref<10240x64xf32, #tpu.memory_space<vmem_shared>>) offsets(%dma_start3A_324 : memref<128xi32, #tpu.memory_space<vmem>>) semaphore(%arg19 : memref<!tpu.dma_semaphore, #tpu.memory_space<semaphore_mem>>) {add = true}
      %dma_wait3A_328 = arith.constant 0 : i32
      %dma_wait3A_329 = arith.constant 0 : i32
      %dma_wait3A_330 = tpu.memref_slice %arg7[%dma_wait3A_328, %dma_wait3A_329] : memref<40x128xi32, #tpu.memory_space<vmem>> -> memref<1x128xi32, #tpu.memory_space<vmem>>
      %dma_wait3A_331 = tpu.memref_squeeze %dma_wait3A_330 : memref<1x128xi32, #tpu.memory_space<vmem>> -> memref<128xi32, #tpu.memory_space<vmem>>
      %dma_wait3A_332 = arith.constant 0 : i32
      %dma_wait3A_333 = arith.constant 0 : i32
      %dma_wait3A_334 = tpu.memref_slice %arg14[%dma_wait3A_332, %dma_wait3A_333] : memref<10000x64xf32, #tpu.memory_space<vmem_shared>> -> memref<10000x64xf32, #tpu.memory_space<vmem_shared>>
      tpu.wait_indirect_dma semaphore(%arg16 : memref<!tpu.dma_semaphore, #tpu.memory_space<semaphore_mem>>) src(%dma_wait3A_334 : memref<10000x64xf32, #tpu.memory_space<vmem_shared>>) dst(%arg10 : memref<128x64xf32, #tpu.memory_space<vmem>>)
      %add3A_335 = arith.constant 1 : i32
      %add3A_336 = arith.addi %mul3A_312, %add3A_335 : i32
      %dma_start3A_337 = arith.constant 0 : i32
      %dma_start3A_338 = tpu.memref_slice %arg8[%add3A_336, %dma_start3A_337] : memref<40x128xi32, #tpu.memory_space<vmem>> -> memref<1x128xi32, #tpu.memory_space<vmem>>
      %dma_start3A_339 = tpu.memref_squeeze %dma_start3A_338 : memref<1x128xi32, #tpu.memory_space<vmem>> -> memref<128xi32, #tpu.memory_space<vmem>>
      %dma_start3A_340 = arith.constant 0 : i32
      %dma_start3A_341 = arith.constant 0 : i32
      %dma_start3A_342 = tpu.memref_slice %arg13[%dma_start3A_340, %dma_start3A_341] : memref<10240x64xf32, #tpu.memory_space<vmem_shared>> -> memref<10240x64xf32, #tpu.memory_space<vmem_shared>>
      tpu.enqueue_indirect_dma source(%arg10 : memref<128x64xf32, #tpu.memory_space<vmem>>) target(%dma_start3A_342 : memref<10240x64xf32, #tpu.memory_space<vmem_shared>>) offsets(%dma_start3A_339 : memref<128xi32, #tpu.memory_space<vmem>>) semaphore(%arg20 : memref<!tpu.dma_semaphore, #tpu.memory_space<semaphore_mem>>) {add = true}
      %dma_wait3A_343 = arith.constant 0 : i32
      %dma_wait3A_344 = arith.constant 0 : i32
      %dma_wait3A_345 = tpu.memref_slice %arg7[%dma_wait3A_343, %dma_wait3A_344] : memref<40x128xi32, #tpu.memory_space<vmem>> -> memref<1x128xi32, #tpu.memory_space<vmem>>
      %dma_wait3A_346 = tpu.memref_squeeze %dma_wait3A_345 : memref<1x128xi32, #tpu.memory_space<vmem>> -> memref<128xi32, #tpu.memory_space<vmem>>
      %dma_wait3A_347 = arith.constant 0 : i32
      %dma_wait3A_348 = arith.constant 0 : i32
      %dma_wait3A_349 = tpu.memref_slice %arg14[%dma_wait3A_347, %dma_wait3A_348] : memref<10000x64xf32, #tpu.memory_space<vmem_shared>> -> memref<10000x64xf32, #tpu.memory_space<vmem_shared>>
      tpu.wait_indirect_dma semaphore(%arg17 : memref<!tpu.dma_semaphore, #tpu.memory_space<semaphore_mem>>) src(%dma_wait3A_349 : memref<10000x64xf32, #tpu.memory_space<vmem_shared>>) dst(%arg11 : memref<128x64xf32, #tpu.memory_space<vmem>>)
      %add3A_350 = arith.constant 2 : i32
      %add3A_351 = arith.addi %mul3A_312, %add3A_350 : i32
      %dma_start3A_352 = arith.constant 0 : i32
      %dma_start3A_353 = tpu.memref_slice %arg8[%add3A_351, %dma_start3A_352] : memref<40x128xi32, #tpu.memory_space<vmem>> -> memref<1x128xi32, #tpu.memory_space<vmem>>
      %dma_start3A_354 = tpu.memref_squeeze %dma_start3A_353 : memref<1x128xi32, #tpu.memory_space<vmem>> -> memref<128xi32, #tpu.memory_space<vmem>>
      %dma_start3A_355 = arith.constant 0 : i32
      %dma_start3A_356 = arith.constant 0 : i32
      %dma_start3A_357 = tpu.memref_slice %arg13[%dma_start3A_355, %dma_start3A_356] : memref<10240x64xf32, #tpu.memory_space<vmem_shared>> -> memref<10240x64xf32, #tpu.memory_space<vmem_shared>>
      tpu.enqueue_indirect_dma source(%arg11 : memref<128x64xf32, #tpu.memory_space<vmem>>) target(%dma_start3A_357 : memref<10240x64xf32, #tpu.memory_space<vmem_shared>>) offsets(%dma_start3A_354 : memref<128xi32, #tpu.memory_space<vmem>>) semaphore(%arg21 : memref<!tpu.dma_semaphore, #tpu.memory_space<semaphore_mem>>) {add = true}
      %dma_wait3A_358 = arith.constant 0 : i32
      %dma_wait3A_359 = arith.constant 0 : i32
      %dma_wait3A_360 = tpu.memref_slice %arg7[%dma_wait3A_358, %dma_wait3A_359] : memref<40x128xi32, #tpu.memory_space<vmem>> -> memref<1x128xi32, #tpu.memory_space<vmem>>
      %dma_wait3A_361 = tpu.memref_squeeze %dma_wait3A_360 : memref<1x128xi32, #tpu.memory_space<vmem>> -> memref<128xi32, #tpu.memory_space<vmem>>
      %dma_wait3A_362 = arith.constant 0 : i32
      %dma_wait3A_363 = arith.constant 0 : i32
      %dma_wait3A_364 = tpu.memref_slice %arg14[%dma_wait3A_362, %dma_wait3A_363] : memref<10000x64xf32, #tpu.memory_space<vmem_shared>> -> memref<10000x64xf32, #tpu.memory_space<vmem_shared>>
      tpu.wait_indirect_dma semaphore(%arg18 : memref<!tpu.dma_semaphore, #tpu.memory_space<semaphore_mem>>) src(%dma_wait3A_364 : memref<10000x64xf32, #tpu.memory_space<vmem_shared>>) dst(%arg12 : memref<128x64xf32, #tpu.memory_space<vmem>>)
      %add3A_365 = arith.constant 3 : i32
      %add3A_366 = arith.addi %mul3A_312, %add3A_365 : i32
      %dma_start3A_367 = arith.constant 0 : i32
      %dma_start3A_368 = tpu.memref_slice %arg8[%add3A_366, %dma_start3A_367] : memref<40x128xi32, #tpu.memory_space<vmem>> -> memref<1x128xi32, #tpu.memory_space<vmem>>
      %dma_start3A_369 = tpu.memref_squeeze %dma_start3A_368 : memref<1x128xi32, #tpu.memory_space<vmem>> -> memref<128xi32, #tpu.memory_space<vmem>>
      %dma_start3A_370 = arith.constant 0 : i32
      %dma_start3A_371 = arith.constant 0 : i32
      %dma_start3A_372 = tpu.memref_slice %arg13[%dma_start3A_370, %dma_start3A_371] : memref<10240x64xf32, #tpu.memory_space<vmem_shared>> -> memref<10240x64xf32, #tpu.memory_space<vmem_shared>>
      tpu.enqueue_indirect_dma source(%arg12 : memref<128x64xf32, #tpu.memory_space<vmem>>) target(%dma_start3A_372 : memref<10240x64xf32, #tpu.memory_space<vmem_shared>>) offsets(%dma_start3A_369 : memref<128xi32, #tpu.memory_space<vmem>>) semaphore(%arg22 : memref<!tpu.dma_semaphore, #tpu.memory_space<semaphore_mem>>) {add = true}
      %dma_wait3A_373 = arith.constant 0 : i32
      %dma_wait3A_374 = arith.constant 0 : i32
      %dma_wait3A_375 = tpu.memref_slice %arg6[%arg0, %dma_wait3A_373, %dma_wait3A_374] : memref<2x10240x64xf32, #tpu.memory_space<hbm>> -> memref<1x128x64xf32, #tpu.memory_space<hbm>>
      %dma_wait3A_376 = tpu.memref_squeeze %dma_wait3A_375 : memref<1x128x64xf32, #tpu.memory_space<hbm>> -> memref<128x64xf32, #tpu.memory_space<hbm>>
      %dma_wait3A_377 = arith.constant 0 : i32
      %dma_wait3A_378 = arith.constant 0 : i32
      %dma_wait3A_379 = tpu.memref_slice %arg6[%arg0, %dma_wait3A_377, %dma_wait3A_378] : memref<2x10240x64xf32, #tpu.memory_space<hbm>> -> memref<1x128x64xf32, #tpu.memory_space<hbm>>
      %dma_wait3A_380 = tpu.memref_squeeze %dma_wait3A_379 : memref<1x128x64xf32, #tpu.memory_space<hbm>> -> memref<128x64xf32, #tpu.memory_space<hbm>>
      tpu.wait_dma2 semaphore(%arg19 : memref<!tpu.dma_semaphore, #tpu.memory_space<semaphore_mem>>) src(%arg9 : memref<128x64xf32, #tpu.memory_space<vmem>>) dst(%dma_wait3A_380 : memref<128x64xf32, #tpu.memory_space<hbm>>)
      %lt3A = arith.constant 9 : i32
      %lt3A_381 = arith.cmpi slt, %scan3A_310, %lt3A : i32
      %convert_element_type3A = arith.extui %lt3A_381 : i1 to i32
      %cond3A = arith.constant 0 : i32
      %cond3A_382 = arith.cmpi ne, %convert_element_type3A, %cond3A : i32
      scf.if %cond3A_382 {
        %add3A_422 = arith.constant 4 : i32
        %add3A_423 = arith.addi %mul3A_312, %add3A_422 : i32
        %add3A_424 = arith.constant 0 : i32
        %add3A_425 = arith.addi %add3A_423, %add3A_424 : i32
        %dma_start3A_426 = arith.constant 0 : i32
        %dma_start3A_427 = tpu.memref_slice %arg7[%add3A_425, %dma_start3A_426] : memref<40x128xi32, #tpu.memory_space<vmem>> -> memref<1x128xi32, #tpu.memory_space<vmem>>
        %dma_start3A_428 = tpu.memref_squeeze %dma_start3A_427 : memref<1x128xi32, #tpu.memory_space<vmem>> -> memref<128xi32, #tpu.memory_space<vmem>>
        %dma_start3A_429 = arith.constant 0 : i32
        %dma_start3A_430 = arith.constant 0 : i32
        %dma_start3A_431 = tpu.memref_slice %arg14[%dma_start3A_429, %dma_start3A_430] : memref<10000x64xf32, #tpu.memory_space<vmem_shared>> -> memref<10000x64xf32, #tpu.memory_space<vmem_shared>>
        tpu.enqueue_indirect_dma source(%dma_start3A_431 : memref<10000x64xf32, #tpu.memory_space<vmem_shared>>) target(%arg9 : memref<128x64xf32, #tpu.memory_space<vmem>>) offsets(%dma_start3A_428 : memref<128xi32, #tpu.memory_space<vmem>>) semaphore(%arg15 : memref<!tpu.dma_semaphore, #tpu.memory_space<semaphore_mem>>)
      } else {
      }
      %dma_wait3A_383 = arith.constant 0 : i32
      %dma_wait3A_384 = arith.constant 0 : i32
      %dma_wait3A_385 = tpu.memref_slice %arg6[%arg0, %dma_wait3A_383, %dma_wait3A_384] : memref<2x10240x64xf32, #tpu.memory_space<hbm>> -> memref<1x128x64xf32, #tpu.memory_space<hbm>>
      %dma_wait3A_386 = tpu.memref_squeeze %dma_wait3A_385 : memref<1x128x64xf32, #tpu.memory_space<hbm>> -> memref<128x64xf32, #tpu.memory_space<hbm>>
      %dma_wait3A_387 = arith.constant 0 : i32
      %dma_wait3A_388 = arith.constant 0 : i32
      %dma_wait3A_389 = tpu.memref_slice %arg6[%arg0, %dma_wait3A_387, %dma_wait3A_388] : memref<2x10240x64xf32, #tpu.memory_space<hbm>> -> memref<1x128x64xf32, #tpu.memory_space<hbm>>
      %dma_wait3A_390 = tpu.memref_squeeze %dma_wait3A_389 : memref<1x128x64xf32, #tpu.memory_space<hbm>> -> memref<128x64xf32, #tpu.memory_space<hbm>>
      tpu.wait_dma2 semaphore(%arg20 : memref<!tpu.dma_semaphore, #tpu.memory_space<semaphore_mem>>) src(%arg10 : memref<128x64xf32, #tpu.memory_space<vmem>>) dst(%dma_wait3A_390 : memref<128x64xf32, #tpu.memory_space<hbm>>)
      %lt3A_391 = arith.constant 9 : i32
      %lt3A_392 = arith.cmpi slt, %scan3A_310, %lt3A_391 : i32
      %convert_element_type3A_393 = arith.extui %lt3A_392 : i1 to i32
      %cond3A_394 = arith.constant 0 : i32
      %cond3A_395 = arith.cmpi ne, %convert_element_type3A_393, %cond3A_394 : i32
      scf.if %cond3A_395 {
        %add3A_422 = arith.constant 4 : i32
        %add3A_423 = arith.addi %mul3A_312, %add3A_422 : i32
        %add3A_424 = arith.constant 1 : i32
        %add3A_425 = arith.addi %add3A_423, %add3A_424 : i32
        %dma_start3A_426 = arith.constant 0 : i32
        %dma_start3A_427 = tpu.memref_slice %arg7[%add3A_425, %dma_start3A_426] : memref<40x128xi32, #tpu.memory_space<vmem>> -> memref<1x128xi32, #tpu.memory_space<vmem>>
        %dma_start3A_428 = tpu.memref_squeeze %dma_start3A_427 : memref<1x128xi32, #tpu.memory_space<vmem>> -> memref<128xi32, #tpu.memory_space<vmem>>
        %dma_start3A_429 = arith.constant 0 : i32
        %dma_start3A_430 = arith.constant 0 : i32
        %dma_start3A_431 = tpu.memref_slice %arg14[%dma_start3A_429, %dma_start3A_430] : memref<10000x64xf32, #tpu.memory_space<vmem_shared>> -> memref<10000x64xf32, #tpu.memory_space<vmem_shared>>
        tpu.enqueue_indirect_dma source(%dma_start3A_431 : memref<10000x64xf32, #tpu.memory_space<vmem_shared>>) target(%arg10 : memref<128x64xf32, #tpu.memory_space<vmem>>) offsets(%dma_start3A_428 : memref<128xi32, #tpu.memory_space<vmem>>) semaphore(%arg16 : memref<!tpu.dma_semaphore, #tpu.memory_space<semaphore_mem>>)
      } else {
      }
      %dma_wait3A_396 = arith.constant 0 : i32
      %dma_wait3A_397 = arith.constant 0 : i32
      %dma_wait3A_398 = tpu.memref_slice %arg6[%arg0, %dma_wait3A_396, %dma_wait3A_397] : memref<2x10240x64xf32, #tpu.memory_space<hbm>> -> memref<1x128x64xf32, #tpu.memory_space<hbm>>
      %dma_wait3A_399 = tpu.memref_squeeze %dma_wait3A_398 : memref<1x128x64xf32, #tpu.memory_space<hbm>> -> memref<128x64xf32, #tpu.memory_space<hbm>>
      %dma_wait3A_400 = arith.constant 0 : i32
      %dma_wait3A_401 = arith.constant 0 : i32
      %dma_wait3A_402 = tpu.memref_slice %arg6[%arg0, %dma_wait3A_400, %dma_wait3A_401] : memref<2x10240x64xf32, #tpu.memory_space<hbm>> -> memref<1x128x64xf32, #tpu.memory_space<hbm>>
      %dma_wait3A_403 = tpu.memref_squeeze %dma_wait3A_402 : memref<1x128x64xf32, #tpu.memory_space<hbm>> -> memref<128x64xf32, #tpu.memory_space<hbm>>
      tpu.wait_dma2 semaphore(%arg21 : memref<!tpu.dma_semaphore, #tpu.memory_space<semaphore_mem>>) src(%arg11 : memref<128x64xf32, #tpu.memory_space<vmem>>) dst(%dma_wait3A_403 : memref<128x64xf32, #tpu.memory_space<hbm>>)
      %lt3A_404 = arith.constant 9 : i32
      %lt3A_405 = arith.cmpi slt, %scan3A_310, %lt3A_404 : i32
      %convert_element_type3A_406 = arith.extui %lt3A_405 : i1 to i32
      %cond3A_407 = arith.constant 0 : i32
      %cond3A_408 = arith.cmpi ne, %convert_element_type3A_406, %cond3A_407 : i32
      scf.if %cond3A_408 {
        %add3A_422 = arith.constant 4 : i32
        %add3A_423 = arith.addi %mul3A_312, %add3A_422 : i32
        %add3A_424 = arith.constant 2 : i32
        %add3A_425 = arith.addi %add3A_423, %add3A_424 : i32
        %dma_start3A_426 = arith.constant 0 : i32
        %dma_start3A_427 = tpu.memref_slice %arg7[%add3A_425, %dma_start3A_426] : memref<40x128xi32, #tpu.memory_space<vmem>> -> memref<1x128xi32, #tpu.memory_space<vmem>>
        %dma_start3A_428 = tpu.memref_squeeze %dma_start3A_427 : memref<1x128xi32, #tpu.memory_space<vmem>> -> memref<128xi32, #tpu.memory_space<vmem>>
        %dma_start3A_429 = arith.constant 0 : i32
        %dma_start3A_430 = arith.constant 0 : i32
        %dma_start3A_431 = tpu.memref_slice %arg14[%dma_start3A_429, %dma_start3A_430] : memref<10000x64xf32, #tpu.memory_space<vmem_shared>> -> memref<10000x64xf32, #tpu.memory_space<vmem_shared>>
        tpu.enqueue_indirect_dma source(%dma_start3A_431 : memref<10000x64xf32, #tpu.memory_space<vmem_shared>>) target(%arg11 : memref<128x64xf32, #tpu.memory_space<vmem>>) offsets(%dma_start3A_428 : memref<128xi32, #tpu.memory_space<vmem>>) semaphore(%arg17 : memref<!tpu.dma_semaphore, #tpu.memory_space<semaphore_mem>>)
      } else {
      }
      %dma_wait3A_409 = arith.constant 0 : i32
      %dma_wait3A_410 = arith.constant 0 : i32
      %dma_wait3A_411 = tpu.memref_slice %arg6[%arg0, %dma_wait3A_409, %dma_wait3A_410] : memref<2x10240x64xf32, #tpu.memory_space<hbm>> -> memref<1x128x64xf32, #tpu.memory_space<hbm>>
      %dma_wait3A_412 = tpu.memref_squeeze %dma_wait3A_411 : memref<1x128x64xf32, #tpu.memory_space<hbm>> -> memref<128x64xf32, #tpu.memory_space<hbm>>
      %dma_wait3A_413 = arith.constant 0 : i32
      %dma_wait3A_414 = arith.constant 0 : i32
      %dma_wait3A_415 = tpu.memref_slice %arg6[%arg0, %dma_wait3A_413, %dma_wait3A_414] : memref<2x10240x64xf32, #tpu.memory_space<hbm>> -> memref<1x128x64xf32, #tpu.memory_space<hbm>>
      %dma_wait3A_416 = tpu.memref_squeeze %dma_wait3A_415 : memref<1x128x64xf32, #tpu.memory_space<hbm>> -> memref<128x64xf32, #tpu.memory_space<hbm>>
      tpu.wait_dma2 semaphore(%arg22 : memref<!tpu.dma_semaphore, #tpu.memory_space<semaphore_mem>>) src(%arg12 : memref<128x64xf32, #tpu.memory_space<vmem>>) dst(%dma_wait3A_416 : memref<128x64xf32, #tpu.memory_space<hbm>>)
      %lt3A_417 = arith.constant 9 : i32
      %lt3A_418 = arith.cmpi slt, %scan3A_310, %lt3A_417 : i32
      %convert_element_type3A_419 = arith.extui %lt3A_418 : i1 to i32
      %cond3A_420 = arith.constant 0 : i32
      %cond3A_421 = arith.cmpi ne, %convert_element_type3A_419, %cond3A_420 : i32
      scf.if %cond3A_421 {
        %add3A_422 = arith.constant 4 : i32
        %add3A_423 = arith.addi %mul3A_312, %add3A_422 : i32
        %add3A_424 = arith.constant 3 : i32
        %add3A_425 = arith.addi %add3A_423, %add3A_424 : i32
        %dma_start3A_426 = arith.constant 0 : i32
        %dma_start3A_427 = tpu.memref_slice %arg7[%add3A_425, %dma_start3A_426] : memref<40x128xi32, #tpu.memory_space<vmem>> -> memref<1x128xi32, #tpu.memory_space<vmem>>
        %dma_start3A_428 = tpu.memref_squeeze %dma_start3A_427 : memref<1x128xi32, #tpu.memory_space<vmem>> -> memref<128xi32, #tpu.memory_space<vmem>>
        %dma_start3A_429 = arith.constant 0 : i32
        %dma_start3A_430 = arith.constant 0 : i32
        %dma_start3A_431 = tpu.memref_slice %arg14[%dma_start3A_429, %dma_start3A_430] : memref<10000x64xf32, #tpu.memory_space<vmem_shared>> -> memref<10000x64xf32, #tpu.memory_space<vmem_shared>>
        tpu.enqueue_indirect_dma source(%dma_start3A_431 : memref<10000x64xf32, #tpu.memory_space<vmem_shared>>) target(%arg12 : memref<128x64xf32, #tpu.memory_space<vmem>>) offsets(%dma_start3A_428 : memref<128xi32, #tpu.memory_space<vmem>>) semaphore(%arg18 : memref<!tpu.dma_semaphore, #tpu.memory_space<semaphore_mem>>)
      } else {
      }
    }
    %scan3A_127 = arith.constant 10 : i32
    %mul3A_128 = arith.constant 160 : i32
    %mul3A_129 = arith.muli %arg1, %mul3A_128 : i32
    %add3A_130 = arith.constant 120 : i32
    %add3A_131 = arith.addi %mul3A_129, %add3A_130 : i32
    "tpu.region"() ({
      %run_scoped3A = tpu.sem_alloc : memref<!tpu.dma_semaphore, #tpu.memory_space<semaphore_mem>>
      %dma_start3A_310 = arith.constant 0 : i32
      %dma_start3A_311 = tpu.memref_slice %arg2[%add3A_131, %dma_start3A_310] : memref<2560x128xi32, #tpu.memory_space<hbm>> -> memref<40x128xi32, #tpu.memory_space<hbm>>
      %dma_start3A_312 = arith.constant 0 : i32
      %dma_start3A_313 = tpu.memref_slice %arg2[%add3A_131, %dma_start3A_312] : memref<2560x128xi32, #tpu.memory_space<hbm>> -> memref<40x128xi32, #tpu.memory_space<hbm>>
      tpu.enqueue_dma source(%dma_start3A_313 : memref<40x128xi32, #tpu.memory_space<hbm>>) target(%arg7 : memref<40x128xi32, #tpu.memory_space<vmem>>) target_semaphore(%run_scoped3A : memref<!tpu.dma_semaphore, #tpu.memory_space<semaphore_mem>>)
      %dma_wait3A_314 = arith.constant 0 : i32
      %dma_wait3A_315 = tpu.memref_slice %arg2[%add3A_131, %dma_wait3A_314] : memref<2560x128xi32, #tpu.memory_space<hbm>> -> memref<40x128xi32, #tpu.memory_space<hbm>>
      %dma_wait3A_316 = arith.constant 0 : i32
      %dma_wait3A_317 = tpu.memref_slice %arg2[%add3A_131, %dma_wait3A_316] : memref<2560x128xi32, #tpu.memory_space<hbm>> -> memref<40x128xi32, #tpu.memory_space<hbm>>
      tpu.wait_dma2 semaphore(%run_scoped3A : memref<!tpu.dma_semaphore, #tpu.memory_space<semaphore_mem>>) src(%dma_wait3A_317 : memref<40x128xi32, #tpu.memory_space<hbm>>) dst(%arg7 : memref<40x128xi32, #tpu.memory_space<vmem>>)
      tpu.yield
    }) : () -> ()
    %mul3A_132 = arith.constant 160 : i32
    %mul3A_133 = arith.muli %arg1, %mul3A_132 : i32
    %add3A_134 = arith.constant 120 : i32
    %add3A_135 = arith.addi %mul3A_133, %add3A_134 : i32
    "tpu.region"() ({
      %run_scoped3A = tpu.sem_alloc : memref<!tpu.dma_semaphore, #tpu.memory_space<semaphore_mem>>
      %dma_start3A_310 = arith.constant 0 : i32
      %dma_start3A_311 = tpu.memref_slice %arg3[%add3A_135, %dma_start3A_310] : memref<2560x128xi32, #tpu.memory_space<hbm>> -> memref<40x128xi32, #tpu.memory_space<hbm>>
      %dma_start3A_312 = arith.constant 0 : i32
      %dma_start3A_313 = tpu.memref_slice %arg3[%add3A_135, %dma_start3A_312] : memref<2560x128xi32, #tpu.memory_space<hbm>> -> memref<40x128xi32, #tpu.memory_space<hbm>>
      tpu.enqueue_dma source(%dma_start3A_313 : memref<40x128xi32, #tpu.memory_space<hbm>>) target(%arg8 : memref<40x128xi32, #tpu.memory_space<vmem>>) target_semaphore(%run_scoped3A : memref<!tpu.dma_semaphore, #tpu.memory_space<semaphore_mem>>)
      %dma_wait3A_314 = arith.constant 0 : i32
      %dma_wait3A_315 = tpu.memref_slice %arg3[%add3A_135, %dma_wait3A_314] : memref<2560x128xi32, #tpu.memory_space<hbm>> -> memref<40x128xi32, #tpu.memory_space<hbm>>
      %dma_wait3A_316 = arith.constant 0 : i32
      %dma_wait3A_317 = tpu.memref_slice %arg3[%add3A_135, %dma_wait3A_316] : memref<2560x128xi32, #tpu.memory_space<hbm>> -> memref<40x128xi32, #tpu.memory_space<hbm>>
      tpu.wait_dma2 semaphore(%run_scoped3A : memref<!tpu.dma_semaphore, #tpu.memory_space<semaphore_mem>>) src(%dma_wait3A_317 : memref<40x128xi32, #tpu.memory_space<hbm>>) dst(%arg8 : memref<40x128xi32, #tpu.memory_space<vmem>>)
      tpu.yield
    }) : () -> ()
    %dma_start3A_136 = arith.constant 0 : i32
    %dma_start3A_137 = arith.constant 0 : i32
    %dma_start3A_138 = tpu.memref_slice %arg7[%dma_start3A_136, %dma_start3A_137] : memref<40x128xi32, #tpu.memory_space<vmem>> -> memref<1x128xi32, #tpu.memory_space<vmem>>
    %dma_start3A_139 = tpu.memref_squeeze %dma_start3A_138 : memref<1x128xi32, #tpu.memory_space<vmem>> -> memref<128xi32, #tpu.memory_space<vmem>>
    %dma_start3A_140 = arith.constant 0 : i32
    %dma_start3A_141 = arith.constant 0 : i32
    %dma_start3A_142 = tpu.memref_slice %arg14[%dma_start3A_140, %dma_start3A_141] : memref<10000x64xf32, #tpu.memory_space<vmem_shared>> -> memref<10000x64xf32, #tpu.memory_space<vmem_shared>>
    tpu.enqueue_indirect_dma source(%dma_start3A_142 : memref<10000x64xf32, #tpu.memory_space<vmem_shared>>) target(%arg9 : memref<128x64xf32, #tpu.memory_space<vmem>>) offsets(%dma_start3A_139 : memref<128xi32, #tpu.memory_space<vmem>>) semaphore(%arg15 : memref<!tpu.dma_semaphore, #tpu.memory_space<semaphore_mem>>)
    %dma_start3A_143 = arith.constant 1 : i32
    %dma_start3A_144 = arith.constant 0 : i32
    %dma_start3A_145 = tpu.memref_slice %arg7[%dma_start3A_143, %dma_start3A_144] : memref<40x128xi32, #tpu.memory_space<vmem>> -> memref<1x128xi32, #tpu.memory_space<vmem>>
    %dma_start3A_146 = tpu.memref_squeeze %dma_start3A_145 : memref<1x128xi32, #tpu.memory_space<vmem>> -> memref<128xi32, #tpu.memory_space<vmem>>
    %dma_start3A_147 = arith.constant 0 : i32
    %dma_start3A_148 = arith.constant 0 : i32
    %dma_start3A_149 = tpu.memref_slice %arg14[%dma_start3A_147, %dma_start3A_148] : memref<10000x64xf32, #tpu.memory_space<vmem_shared>> -> memref<10000x64xf32, #tpu.memory_space<vmem_shared>>
    tpu.enqueue_indirect_dma source(%dma_start3A_149 : memref<10000x64xf32, #tpu.memory_space<vmem_shared>>) target(%arg10 : memref<128x64xf32, #tpu.memory_space<vmem>>) offsets(%dma_start3A_146 : memref<128xi32, #tpu.memory_space<vmem>>) semaphore(%arg16 : memref<!tpu.dma_semaphore, #tpu.memory_space<semaphore_mem>>)
    %dma_start3A_150 = arith.constant 2 : i32
    %dma_start3A_151 = arith.constant 0 : i32
    %dma_start3A_152 = tpu.memref_slice %arg7[%dma_start3A_150, %dma_start3A_151] : memref<40x128xi32, #tpu.memory_space<vmem>> -> memref<1x128xi32, #tpu.memory_space<vmem>>
    %dma_start3A_153 = tpu.memref_squeeze %dma_start3A_152 : memref<1x128xi32, #tpu.memory_space<vmem>> -> memref<128xi32, #tpu.memory_space<vmem>>
    %dma_start3A_154 = arith.constant 0 : i32
    %dma_start3A_155 = arith.constant 0 : i32
    %dma_start3A_156 = tpu.memref_slice %arg14[%dma_start3A_154, %dma_start3A_155] : memref<10000x64xf32, #tpu.memory_space<vmem_shared>> -> memref<10000x64xf32, #tpu.memory_space<vmem_shared>>
    tpu.enqueue_indirect_dma source(%dma_start3A_156 : memref<10000x64xf32, #tpu.memory_space<vmem_shared>>) target(%arg11 : memref<128x64xf32, #tpu.memory_space<vmem>>) offsets(%dma_start3A_153 : memref<128xi32, #tpu.memory_space<vmem>>) semaphore(%arg17 : memref<!tpu.dma_semaphore, #tpu.memory_space<semaphore_mem>>)
    %dma_start3A_157 = arith.constant 3 : i32
    %dma_start3A_158 = arith.constant 0 : i32
    %dma_start3A_159 = tpu.memref_slice %arg7[%dma_start3A_157, %dma_start3A_158] : memref<40x128xi32, #tpu.memory_space<vmem>> -> memref<1x128xi32, #tpu.memory_space<vmem>>
    %dma_start3A_160 = tpu.memref_squeeze %dma_start3A_159 : memref<1x128xi32, #tpu.memory_space<vmem>> -> memref<128xi32, #tpu.memory_space<vmem>>
    %dma_start3A_161 = arith.constant 0 : i32
    %dma_start3A_162 = arith.constant 0 : i32
    %dma_start3A_163 = tpu.memref_slice %arg14[%dma_start3A_161, %dma_start3A_162] : memref<10000x64xf32, #tpu.memory_space<vmem_shared>> -> memref<10000x64xf32, #tpu.memory_space<vmem_shared>>
    tpu.enqueue_indirect_dma source(%dma_start3A_163 : memref<10000x64xf32, #tpu.memory_space<vmem_shared>>) target(%arg12 : memref<128x64xf32, #tpu.memory_space<vmem>>) offsets(%dma_start3A_160 : memref<128xi32, #tpu.memory_space<vmem>>) semaphore(%arg18 : memref<!tpu.dma_semaphore, #tpu.memory_space<semaphore_mem>>)
    %scan3A_164 = arith.constant 0 : i32
    %scan3A_165 = arith.constant 0 : i32
    %scan3A_166 = arith.constant 10 : i32
    %scan3A_167 = arith.addi %scan3A_165, %scan3A_166 : i32
    %scan3A_168 = arith.constant 1 : i32
    scf.for %scan3A_310 = %scan3A_165 to %scan3A_167 step %scan3A_168  : i32 {
      %mul3A_311 = arith.constant 4 : i32
      %mul3A_312 = arith.muli %scan3A_310, %mul3A_311 : i32
      %dma_wait3A_313 = arith.constant 0 : i32
      %dma_wait3A_314 = arith.constant 0 : i32
      %dma_wait3A_315 = tpu.memref_slice %arg7[%dma_wait3A_313, %dma_wait3A_314] : memref<40x128xi32, #tpu.memory_space<vmem>> -> memref<1x128xi32, #tpu.memory_space<vmem>>
      %dma_wait3A_316 = tpu.memref_squeeze %dma_wait3A_315 : memref<1x128xi32, #tpu.memory_space<vmem>> -> memref<128xi32, #tpu.memory_space<vmem>>
      %dma_wait3A_317 = arith.constant 0 : i32
      %dma_wait3A_318 = arith.constant 0 : i32
      %dma_wait3A_319 = tpu.memref_slice %arg14[%dma_wait3A_317, %dma_wait3A_318] : memref<10000x64xf32, #tpu.memory_space<vmem_shared>> -> memref<10000x64xf32, #tpu.memory_space<vmem_shared>>
      tpu.wait_indirect_dma semaphore(%arg15 : memref<!tpu.dma_semaphore, #tpu.memory_space<semaphore_mem>>) src(%dma_wait3A_319 : memref<10000x64xf32, #tpu.memory_space<vmem_shared>>) dst(%arg9 : memref<128x64xf32, #tpu.memory_space<vmem>>)
      %add3A_320 = arith.constant 0 : i32
      %add3A_321 = arith.addi %mul3A_312, %add3A_320 : i32
      %dma_start3A_322 = arith.constant 0 : i32
      %dma_start3A_323 = tpu.memref_slice %arg8[%add3A_321, %dma_start3A_322] : memref<40x128xi32, #tpu.memory_space<vmem>> -> memref<1x128xi32, #tpu.memory_space<vmem>>
      %dma_start3A_324 = tpu.memref_squeeze %dma_start3A_323 : memref<1x128xi32, #tpu.memory_space<vmem>> -> memref<128xi32, #tpu.memory_space<vmem>>
      %dma_start3A_325 = arith.constant 0 : i32
      %dma_start3A_326 = arith.constant 0 : i32
      %dma_start3A_327 = tpu.memref_slice %arg13[%dma_start3A_325, %dma_start3A_326] : memref<10240x64xf32, #tpu.memory_space<vmem_shared>> -> memref<10240x64xf32, #tpu.memory_space<vmem_shared>>
      tpu.enqueue_indirect_dma source(%arg9 : memref<128x64xf32, #tpu.memory_space<vmem>>) target(%dma_start3A_327 : memref<10240x64xf32, #tpu.memory_space<vmem_shared>>) offsets(%dma_start3A_324 : memref<128xi32, #tpu.memory_space<vmem>>) semaphore(%arg19 : memref<!tpu.dma_semaphore, #tpu.memory_space<semaphore_mem>>) {add = true}
      %dma_wait3A_328 = arith.constant 0 : i32
      %dma_wait3A_329 = arith.constant 0 : i32
      %dma_wait3A_330 = tpu.memref_slice %arg7[%dma_wait3A_328, %dma_wait3A_329] : memref<40x128xi32, #tpu.memory_space<vmem>> -> memref<1x128xi32, #tpu.memory_space<vmem>>
      %dma_wait3A_331 = tpu.memref_squeeze %dma_wait3A_330 : memref<1x128xi32, #tpu.memory_space<vmem>> -> memref<128xi32, #tpu.memory_space<vmem>>
      %dma_wait3A_332 = arith.constant 0 : i32
      %dma_wait3A_333 = arith.constant 0 : i32
      %dma_wait3A_334 = tpu.memref_slice %arg14[%dma_wait3A_332, %dma_wait3A_333] : memref<10000x64xf32, #tpu.memory_space<vmem_shared>> -> memref<10000x64xf32, #tpu.memory_space<vmem_shared>>
      tpu.wait_indirect_dma semaphore(%arg16 : memref<!tpu.dma_semaphore, #tpu.memory_space<semaphore_mem>>) src(%dma_wait3A_334 : memref<10000x64xf32, #tpu.memory_space<vmem_shared>>) dst(%arg10 : memref<128x64xf32, #tpu.memory_space<vmem>>)
      %add3A_335 = arith.constant 1 : i32
      %add3A_336 = arith.addi %mul3A_312, %add3A_335 : i32
      %dma_start3A_337 = arith.constant 0 : i32
      %dma_start3A_338 = tpu.memref_slice %arg8[%add3A_336, %dma_start3A_337] : memref<40x128xi32, #tpu.memory_space<vmem>> -> memref<1x128xi32, #tpu.memory_space<vmem>>
      %dma_start3A_339 = tpu.memref_squeeze %dma_start3A_338 : memref<1x128xi32, #tpu.memory_space<vmem>> -> memref<128xi32, #tpu.memory_space<vmem>>
      %dma_start3A_340 = arith.constant 0 : i32
      %dma_start3A_341 = arith.constant 0 : i32
      %dma_start3A_342 = tpu.memref_slice %arg13[%dma_start3A_340, %dma_start3A_341] : memref<10240x64xf32, #tpu.memory_space<vmem_shared>> -> memref<10240x64xf32, #tpu.memory_space<vmem_shared>>
      tpu.enqueue_indirect_dma source(%arg10 : memref<128x64xf32, #tpu.memory_space<vmem>>) target(%dma_start3A_342 : memref<10240x64xf32, #tpu.memory_space<vmem_shared>>) offsets(%dma_start3A_339 : memref<128xi32, #tpu.memory_space<vmem>>) semaphore(%arg20 : memref<!tpu.dma_semaphore, #tpu.memory_space<semaphore_mem>>) {add = true}
      %dma_wait3A_343 = arith.constant 0 : i32
      %dma_wait3A_344 = arith.constant 0 : i32
      %dma_wait3A_345 = tpu.memref_slice %arg7[%dma_wait3A_343, %dma_wait3A_344] : memref<40x128xi32, #tpu.memory_space<vmem>> -> memref<1x128xi32, #tpu.memory_space<vmem>>
      %dma_wait3A_346 = tpu.memref_squeeze %dma_wait3A_345 : memref<1x128xi32, #tpu.memory_space<vmem>> -> memref<128xi32, #tpu.memory_space<vmem>>
      %dma_wait3A_347 = arith.constant 0 : i32
      %dma_wait3A_348 = arith.constant 0 : i32
      %dma_wait3A_349 = tpu.memref_slice %arg14[%dma_wait3A_347, %dma_wait3A_348] : memref<10000x64xf32, #tpu.memory_space<vmem_shared>> -> memref<10000x64xf32, #tpu.memory_space<vmem_shared>>
      tpu.wait_indirect_dma semaphore(%arg17 : memref<!tpu.dma_semaphore, #tpu.memory_space<semaphore_mem>>) src(%dma_wait3A_349 : memref<10000x64xf32, #tpu.memory_space<vmem_shared>>) dst(%arg11 : memref<128x64xf32, #tpu.memory_space<vmem>>)
      %add3A_350 = arith.constant 2 : i32
      %add3A_351 = arith.addi %mul3A_312, %add3A_350 : i32
      %dma_start3A_352 = arith.constant 0 : i32
      %dma_start3A_353 = tpu.memref_slice %arg8[%add3A_351, %dma_start3A_352] : memref<40x128xi32, #tpu.memory_space<vmem>> -> memref<1x128xi32, #tpu.memory_space<vmem>>
      %dma_start3A_354 = tpu.memref_squeeze %dma_start3A_353 : memref<1x128xi32, #tpu.memory_space<vmem>> -> memref<128xi32, #tpu.memory_space<vmem>>
      %dma_start3A_355 = arith.constant 0 : i32
      %dma_start3A_356 = arith.constant 0 : i32
      %dma_start3A_357 = tpu.memref_slice %arg13[%dma_start3A_355, %dma_start3A_356] : memref<10240x64xf32, #tpu.memory_space<vmem_shared>> -> memref<10240x64xf32, #tpu.memory_space<vmem_shared>>
      tpu.enqueue_indirect_dma source(%arg11 : memref<128x64xf32, #tpu.memory_space<vmem>>) target(%dma_start3A_357 : memref<10240x64xf32, #tpu.memory_space<vmem_shared>>) offsets(%dma_start3A_354 : memref<128xi32, #tpu.memory_space<vmem>>) semaphore(%arg21 : memref<!tpu.dma_semaphore, #tpu.memory_space<semaphore_mem>>) {add = true}
      %dma_wait3A_358 = arith.constant 0 : i32
      %dma_wait3A_359 = arith.constant 0 : i32
      %dma_wait3A_360 = tpu.memref_slice %arg7[%dma_wait3A_358, %dma_wait3A_359] : memref<40x128xi32, #tpu.memory_space<vmem>> -> memref<1x128xi32, #tpu.memory_space<vmem>>
      %dma_wait3A_361 = tpu.memref_squeeze %dma_wait3A_360 : memref<1x128xi32, #tpu.memory_space<vmem>> -> memref<128xi32, #tpu.memory_space<vmem>>
      %dma_wait3A_362 = arith.constant 0 : i32
      %dma_wait3A_363 = arith.constant 0 : i32
      %dma_wait3A_364 = tpu.memref_slice %arg14[%dma_wait3A_362, %dma_wait3A_363] : memref<10000x64xf32, #tpu.memory_space<vmem_shared>> -> memref<10000x64xf32, #tpu.memory_space<vmem_shared>>
      tpu.wait_indirect_dma semaphore(%arg18 : memref<!tpu.dma_semaphore, #tpu.memory_space<semaphore_mem>>) src(%dma_wait3A_364 : memref<10000x64xf32, #tpu.memory_space<vmem_shared>>) dst(%arg12 : memref<128x64xf32, #tpu.memory_space<vmem>>)
      %add3A_365 = arith.constant 3 : i32
      %add3A_366 = arith.addi %mul3A_312, %add3A_365 : i32
      %dma_start3A_367 = arith.constant 0 : i32
      %dma_start3A_368 = tpu.memref_slice %arg8[%add3A_366, %dma_start3A_367] : memref<40x128xi32, #tpu.memory_space<vmem>> -> memref<1x128xi32, #tpu.memory_space<vmem>>
      %dma_start3A_369 = tpu.memref_squeeze %dma_start3A_368 : memref<1x128xi32, #tpu.memory_space<vmem>> -> memref<128xi32, #tpu.memory_space<vmem>>
      %dma_start3A_370 = arith.constant 0 : i32
      %dma_start3A_371 = arith.constant 0 : i32
      %dma_start3A_372 = tpu.memref_slice %arg13[%dma_start3A_370, %dma_start3A_371] : memref<10240x64xf32, #tpu.memory_space<vmem_shared>> -> memref<10240x64xf32, #tpu.memory_space<vmem_shared>>
      tpu.enqueue_indirect_dma source(%arg12 : memref<128x64xf32, #tpu.memory_space<vmem>>) target(%dma_start3A_372 : memref<10240x64xf32, #tpu.memory_space<vmem_shared>>) offsets(%dma_start3A_369 : memref<128xi32, #tpu.memory_space<vmem>>) semaphore(%arg22 : memref<!tpu.dma_semaphore, #tpu.memory_space<semaphore_mem>>) {add = true}
      %dma_wait3A_373 = arith.constant 0 : i32
      %dma_wait3A_374 = arith.constant 0 : i32
      %dma_wait3A_375 = tpu.memref_slice %arg6[%arg0, %dma_wait3A_373, %dma_wait3A_374] : memref<2x10240x64xf32, #tpu.memory_space<hbm>> -> memref<1x128x64xf32, #tpu.memory_space<hbm>>
      %dma_wait3A_376 = tpu.memref_squeeze %dma_wait3A_375 : memref<1x128x64xf32, #tpu.memory_space<hbm>> -> memref<128x64xf32, #tpu.memory_space<hbm>>
      %dma_wait3A_377 = arith.constant 0 : i32
      %dma_wait3A_378 = arith.constant 0 : i32
      %dma_wait3A_379 = tpu.memref_slice %arg6[%arg0, %dma_wait3A_377, %dma_wait3A_378] : memref<2x10240x64xf32, #tpu.memory_space<hbm>> -> memref<1x128x64xf32, #tpu.memory_space<hbm>>
      %dma_wait3A_380 = tpu.memref_squeeze %dma_wait3A_379 : memref<1x128x64xf32, #tpu.memory_space<hbm>> -> memref<128x64xf32, #tpu.memory_space<hbm>>
      tpu.wait_dma2 semaphore(%arg19 : memref<!tpu.dma_semaphore, #tpu.memory_space<semaphore_mem>>) src(%arg9 : memref<128x64xf32, #tpu.memory_space<vmem>>) dst(%dma_wait3A_380 : memref<128x64xf32, #tpu.memory_space<hbm>>)
      %lt3A = arith.constant 9 : i32
      %lt3A_381 = arith.cmpi slt, %scan3A_310, %lt3A : i32
      %convert_element_type3A = arith.extui %lt3A_381 : i1 to i32
      %cond3A = arith.constant 0 : i32
      %cond3A_382 = arith.cmpi ne, %convert_element_type3A, %cond3A : i32
      scf.if %cond3A_382 {
        %add3A_422 = arith.constant 4 : i32
        %add3A_423 = arith.addi %mul3A_312, %add3A_422 : i32
        %add3A_424 = arith.constant 0 : i32
        %add3A_425 = arith.addi %add3A_423, %add3A_424 : i32
        %dma_start3A_426 = arith.constant 0 : i32
        %dma_start3A_427 = tpu.memref_slice %arg7[%add3A_425, %dma_start3A_426] : memref<40x128xi32, #tpu.memory_space<vmem>> -> memref<1x128xi32, #tpu.memory_space<vmem>>
        %dma_start3A_428 = tpu.memref_squeeze %dma_start3A_427 : memref<1x128xi32, #tpu.memory_space<vmem>> -> memref<128xi32, #tpu.memory_space<vmem>>
        %dma_start3A_429 = arith.constant 0 : i32
        %dma_start3A_430 = arith.constant 0 : i32
        %dma_start3A_431 = tpu.memref_slice %arg14[%dma_start3A_429, %dma_start3A_430] : memref<10000x64xf32, #tpu.memory_space<vmem_shared>> -> memref<10000x64xf32, #tpu.memory_space<vmem_shared>>
        tpu.enqueue_indirect_dma source(%dma_start3A_431 : memref<10000x64xf32, #tpu.memory_space<vmem_shared>>) target(%arg9 : memref<128x64xf32, #tpu.memory_space<vmem>>) offsets(%dma_start3A_428 : memref<128xi32, #tpu.memory_space<vmem>>) semaphore(%arg15 : memref<!tpu.dma_semaphore, #tpu.memory_space<semaphore_mem>>)
      } else {
      }
      %dma_wait3A_383 = arith.constant 0 : i32
      %dma_wait3A_384 = arith.constant 0 : i32
      %dma_wait3A_385 = tpu.memref_slice %arg6[%arg0, %dma_wait3A_383, %dma_wait3A_384] : memref<2x10240x64xf32, #tpu.memory_space<hbm>> -> memref<1x128x64xf32, #tpu.memory_space<hbm>>
      %dma_wait3A_386 = tpu.memref_squeeze %dma_wait3A_385 : memref<1x128x64xf32, #tpu.memory_space<hbm>> -> memref<128x64xf32, #tpu.memory_space<hbm>>
      %dma_wait3A_387 = arith.constant 0 : i32
      %dma_wait3A_388 = arith.constant 0 : i32
      %dma_wait3A_389 = tpu.memref_slice %arg6[%arg0, %dma_wait3A_387, %dma_wait3A_388] : memref<2x10240x64xf32, #tpu.memory_space<hbm>> -> memref<1x128x64xf32, #tpu.memory_space<hbm>>
      %dma_wait3A_390 = tpu.memref_squeeze %dma_wait3A_389 : memref<1x128x64xf32, #tpu.memory_space<hbm>> -> memref<128x64xf32, #tpu.memory_space<hbm>>
      tpu.wait_dma2 semaphore(%arg20 : memref<!tpu.dma_semaphore, #tpu.memory_space<semaphore_mem>>) src(%arg10 : memref<128x64xf32, #tpu.memory_space<vmem>>) dst(%dma_wait3A_390 : memref<128x64xf32, #tpu.memory_space<hbm>>)
      %lt3A_391 = arith.constant 9 : i32
      %lt3A_392 = arith.cmpi slt, %scan3A_310, %lt3A_391 : i32
      %convert_element_type3A_393 = arith.extui %lt3A_392 : i1 to i32
      %cond3A_394 = arith.constant 0 : i32
      %cond3A_395 = arith.cmpi ne, %convert_element_type3A_393, %cond3A_394 : i32
      scf.if %cond3A_395 {
        %add3A_422 = arith.constant 4 : i32
        %add3A_423 = arith.addi %mul3A_312, %add3A_422 : i32
        %add3A_424 = arith.constant 1 : i32
        %add3A_425 = arith.addi %add3A_423, %add3A_424 : i32
        %dma_start3A_426 = arith.constant 0 : i32
        %dma_start3A_427 = tpu.memref_slice %arg7[%add3A_425, %dma_start3A_426] : memref<40x128xi32, #tpu.memory_space<vmem>> -> memref<1x128xi32, #tpu.memory_space<vmem>>
        %dma_start3A_428 = tpu.memref_squeeze %dma_start3A_427 : memref<1x128xi32, #tpu.memory_space<vmem>> -> memref<128xi32, #tpu.memory_space<vmem>>
        %dma_start3A_429 = arith.constant 0 : i32
        %dma_start3A_430 = arith.constant 0 : i32
        %dma_start3A_431 = tpu.memref_slice %arg14[%dma_start3A_429, %dma_start3A_430] : memref<10000x64xf32, #tpu.memory_space<vmem_shared>> -> memref<10000x64xf32, #tpu.memory_space<vmem_shared>>
        tpu.enqueue_indirect_dma source(%dma_start3A_431 : memref<10000x64xf32, #tpu.memory_space<vmem_shared>>) target(%arg10 : memref<128x64xf32, #tpu.memory_space<vmem>>) offsets(%dma_start3A_428 : memref<128xi32, #tpu.memory_space<vmem>>) semaphore(%arg16 : memref<!tpu.dma_semaphore, #tpu.memory_space<semaphore_mem>>)
      } else {
      }
      %dma_wait3A_396 = arith.constant 0 : i32
      %dma_wait3A_397 = arith.constant 0 : i32
      %dma_wait3A_398 = tpu.memref_slice %arg6[%arg0, %dma_wait3A_396, %dma_wait3A_397] : memref<2x10240x64xf32, #tpu.memory_space<hbm>> -> memref<1x128x64xf32, #tpu.memory_space<hbm>>
      %dma_wait3A_399 = tpu.memref_squeeze %dma_wait3A_398 : memref<1x128x64xf32, #tpu.memory_space<hbm>> -> memref<128x64xf32, #tpu.memory_space<hbm>>
      %dma_wait3A_400 = arith.constant 0 : i32
      %dma_wait3A_401 = arith.constant 0 : i32
      %dma_wait3A_402 = tpu.memref_slice %arg6[%arg0, %dma_wait3A_400, %dma_wait3A_401] : memref<2x10240x64xf32, #tpu.memory_space<hbm>> -> memref<1x128x64xf32, #tpu.memory_space<hbm>>
      %dma_wait3A_403 = tpu.memref_squeeze %dma_wait3A_402 : memref<1x128x64xf32, #tpu.memory_space<hbm>> -> memref<128x64xf32, #tpu.memory_space<hbm>>
      tpu.wait_dma2 semaphore(%arg21 : memref<!tpu.dma_semaphore, #tpu.memory_space<semaphore_mem>>) src(%arg11 : memref<128x64xf32, #tpu.memory_space<vmem>>) dst(%dma_wait3A_403 : memref<128x64xf32, #tpu.memory_space<hbm>>)
      %lt3A_404 = arith.constant 9 : i32
      %lt3A_405 = arith.cmpi slt, %scan3A_310, %lt3A_404 : i32
      %convert_element_type3A_406 = arith.extui %lt3A_405 : i1 to i32
      %cond3A_407 = arith.constant 0 : i32
      %cond3A_408 = arith.cmpi ne, %convert_element_type3A_406, %cond3A_407 : i32
      scf.if %cond3A_408 {
        %add3A_422 = arith.constant 4 : i32
        %add3A_423 = arith.addi %mul3A_312, %add3A_422 : i32
        %add3A_424 = arith.constant 2 : i32
        %add3A_425 = arith.addi %add3A_423, %add3A_424 : i32
        %dma_start3A_426 = arith.constant 0 : i32
        %dma_start3A_427 = tpu.memref_slice %arg7[%add3A_425, %dma_start3A_426] : memref<40x128xi32, #tpu.memory_space<vmem>> -> memref<1x128xi32, #tpu.memory_space<vmem>>
        %dma_start3A_428 = tpu.memref_squeeze %dma_start3A_427 : memref<1x128xi32, #tpu.memory_space<vmem>> -> memref<128xi32, #tpu.memory_space<vmem>>
        %dma_start3A_429 = arith.constant 0 : i32
        %dma_start3A_430 = arith.constant 0 : i32
        %dma_start3A_431 = tpu.memref_slice %arg14[%dma_start3A_429, %dma_start3A_430] : memref<10000x64xf32, #tpu.memory_space<vmem_shared>> -> memref<10000x64xf32, #tpu.memory_space<vmem_shared>>
        tpu.enqueue_indirect_dma source(%dma_start3A_431 : memref<10000x64xf32, #tpu.memory_space<vmem_shared>>) target(%arg11 : memref<128x64xf32, #tpu.memory_space<vmem>>) offsets(%dma_start3A_428 : memref<128xi32, #tpu.memory_space<vmem>>) semaphore(%arg17 : memref<!tpu.dma_semaphore, #tpu.memory_space<semaphore_mem>>)
      } else {
      }
      %dma_wait3A_409 = arith.constant 0 : i32
      %dma_wait3A_410 = arith.constant 0 : i32
      %dma_wait3A_411 = tpu.memref_slice %arg6[%arg0, %dma_wait3A_409, %dma_wait3A_410] : memref<2x10240x64xf32, #tpu.memory_space<hbm>> -> memref<1x128x64xf32, #tpu.memory_space<hbm>>
      %dma_wait3A_412 = tpu.memref_squeeze %dma_wait3A_411 : memref<1x128x64xf32, #tpu.memory_space<hbm>> -> memref<128x64xf32, #tpu.memory_space<hbm>>
      %dma_wait3A_413 = arith.constant 0 : i32
      %dma_wait3A_414 = arith.constant 0 : i32
      %dma_wait3A_415 = tpu.memref_slice %arg6[%arg0, %dma_wait3A_413, %dma_wait3A_414] : memref<2x10240x64xf32, #tpu.memory_space<hbm>> -> memref<1x128x64xf32, #tpu.memory_space<hbm>>
      %dma_wait3A_416 = tpu.memref_squeeze %dma_wait3A_415 : memref<1x128x64xf32, #tpu.memory_space<hbm>> -> memref<128x64xf32, #tpu.memory_space<hbm>>
      tpu.wait_dma2 semaphore(%arg22 : memref<!tpu.dma_semaphore, #tpu.memory_space<semaphore_mem>>) src(%arg12 : memref<128x64xf32, #tpu.memory_space<vmem>>) dst(%dma_wait3A_416 : memref<128x64xf32, #tpu.memory_space<hbm>>)
      %lt3A_417 = arith.constant 9 : i32
      %lt3A_418 = arith.cmpi slt, %scan3A_310, %lt3A_417 : i32
      %convert_element_type3A_419 = arith.extui %lt3A_418 : i1 to i32
      %cond3A_420 = arith.constant 0 : i32
      %cond3A_421 = arith.cmpi ne, %convert_element_type3A_419, %cond3A_420 : i32
      scf.if %cond3A_421 {
        %add3A_422 = arith.constant 4 : i32
        %add3A_423 = arith.addi %mul3A_312, %add3A_422 : i32
        %add3A_424 = arith.constant 3 : i32
        %add3A_425 = arith.addi %add3A_423, %add3A_424 : i32
        %dma_start3A_426 = arith.constant 0 : i32
        %dma_start3A_427 = tpu.memref_slice %arg7[%add3A_425, %dma_start3A_426] : memref<40x128xi32, #tpu.memory_space<vmem>> -> memref<1x128xi32, #tpu.memory_space<vmem>>
        %dma_start3A_428 = tpu.memref_squeeze %dma_start3A_427 : memref<1x128xi32, #tpu.memory_space<vmem>> -> memref<128xi32, #tpu.memory_space<vmem>>
        %dma_start3A_429 = arith.constant 0 : i32
        %dma_start3A_430 = arith.constant 0 : i32
        %dma_start3A_431 = tpu.memref_slice %arg14[%dma_start3A_429, %dma_start3A_430] : memref<10000x64xf32, #tpu.memory_space<vmem_shared>> -> memref<10000x64xf32, #tpu.memory_space<vmem_shared>>
        tpu.enqueue_indirect_dma source(%dma_start3A_431 : memref<10000x64xf32, #tpu.memory_space<vmem_shared>>) target(%arg12 : memref<128x64xf32, #tpu.memory_space<vmem>>) offsets(%dma_start3A_428 : memref<128xi32, #tpu.memory_space<vmem>>) semaphore(%arg18 : memref<!tpu.dma_semaphore, #tpu.memory_space<semaphore_mem>>)
      } else {
      }
    }
    %scan3A_169 = arith.constant 10 : i32
    %barrier3A_170 = arith.constant 0 : index
    tpu.barrier barrier_id(%barrier3A_170)
    %mul3A_171 = arith.constant 640 : i32
    %mul3A_172 = arith.muli %arg1, %mul3A_171 : i32
    %add3A_173 = arith.constant 0 : i32
    %add3A_174 = arith.addi %mul3A_172, %add3A_173 : i32
    %dma_start3A_175 = arith.constant 0 : i32
    %dma_start3A_176 = tpu.memref_slice %arg13[%add3A_174, %dma_start3A_175] : memref<10240x64xf32, #tpu.memory_space<vmem_shared>> -> memref<128x64xf32, #tpu.memory_space<vmem_shared>>
    %dma_start3A_177 = arith.constant 0 : i32
    %dma_start3A_178 = tpu.memref_slice %arg13[%add3A_174, %dma_start3A_177] : memref<10240x64xf32, #tpu.memory_space<vmem_shared>> -> memref<128x64xf32, #tpu.memory_space<vmem_shared>>
    tpu.enqueue_dma source(%dma_start3A_178 : memref<128x64xf32, #tpu.memory_space<vmem_shared>>) target(%arg9 : memref<128x64xf32, #tpu.memory_space<vmem>>) target_semaphore(%arg15 : memref<!tpu.dma_semaphore, #tpu.memory_space<semaphore_mem>>)
    %dma_wait3A = arith.constant 0 : i32
    %dma_wait3A_179 = tpu.memref_slice %arg13[%add3A_174, %dma_wait3A] : memref<10240x64xf32, #tpu.memory_space<vmem_shared>> -> memref<128x64xf32, #tpu.memory_space<vmem_shared>>
    %dma_wait3A_180 = arith.constant 0 : i32
    %dma_wait3A_181 = tpu.memref_slice %arg13[%add3A_174, %dma_wait3A_180] : memref<10240x64xf32, #tpu.memory_space<vmem_shared>> -> memref<128x64xf32, #tpu.memory_space<vmem_shared>>
    tpu.wait_dma2 semaphore(%arg15 : memref<!tpu.dma_semaphore, #tpu.memory_space<semaphore_mem>>) src(%dma_wait3A_181 : memref<128x64xf32, #tpu.memory_space<vmem_shared>>) dst(%arg9 : memref<128x64xf32, #tpu.memory_space<vmem>>)
    %dma_start3A_182 = arith.constant 0 : i32
    %dma_start3A_183 = tpu.memref_slice %arg6[%arg0, %add3A_174, %dma_start3A_182] : memref<2x10240x64xf32, #tpu.memory_space<hbm>> -> memref<1x128x64xf32, #tpu.memory_space<hbm>>
    %dma_start3A_184 = tpu.memref_squeeze %dma_start3A_183 : memref<1x128x64xf32, #tpu.memory_space<hbm>> -> memref<128x64xf32, #tpu.memory_space<hbm>>
    %dma_start3A_185 = arith.constant 0 : i32
    %dma_start3A_186 = tpu.memref_slice %arg6[%arg0, %add3A_174, %dma_start3A_185] : memref<2x10240x64xf32, #tpu.memory_space<hbm>> -> memref<1x128x64xf32, #tpu.memory_space<hbm>>
    %dma_start3A_187 = tpu.memref_squeeze %dma_start3A_186 : memref<1x128x64xf32, #tpu.memory_space<hbm>> -> memref<128x64xf32, #tpu.memory_space<hbm>>
    tpu.enqueue_dma source(%arg9 : memref<128x64xf32, #tpu.memory_space<vmem>>) target(%dma_start3A_187 : memref<128x64xf32, #tpu.memory_space<hbm>>) target_semaphore(%arg19 : memref<!tpu.dma_semaphore, #tpu.memory_space<semaphore_mem>>)
    %mul3A_188 = arith.constant 640 : i32
    %mul3A_189 = arith.muli %arg1, %mul3A_188 : i32
    %add3A_190 = arith.constant 128 : i32
    %add3A_191 = arith.addi %mul3A_189, %add3A_190 : i32
    %dma_start3A_192 = arith.constant 0 : i32
    %dma_start3A_193 = tpu.memref_slice %arg13[%add3A_191, %dma_start3A_192] : memref<10240x64xf32, #tpu.memory_space<vmem_shared>> -> memref<128x64xf32, #tpu.memory_space<vmem_shared>>
    %dma_start3A_194 = arith.constant 0 : i32
    %dma_start3A_195 = tpu.memref_slice %arg13[%add3A_191, %dma_start3A_194] : memref<10240x64xf32, #tpu.memory_space<vmem_shared>> -> memref<128x64xf32, #tpu.memory_space<vmem_shared>>
    tpu.enqueue_dma source(%dma_start3A_195 : memref<128x64xf32, #tpu.memory_space<vmem_shared>>) target(%arg10 : memref<128x64xf32, #tpu.memory_space<vmem>>) target_semaphore(%arg16 : memref<!tpu.dma_semaphore, #tpu.memory_space<semaphore_mem>>)
    %dma_wait3A_196 = arith.constant 0 : i32
    %dma_wait3A_197 = tpu.memref_slice %arg13[%add3A_191, %dma_wait3A_196] : memref<10240x64xf32, #tpu.memory_space<vmem_shared>> -> memref<128x64xf32, #tpu.memory_space<vmem_shared>>
    %dma_wait3A_198 = arith.constant 0 : i32
    %dma_wait3A_199 = tpu.memref_slice %arg13[%add3A_191, %dma_wait3A_198] : memref<10240x64xf32, #tpu.memory_space<vmem_shared>> -> memref<128x64xf32, #tpu.memory_space<vmem_shared>>
    tpu.wait_dma2 semaphore(%arg16 : memref<!tpu.dma_semaphore, #tpu.memory_space<semaphore_mem>>) src(%dma_wait3A_199 : memref<128x64xf32, #tpu.memory_space<vmem_shared>>) dst(%arg10 : memref<128x64xf32, #tpu.memory_space<vmem>>)
    %dma_start3A_200 = arith.constant 0 : i32
    %dma_start3A_201 = tpu.memref_slice %arg6[%arg0, %add3A_191, %dma_start3A_200] : memref<2x10240x64xf32, #tpu.memory_space<hbm>> -> memref<1x128x64xf32, #tpu.memory_space<hbm>>
    %dma_start3A_202 = tpu.memref_squeeze %dma_start3A_201 : memref<1x128x64xf32, #tpu.memory_space<hbm>> -> memref<128x64xf32, #tpu.memory_space<hbm>>
    %dma_start3A_203 = arith.constant 0 : i32
    %dma_start3A_204 = tpu.memref_slice %arg6[%arg0, %add3A_191, %dma_start3A_203] : memref<2x10240x64xf32, #tpu.memory_space<hbm>> -> memref<1x128x64xf32, #tpu.memory_space<hbm>>
    %dma_start3A_205 = tpu.memref_squeeze %dma_start3A_204 : memref<1x128x64xf32, #tpu.memory_space<hbm>> -> memref<128x64xf32, #tpu.memory_space<hbm>>
    tpu.enqueue_dma source(%arg10 : memref<128x64xf32, #tpu.memory_space<vmem>>) target(%dma_start3A_205 : memref<128x64xf32, #tpu.memory_space<hbm>>) target_semaphore(%arg20 : memref<!tpu.dma_semaphore, #tpu.memory_space<semaphore_mem>>)
    %mul3A_206 = arith.constant 640 : i32
    %mul3A_207 = arith.muli %arg1, %mul3A_206 : i32
    %add3A_208 = arith.constant 256 : i32
    %add3A_209 = arith.addi %mul3A_207, %add3A_208 : i32
    %dma_start3A_210 = arith.constant 0 : i32
    %dma_start3A_211 = tpu.memref_slice %arg13[%add3A_209, %dma_start3A_210] : memref<10240x64xf32, #tpu.memory_space<vmem_shared>> -> memref<128x64xf32, #tpu.memory_space<vmem_shared>>
    %dma_start3A_212 = arith.constant 0 : i32
    %dma_start3A_213 = tpu.memref_slice %arg13[%add3A_209, %dma_start3A_212] : memref<10240x64xf32, #tpu.memory_space<vmem_shared>> -> memref<128x64xf32, #tpu.memory_space<vmem_shared>>
    tpu.enqueue_dma source(%dma_start3A_213 : memref<128x64xf32, #tpu.memory_space<vmem_shared>>) target(%arg11 : memref<128x64xf32, #tpu.memory_space<vmem>>) target_semaphore(%arg17 : memref<!tpu.dma_semaphore, #tpu.memory_space<semaphore_mem>>)
    %dma_wait3A_214 = arith.constant 0 : i32
    %dma_wait3A_215 = tpu.memref_slice %arg13[%add3A_209, %dma_wait3A_214] : memref<10240x64xf32, #tpu.memory_space<vmem_shared>> -> memref<128x64xf32, #tpu.memory_space<vmem_shared>>
    %dma_wait3A_216 = arith.constant 0 : i32
    %dma_wait3A_217 = tpu.memref_slice %arg13[%add3A_209, %dma_wait3A_216] : memref<10240x64xf32, #tpu.memory_space<vmem_shared>> -> memref<128x64xf32, #tpu.memory_space<vmem_shared>>
    tpu.wait_dma2 semaphore(%arg17 : memref<!tpu.dma_semaphore, #tpu.memory_space<semaphore_mem>>) src(%dma_wait3A_217 : memref<128x64xf32, #tpu.memory_space<vmem_shared>>) dst(%arg11 : memref<128x64xf32, #tpu.memory_space<vmem>>)
    %dma_start3A_218 = arith.constant 0 : i32
    %dma_start3A_219 = tpu.memref_slice %arg6[%arg0, %add3A_209, %dma_start3A_218] : memref<2x10240x64xf32, #tpu.memory_space<hbm>> -> memref<1x128x64xf32, #tpu.memory_space<hbm>>
    %dma_start3A_220 = tpu.memref_squeeze %dma_start3A_219 : memref<1x128x64xf32, #tpu.memory_space<hbm>> -> memref<128x64xf32, #tpu.memory_space<hbm>>
    %dma_start3A_221 = arith.constant 0 : i32
    %dma_start3A_222 = tpu.memref_slice %arg6[%arg0, %add3A_209, %dma_start3A_221] : memref<2x10240x64xf32, #tpu.memory_space<hbm>> -> memref<1x128x64xf32, #tpu.memory_space<hbm>>
    %dma_start3A_223 = tpu.memref_squeeze %dma_start3A_222 : memref<1x128x64xf32, #tpu.memory_space<hbm>> -> memref<128x64xf32, #tpu.memory_space<hbm>>
    tpu.enqueue_dma source(%arg11 : memref<128x64xf32, #tpu.memory_space<vmem>>) target(%dma_start3A_223 : memref<128x64xf32, #tpu.memory_space<hbm>>) target_semaphore(%arg21 : memref<!tpu.dma_semaphore, #tpu.memory_space<semaphore_mem>>)
    %mul3A_224 = arith.constant 640 : i32
    %mul3A_225 = arith.muli %arg1, %mul3A_224 : i32
    %add3A_226 = arith.constant 384 : i32
    %add3A_227 = arith.addi %mul3A_225, %add3A_226 : i32
    %dma_start3A_228 = arith.constant 0 : i32
    %dma_start3A_229 = tpu.memref_slice %arg13[%add3A_227, %dma_start3A_228] : memref<10240x64xf32, #tpu.memory_space<vmem_shared>> -> memref<128x64xf32, #tpu.memory_space<vmem_shared>>
    %dma_start3A_230 = arith.constant 0 : i32
    %dma_start3A_231 = tpu.memref_slice %arg13[%add3A_227, %dma_start3A_230] : memref<10240x64xf32, #tpu.memory_space<vmem_shared>> -> memref<128x64xf32, #tpu.memory_space<vmem_shared>>
    tpu.enqueue_dma source(%dma_start3A_231 : memref<128x64xf32, #tpu.memory_space<vmem_shared>>) target(%arg12 : memref<128x64xf32, #tpu.memory_space<vmem>>) target_semaphore(%arg18 : memref<!tpu.dma_semaphore, #tpu.memory_space<semaphore_mem>>)
    %dma_wait3A_232 = arith.constant 0 : i32
    %dma_wait3A_233 = tpu.memref_slice %arg13[%add3A_227, %dma_wait3A_232] : memref<10240x64xf32, #tpu.memory_space<vmem_shared>> -> memref<128x64xf32, #tpu.memory_space<vmem_shared>>
    %dma_wait3A_234 = arith.constant 0 : i32
    %dma_wait3A_235 = tpu.memref_slice %arg13[%add3A_227, %dma_wait3A_234] : memref<10240x64xf32, #tpu.memory_space<vmem_shared>> -> memref<128x64xf32, #tpu.memory_space<vmem_shared>>
    tpu.wait_dma2 semaphore(%arg18 : memref<!tpu.dma_semaphore, #tpu.memory_space<semaphore_mem>>) src(%dma_wait3A_235 : memref<128x64xf32, #tpu.memory_space<vmem_shared>>) dst(%arg12 : memref<128x64xf32, #tpu.memory_space<vmem>>)
    %dma_start3A_236 = arith.constant 0 : i32
    %dma_start3A_237 = tpu.memref_slice %arg6[%arg0, %add3A_227, %dma_start3A_236] : memref<2x10240x64xf32, #tpu.memory_space<hbm>> -> memref<1x128x64xf32, #tpu.memory_space<hbm>>
    %dma_start3A_238 = tpu.memref_squeeze %dma_start3A_237 : memref<1x128x64xf32, #tpu.memory_space<hbm>> -> memref<128x64xf32, #tpu.memory_space<hbm>>
    %dma_start3A_239 = arith.constant 0 : i32
    %dma_start3A_240 = tpu.memref_slice %arg6[%arg0, %add3A_227, %dma_start3A_239] : memref<2x10240x64xf32, #tpu.memory_space<hbm>> -> memref<1x128x64xf32, #tpu.memory_space<hbm>>
    %dma_start3A_241 = tpu.memref_squeeze %dma_start3A_240 : memref<1x128x64xf32, #tpu.memory_space<hbm>> -> memref<128x64xf32, #tpu.memory_space<hbm>>
    tpu.enqueue_dma source(%arg12 : memref<128x64xf32, #tpu.memory_space<vmem>>) target(%dma_start3A_241 : memref<128x64xf32, #tpu.memory_space<hbm>>) target_semaphore(%arg22 : memref<!tpu.dma_semaphore, #tpu.memory_space<semaphore_mem>>)
    %mul3A_242 = arith.constant 640 : i32
    %mul3A_243 = arith.muli %arg1, %mul3A_242 : i32
    %add3A_244 = arith.constant 512 : i32
    %add3A_245 = arith.addi %mul3A_243, %add3A_244 : i32
    %mul3A_246 = arith.constant 640 : i32
    %mul3A_247 = arith.muli %arg1, %mul3A_246 : i32
    %add3A_248 = arith.constant 0 : i32
    %add3A_249 = arith.addi %mul3A_247, %add3A_248 : i32
    %dma_wait3A_250 = arith.constant 0 : i32
    %dma_wait3A_251 = tpu.memref_slice %arg6[%arg0, %add3A_249, %dma_wait3A_250] : memref<2x10240x64xf32, #tpu.memory_space<hbm>> -> memref<1x128x64xf32, #tpu.memory_space<hbm>>
    %dma_wait3A_252 = tpu.memref_squeeze %dma_wait3A_251 : memref<1x128x64xf32, #tpu.memory_space<hbm>> -> memref<128x64xf32, #tpu.memory_space<hbm>>
    %dma_wait3A_253 = arith.constant 0 : i32
    %dma_wait3A_254 = tpu.memref_slice %arg6[%arg0, %add3A_249, %dma_wait3A_253] : memref<2x10240x64xf32, #tpu.memory_space<hbm>> -> memref<1x128x64xf32, #tpu.memory_space<hbm>>
    %dma_wait3A_255 = tpu.memref_squeeze %dma_wait3A_254 : memref<1x128x64xf32, #tpu.memory_space<hbm>> -> memref<128x64xf32, #tpu.memory_space<hbm>>
    tpu.wait_dma2 semaphore(%arg19 : memref<!tpu.dma_semaphore, #tpu.memory_space<semaphore_mem>>) src(%arg9 : memref<128x64xf32, #tpu.memory_space<vmem>>) dst(%dma_wait3A_255 : memref<128x64xf32, #tpu.memory_space<hbm>>)
    %dma_start3A_256 = arith.constant 0 : i32
    %dma_start3A_257 = tpu.memref_slice %arg13[%add3A_245, %dma_start3A_256] : memref<10240x64xf32, #tpu.memory_space<vmem_shared>> -> memref<128x64xf32, #tpu.memory_space<vmem_shared>>
    %dma_start3A_258 = arith.constant 0 : i32
    %dma_start3A_259 = tpu.memref_slice %arg13[%add3A_245, %dma_start3A_258] : memref<10240x64xf32, #tpu.memory_space<vmem_shared>> -> memref<128x64xf32, #tpu.memory_space<vmem_shared>>
    tpu.enqueue_dma source(%dma_start3A_259 : memref<128x64xf32, #tpu.memory_space<vmem_shared>>) target(%arg9 : memref<128x64xf32, #tpu.memory_space<vmem>>) target_semaphore(%arg15 : memref<!tpu.dma_semaphore, #tpu.memory_space<semaphore_mem>>)
    %dma_wait3A_260 = arith.constant 0 : i32
    %dma_wait3A_261 = tpu.memref_slice %arg13[%add3A_245, %dma_wait3A_260] : memref<10240x64xf32, #tpu.memory_space<vmem_shared>> -> memref<128x64xf32, #tpu.memory_space<vmem_shared>>
    %dma_wait3A_262 = arith.constant 0 : i32
    %dma_wait3A_263 = tpu.memref_slice %arg13[%add3A_245, %dma_wait3A_262] : memref<10240x64xf32, #tpu.memory_space<vmem_shared>> -> memref<128x64xf32, #tpu.memory_space<vmem_shared>>
    tpu.wait_dma2 semaphore(%arg15 : memref<!tpu.dma_semaphore, #tpu.memory_space<semaphore_mem>>) src(%dma_wait3A_263 : memref<128x64xf32, #tpu.memory_space<vmem_shared>>) dst(%arg9 : memref<128x64xf32, #tpu.memory_space<vmem>>)
    %dma_start3A_264 = arith.constant 0 : i32
    %dma_start3A_265 = tpu.memref_slice %arg6[%arg0, %add3A_245, %dma_start3A_264] : memref<2x10240x64xf32, #tpu.memory_space<hbm>> -> memref<1x128x64xf32, #tpu.memory_space<hbm>>
    %dma_start3A_266 = tpu.memref_squeeze %dma_start3A_265 : memref<1x128x64xf32, #tpu.memory_space<hbm>> -> memref<128x64xf32, #tpu.memory_space<hbm>>
    %dma_start3A_267 = arith.constant 0 : i32
    %dma_start3A_268 = tpu.memref_slice %arg6[%arg0, %add3A_245, %dma_start3A_267] : memref<2x10240x64xf32, #tpu.memory_space<hbm>> -> memref<1x128x64xf32, #tpu.memory_space<hbm>>
    %dma_start3A_269 = tpu.memref_squeeze %dma_start3A_268 : memref<1x128x64xf32, #tpu.memory_space<hbm>> -> memref<128x64xf32, #tpu.memory_space<hbm>>
    tpu.enqueue_dma source(%arg9 : memref<128x64xf32, #tpu.memory_space<vmem>>) target(%dma_start3A_269 : memref<128x64xf32, #tpu.memory_space<hbm>>) target_semaphore(%arg19 : memref<!tpu.dma_semaphore, #tpu.memory_space<semaphore_mem>>)
    %mul3A_270 = arith.constant 640 : i32
    %mul3A_271 = arith.muli %arg1, %mul3A_270 : i32
    %add3A_272 = arith.constant 128 : i32
    %add3A_273 = arith.addi %mul3A_271, %add3A_272 : i32
    %dma_wait3A_274 = arith.constant 0 : i32
    %dma_wait3A_275 = tpu.memref_slice %arg6[%arg0, %add3A_273, %dma_wait3A_274] : memref<2x10240x64xf32, #tpu.memory_space<hbm>> -> memref<1x128x64xf32, #tpu.memory_space<hbm>>
    %dma_wait3A_276 = tpu.memref_squeeze %dma_wait3A_275 : memref<1x128x64xf32, #tpu.memory_space<hbm>> -> memref<128x64xf32, #tpu.memory_space<hbm>>
    %dma_wait3A_277 = arith.constant 0 : i32
    %dma_wait3A_278 = tpu.memref_slice %arg6[%arg0, %add3A_273, %dma_wait3A_277] : memref<2x10240x64xf32, #tpu.memory_space<hbm>> -> memref<1x128x64xf32, #tpu.memory_space<hbm>>
    %dma_wait3A_279 = tpu.memref_squeeze %dma_wait3A_278 : memref<1x128x64xf32, #tpu.memory_space<hbm>> -> memref<128x64xf32, #tpu.memory_space<hbm>>
    tpu.wait_dma2 semaphore(%arg20 : memref<!tpu.dma_semaphore, #tpu.memory_space<semaphore_mem>>) src(%arg10 : memref<128x64xf32, #tpu.memory_space<vmem>>) dst(%dma_wait3A_279 : memref<128x64xf32, #tpu.memory_space<hbm>>)
    %mul3A_280 = arith.constant 640 : i32
    %mul3A_281 = arith.muli %arg1, %mul3A_280 : i32
    %add3A_282 = arith.constant 256 : i32
    %add3A_283 = arith.addi %mul3A_281, %add3A_282 : i32
    %dma_wait3A_284 = arith.constant 0 : i32
    %dma_wait3A_285 = tpu.memref_slice %arg6[%arg0, %add3A_283, %dma_wait3A_284] : memref<2x10240x64xf32, #tpu.memory_space<hbm>> -> memref<1x128x64xf32, #tpu.memory_space<hbm>>
    %dma_wait3A_286 = tpu.memref_squeeze %dma_wait3A_285 : memref<1x128x64xf32, #tpu.memory_space<hbm>> -> memref<128x64xf32, #tpu.memory_space<hbm>>
    %dma_wait3A_287 = arith.constant 0 : i32
    %dma_wait3A_288 = tpu.memref_slice %arg6[%arg0, %add3A_283, %dma_wait3A_287] : memref<2x10240x64xf32, #tpu.memory_space<hbm>> -> memref<1x128x64xf32, #tpu.memory_space<hbm>>
    %dma_wait3A_289 = tpu.memref_squeeze %dma_wait3A_288 : memref<1x128x64xf32, #tpu.memory_space<hbm>> -> memref<128x64xf32, #tpu.memory_space<hbm>>
    tpu.wait_dma2 semaphore(%arg21 : memref<!tpu.dma_semaphore, #tpu.memory_space<semaphore_mem>>) src(%arg11 : memref<128x64xf32, #tpu.memory_space<vmem>>) dst(%dma_wait3A_289 : memref<128x64xf32, #tpu.memory_space<hbm>>)
    %mul3A_290 = arith.constant 640 : i32
    %mul3A_291 = arith.muli %arg1, %mul3A_290 : i32
    %add3A_292 = arith.constant 384 : i32
    %add3A_293 = arith.addi %mul3A_291, %add3A_292 : i32
    %dma_wait3A_294 = arith.constant 0 : i32
    %dma_wait3A_295 = tpu.memref_slice %arg6[%arg0, %add3A_293, %dma_wait3A_294] : memref<2x10240x64xf32, #tpu.memory_space<hbm>> -> memref<1x128x64xf32, #tpu.memory_space<hbm>>
    %dma_wait3A_296 = tpu.memref_squeeze %dma_wait3A_295 : memref<1x128x64xf32, #tpu.memory_space<hbm>> -> memref<128x64xf32, #tpu.memory_space<hbm>>
    %dma_wait3A_297 = arith.constant 0 : i32
    %dma_wait3A_298 = tpu.memref_slice %arg6[%arg0, %add3A_293, %dma_wait3A_297] : memref<2x10240x64xf32, #tpu.memory_space<hbm>> -> memref<1x128x64xf32, #tpu.memory_space<hbm>>
    %dma_wait3A_299 = tpu.memref_squeeze %dma_wait3A_298 : memref<1x128x64xf32, #tpu.memory_space<hbm>> -> memref<128x64xf32, #tpu.memory_space<hbm>>
    tpu.wait_dma2 semaphore(%arg22 : memref<!tpu.dma_semaphore, #tpu.memory_space<semaphore_mem>>) src(%arg12 : memref<128x64xf32, #tpu.memory_space<vmem>>) dst(%dma_wait3A_299 : memref<128x64xf32, #tpu.memory_space<hbm>>)
    %mul3A_300 = arith.constant 640 : i32
    %mul3A_301 = arith.muli %arg1, %mul3A_300 : i32
    %add3A_302 = arith.constant 512 : i32
    %add3A_303 = arith.addi %mul3A_301, %add3A_302 : i32
    %dma_wait3A_304 = arith.constant 0 : i32
    %dma_wait3A_305 = tpu.memref_slice %arg6[%arg0, %add3A_303, %dma_wait3A_304] : memref<2x10240x64xf32, #tpu.memory_space<hbm>> -> memref<1x128x64xf32, #tpu.memory_space<hbm>>
    %dma_wait3A_306 = tpu.memref_squeeze %dma_wait3A_305 : memref<1x128x64xf32, #tpu.memory_space<hbm>> -> memref<128x64xf32, #tpu.memory_space<hbm>>
    %dma_wait3A_307 = arith.constant 0 : i32
    %dma_wait3A_308 = tpu.memref_slice %arg6[%arg0, %add3A_303, %dma_wait3A_307] : memref<2x10240x64xf32, #tpu.memory_space<hbm>> -> memref<1x128x64xf32, #tpu.memory_space<hbm>>
    %dma_wait3A_309 = tpu.memref_squeeze %dma_wait3A_308 : memref<1x128x64xf32, #tpu.memory_space<hbm>> -> memref<128x64xf32, #tpu.memory_space<hbm>>
    tpu.wait_dma2 semaphore(%arg19 : memref<!tpu.dma_semaphore, #tpu.memory_space<semaphore_mem>>) src(%arg9 : memref<128x64xf32, #tpu.memory_space<vmem>>) dst(%dma_wait3A_309 : memref<128x64xf32, #tpu.memory_space<hbm>>)
    return
  }
}

#map = affine_map<(d0, d1) -> (0)>
#map1 = affine_map<(d0, d1) -> (0, 0)>
module attributes {stable_mosaic.version = 14 : i64} {
  func.func @_deg_kernel(%arg0: i32, %arg1: i32, %arg2: memref<327680xi32, #tpu.memory_space<hbm>>, %arg3: memref<32x10240xf32, #tpu.memory_space<hbm>>, %arg4: memref<10240xi32, #tpu.memory_space<vmem>>, %arg5: memref<10240xf32, #tpu.memory_space<vmem>>) attributes {dimension_semantics = [#tpu.dimension_semantics<core_parallel>, #tpu.dimension_semantics<subcore_parallel>], iteration_bounds = array<i64: 2, 16>, scalar_prefetch = 0 : i64, scratch_operands = 2 : i64, tpu.core_type = #tpu.core_type<sc_vector_subcore>, window_params = [{transform_indices = #map}, {transform_indices = #map1}]} {
    %mul3A = arith.constant 16 : i32
    %mul3A_0 = arith.muli %arg0, %mul3A : i32
    %add3A = arith.addi %mul3A_0, %arg1 : i32
    %mul3A_1 = arith.constant 10240 : i32
    %mul3A_2 = arith.muli %add3A, %mul3A_1 : i32
    "tpu.region"() ({
      %run_scoped3A = tpu.sem_alloc : memref<!tpu.dma_semaphore, #tpu.memory_space<semaphore_mem>>
      %dma_start3A = tpu.memref_slice %arg2[%mul3A_2] : memref<327680xi32, #tpu.memory_space<hbm>> -> memref<10240xi32, #tpu.memory_space<hbm>>
      %dma_start3A_17 = tpu.memref_slice %arg2[%mul3A_2] : memref<327680xi32, #tpu.memory_space<hbm>> -> memref<10240xi32, #tpu.memory_space<hbm>>
      tpu.enqueue_dma source(%dma_start3A_17 : memref<10240xi32, #tpu.memory_space<hbm>>) target(%arg4 : memref<10240xi32, #tpu.memory_space<vmem>>) target_semaphore(%run_scoped3A : memref<!tpu.dma_semaphore, #tpu.memory_space<semaphore_mem>>)
      %dma_wait3A = tpu.memref_slice %arg2[%mul3A_2] : memref<327680xi32, #tpu.memory_space<hbm>> -> memref<10240xi32, #tpu.memory_space<hbm>>
      %dma_wait3A_18 = tpu.memref_slice %arg2[%mul3A_2] : memref<327680xi32, #tpu.memory_space<hbm>> -> memref<10240xi32, #tpu.memory_space<hbm>>
      tpu.wait_dma2 semaphore(%run_scoped3A : memref<!tpu.dma_semaphore, #tpu.memory_space<semaphore_mem>>) src(%dma_wait3A_18 : memref<10240xi32, #tpu.memory_space<hbm>>) dst(%arg4 : memref<10240xi32, #tpu.memory_space<vmem>>)
      tpu.yield
    }) : () -> ()
    %broadcast_in_dim3A = arith.constant 0.000000e+00 : f32
    %broadcast_in_dim3A_3 = vector.broadcast %broadcast_in_dim3A : f32 to vector<16xf32>
    %scan3A = arith.constant 0 : i32
    %scan3A_4 = arith.constant 0 : i32
    %scan3A_5 = arith.constant 640 : i32
    %scan3A_6 = arith.addi %scan3A_4, %scan3A_5 : i32
    %scan3A_7 = arith.constant 1 : i32
    scf.for %scan3A_17 = %scan3A_4 to %scan3A_6 step %scan3A_7  : i32 {
      %mul3A_18 = arith.constant 16 : i32
      %mul3A_19 = arith.muli %scan3A_17, %mul3A_18 : i32
      %swap3A = arith.index_cast %mul3A_19 : i32 to index
      %swap3A_20 = tpu.vector_load %arg5[%swap3A] {strides = array<i32>} : memref<10240xf32, #tpu.memory_space<vmem>>, vector<16xf32>,
      tpu.vector_store %arg5[%swap3A], %broadcast_in_dim3A_3 {strides = array<i32>} : memref<10240xf32, #tpu.memory_space<vmem>>, vector<16xf32>,
    }
    %scan3A_8 = arith.constant 640 : i32
    %broadcast_in_dim3A_9 = arith.constant 1.000000e+00 : f32
    %broadcast_in_dim3A_10 = vector.broadcast %broadcast_in_dim3A_9 : f32 to vector<16xf32>
    %scan3A_11 = arith.constant 0 : i32
    %scan3A_12 = arith.constant 0 : i32
    %scan3A_13 = arith.constant 640 : i32
    %scan3A_14 = arith.addi %scan3A_12, %scan3A_13 : i32
    %scan3A_15 = arith.constant 1 : i32
    scf.for %scan3A_17 = %scan3A_12 to %scan3A_14 step %scan3A_15  : i32 {
      %mul3A_18 = arith.constant 16 : i32
      %mul3A_19 = arith.muli %scan3A_17, %mul3A_18 : i32
      %get3A = arith.index_cast %mul3A_19 : i32 to index
      %get3A_20 = tpu.vector_load %arg4[%get3A] {strides = array<i32>} : memref<10240xi32, #tpu.memory_space<vmem>>, vector<16xi32>,
      tpu.vector_store_idx %arg5[%get3A_20], %broadcast_in_dim3A_10 {add = true} : memref<10240xf32, #tpu.memory_space<vmem>>[vector<16xi32>], vector<16xf32>,
    }
    %scan3A_16 = arith.constant 640 : i32
    "tpu.region"() ({
      %run_scoped3A = tpu.sem_alloc : memref<!tpu.dma_semaphore, #tpu.memory_space<semaphore_mem>>
      %dma_start3A = arith.constant 0 : i32
      %dma_start3A_17 = tpu.memref_slice %arg3[%add3A, %dma_start3A] : memref<32x10240xf32, #tpu.memory_space<hbm>> -> memref<1x10240xf32, #tpu.memory_space<hbm>>
      %dma_start3A_18 = tpu.memref_squeeze %dma_start3A_17 : memref<1x10240xf32, #tpu.memory_space<hbm>> -> memref<10240xf32, #tpu.memory_space<hbm>>
      %dma_start3A_19 = arith.constant 0 : i32
      %dma_start3A_20 = tpu.memref_slice %arg3[%add3A, %dma_start3A_19] : memref<32x10240xf32, #tpu.memory_space<hbm>> -> memref<1x10240xf32, #tpu.memory_space<hbm>>
      %dma_start3A_21 = tpu.memref_squeeze %dma_start3A_20 : memref<1x10240xf32, #tpu.memory_space<hbm>> -> memref<10240xf32, #tpu.memory_space<hbm>>
      tpu.enqueue_dma source(%arg5 : memref<10240xf32, #tpu.memory_space<vmem>>) target(%dma_start3A_21 : memref<10240xf32, #tpu.memory_space<hbm>>) target_semaphore(%run_scoped3A : memref<!tpu.dma_semaphore, #tpu.memory_space<semaphore_mem>>)
      %dma_wait3A = arith.constant 0 : i32
      %dma_wait3A_22 = tpu.memref_slice %arg3[%add3A, %dma_wait3A] : memref<32x10240xf32, #tpu.memory_space<hbm>> -> memref<1x10240xf32, #tpu.memory_space<hbm>>
      %dma_wait3A_23 = tpu.memref_squeeze %dma_wait3A_22 : memref<1x10240xf32, #tpu.memory_space<hbm>> -> memref<10240xf32, #tpu.memory_space<hbm>>
      %dma_wait3A_24 = arith.constant 0 : i32
      %dma_wait3A_25 = tpu.memref_slice %arg3[%add3A, %dma_wait3A_24] : memref<32x10240xf32, #tpu.memory_space<hbm>> -> memref<1x10240xf32, #tpu.memory_space<hbm>>
      %dma_wait3A_26 = tpu.memref_squeeze %dma_wait3A_25 : memref<1x10240xf32, #tpu.memory_space<hbm>> -> memref<10240xf32, #tpu.memory_space<hbm>>
      tpu.wait_dma2 semaphore(%run_scoped3A : memref<!tpu.dma_semaphore, #tpu.memory_space<semaphore_mem>>) src(%arg5 : memref<10240xf32, #tpu.memory_space<vmem>>) dst(%dma_wait3A_26 : memref<10240xf32, #tpu.memory_space<hbm>>)
      tpu.yield
    }) : () -> ()
    return
  }
}

module attributes {stable_mosaic.version = 14 : i64} {
  func.func @_scale_body(%arg0: i32, %arg1: memref<1000x32xf32, #tpu.memory_space<vmem>>, %arg2: memref<1000x128xf32, #tpu.memory_space<vmem>>, %arg3: memref<1000x1xf32, #tpu.memory_space<vmem>>, %arg4: memref<2x1000x64xf32, #tpu.memory_space<vmem>>) attributes {dimension_semantics = [#tpu.dimension_semantics<arbitrary>], iteration_bounds = array<i64: 10>, scalar_prefetch = 0 : i64, scratch_operands = 0 : i64, tpu.core_type = #tpu.core_type<tc>, window_params = [{transform_indices = @transform_0, window_bounds = array<i64: 1000, 32>}, {transform_indices = @transform_1, window_bounds = array<i64: 1000, 128>}, {transform_indices = @transform_2, window_bounds = array<i64: 1000, 1>}, {transform_indices = @transform_3, window_bounds = array<i64: 2, 1000, 64>}]} {
    %get3A = arith.constant 0 : index
    %get3A_0 = arith.constant 0 : index
    %get3A_1 = vector.load %arg1[%get3A, %get3A_0] : memref<1000x32xf32, #tpu.memory_space<vmem>>, vector<1000x32xf32>
    %reduce_sum3A = arith.constant dense<0.000000e+00> : vector<1000xf32>
    %reduce_sum3A_2 = vector.multi_reduction <add>, %get3A_1, %reduce_sum3A [1] : vector<1000x32xf32> to vector<1000xf32>
    %broadcast_in_dim3A = vector.shape_cast %reduce_sum3A_2 : vector<1000xf32> to vector<1000x1xf32>
    %add3A = arith.constant 1.000000e+00 : f32
    %add3A_3 = vector.broadcast %add3A : f32 to vector<1000x1xf32>
    %add3A_4 = arith.addf %broadcast_in_dim3A, %add3A_3 : vector<1000x1xf32>
    %rsqrt3A = math.rsqrt %add3A_4 : vector<1000x1xf32>
    %swap3A = arith.constant 0 : index
    %swap3A_5 = arith.constant 0 : index
    %swap3A_6 = vector.load %arg3[%swap3A, %swap3A_5] : memref<1000x1xf32, #tpu.memory_space<vmem>>, vector<1000x1xf32>
    tpu.vector_store %arg3[%swap3A, %swap3A_5], %rsqrt3A {strides = array<i32>} : memref<1000x1xf32, #tpu.memory_space<vmem>>, vector<1000x1xf32>,
    %get3A_7 = arith.constant 0 : index
    %get3A_8 = arith.constant 0 : index
    %get3A_9 = vector.load %arg2[%get3A_7, %get3A_8] : memref<1000x128xf32, #tpu.memory_space<vmem>>, vector<1000x64xf32>
    %mul3A = vector.broadcast %rsqrt3A : vector<1000x1xf32> to vector<1000x64xf32>
    %mul3A_10 = arith.mulf %mul3A, %get3A_9 : vector<1000x64xf32>
    %swap3A_11 = arith.constant 0 : index
    %swap3A_12 = arith.constant 0 : index
    %swap3A_13 = arith.constant 0 : index
    %swap3A_14 = vector.load %arg4[%swap3A_11, %swap3A_12, %swap3A_13] : memref<2x1000x64xf32, #tpu.memory_space<vmem>>, vector<1x1000x64xf32>
    %swap3A_15 = vector.shape_cast %swap3A_14 : vector<1x1000x64xf32> to vector<1000x64xf32>
    %swap3A_16 = vector.shape_cast %mul3A_10 : vector<1000x64xf32> to vector<1x1000x64xf32>
    tpu.vector_store %arg4[%swap3A_11, %swap3A_12, %swap3A_13], %swap3A_16 {strides = array<i32>} : memref<2x1000x64xf32, #tpu.memory_space<vmem>>, vector<1x1000x64xf32>,
    %get3A_17 = arith.constant 0 : index
    %get3A_18 = arith.constant 64 : index
    %get3A_19 = vector.load %arg2[%get3A_17, %get3A_18] : memref<1000x128xf32, #tpu.memory_space<vmem>>, vector<1000x64xf32>
    %mul3A_20 = vector.broadcast %rsqrt3A : vector<1000x1xf32> to vector<1000x64xf32>
    %mul3A_21 = arith.mulf %mul3A_20, %get3A_19 : vector<1000x64xf32>
    %swap3A_22 = arith.constant 1 : index
    %swap3A_23 = arith.constant 0 : index
    %swap3A_24 = arith.constant 0 : index
    %swap3A_25 = vector.load %arg4[%swap3A_22, %swap3A_23, %swap3A_24] : memref<2x1000x64xf32, #tpu.memory_space<vmem>>, vector<1x1000x64xf32>
    %swap3A_26 = vector.shape_cast %swap3A_25 : vector<1x1000x64xf32> to vector<1000x64xf32>
    %swap3A_27 = vector.shape_cast %mul3A_21 : vector<1000x64xf32> to vector<1x1000x64xf32>
    tpu.vector_store %arg4[%swap3A_22, %swap3A_23, %swap3A_24], %swap3A_27 {strides = array<i32>} : memref<2x1000x64xf32, #tpu.memory_space<vmem>>, vector<1x1000x64xf32>,
    return
  }
  func.func @transform_0(%arg0: i32) -> (i32, i32) {
    %c0_i32 = arith.constant 0 : i32
    %c0_i32_0 = arith.constant 0 : i32
    return %arg0, %c0_i32 : i32, i32
  }
  func.func @transform_1(%arg0: i32) -> (i32, i32) {
    %c0_i32 = arith.constant 0 : i32
    %c0_i32_0 = arith.constant 0 : i32
    return %arg0, %c0_i32 : i32, i32
  }
  func.func @transform_2(%arg0: i32) -> (i32, i32) {
    %c0_i32 = arith.constant 0 : i32
    %c0_i32_0 = arith.constant 0 : i32
    return %arg0, %c0_i32 : i32, i32
  }
  func.func @transform_3(%arg0: i32) -> (i32, i32, i32) {
    %c0_i32 = arith.constant 0 : i32
    %c0_i32_0 = arith.constant 0 : i32
    %c0_i32_1 = arith.constant 0 : i32
    return %c0_i32, %arg0, %c0_i32_0 : i32, i32, i32
  }
}

module attributes {stable_mosaic.version = 14 : i64} {
  func.func @_combine_body(%arg0: i32, %arg1: memref<1000x1xf32, #tpu.memory_space<vmem>>, %arg2: memref<2x1000x64xf32, #tpu.memory_space<vmem>>, %arg3: memref<1000x64xf32, #tpu.memory_space<vmem>>, %arg4: memref<1000x64xf32, #tpu.memory_space<vmem>>, %arg5: memref<1000x128xf32, #tpu.memory_space<vmem>>) attributes {dimension_semantics = [#tpu.dimension_semantics<arbitrary>], iteration_bounds = array<i64: 10>, scalar_prefetch = 0 : i64, scratch_operands = 0 : i64, tpu.core_type = #tpu.core_type<tc>, window_params = [{transform_indices = @transform_0, window_bounds = array<i64: 1000, 1>}, {transform_indices = @transform_1, window_bounds = array<i64: 2, 1000, 64>}, {transform_indices = @transform_2, window_bounds = array<i64: 1000, 64>}, {transform_indices = @transform_3, window_bounds = array<i64: 1000, 64>}, {transform_indices = @transform_4, window_bounds = array<i64: 1000, 128>}]} {
    %get3A = arith.constant 0 : index
    %get3A_0 = arith.constant 0 : index
    %get3A_1 = vector.load %arg1[%get3A, %get3A_0] : memref<1000x1xf32, #tpu.memory_space<vmem>>, vector<1000x1xf32>
    %get3A_2 = arith.constant 0 : index
    %get3A_3 = arith.constant 0 : index
    %get3A_4 = vector.load %arg3[%get3A_2, %get3A_3] : memref<1000x64xf32, #tpu.memory_space<vmem>>, vector<1000x64xf32>
    %get3A_5 = arith.constant 0 : index
    %get3A_6 = arith.constant 0 : index
    %get3A_7 = arith.constant 0 : index
    %get3A_8 = vector.load %arg2[%get3A_5, %get3A_6, %get3A_7] : memref<2x1000x64xf32, #tpu.memory_space<vmem>>, vector<1x1000x64xf32>
    %get3A_9 = vector.shape_cast %get3A_8 : vector<1x1000x64xf32> to vector<1000x64xf32>
    %add3A = arith.addf %get3A_4, %get3A_9 : vector<1000x64xf32>
    %mul3A = vector.broadcast %get3A_1 : vector<1000x1xf32> to vector<1000x64xf32>
    %mul3A_10 = arith.mulf %mul3A, %add3A : vector<1000x64xf32>
    %swap3A = arith.constant 0 : index
    %swap3A_11 = arith.constant 0 : index
    %swap3A_12 = vector.load %arg5[%swap3A, %swap3A_11] : memref<1000x128xf32, #tpu.memory_space<vmem>>, vector<1000x64xf32>
    tpu.vector_store %arg5[%swap3A, %swap3A_11], %mul3A_10 {strides = array<i32>} : memref<1000x128xf32, #tpu.memory_space<vmem>>, vector<1000x64xf32>,
    %get3A_13 = arith.constant 0 : index
    %get3A_14 = arith.constant 0 : index
    %get3A_15 = vector.load %arg4[%get3A_13, %get3A_14] : memref<1000x64xf32, #tpu.memory_space<vmem>>, vector<1000x64xf32>
    %get3A_16 = arith.constant 1 : index
    %get3A_17 = arith.constant 0 : index
    %get3A_18 = arith.constant 0 : index
    %get3A_19 = vector.load %arg2[%get3A_16, %get3A_17, %get3A_18] : memref<2x1000x64xf32, #tpu.memory_space<vmem>>, vector<1x1000x64xf32>
    %get3A_20 = vector.shape_cast %get3A_19 : vector<1x1000x64xf32> to vector<1000x64xf32>
    %add3A_21 = arith.addf %get3A_15, %get3A_20 : vector<1000x64xf32>
    %mul3A_22 = vector.broadcast %get3A_1 : vector<1000x1xf32> to vector<1000x64xf32>
    %mul3A_23 = arith.mulf %mul3A_22, %add3A_21 : vector<1000x64xf32>
    %swap3A_24 = arith.constant 0 : index
    %swap3A_25 = arith.constant 64 : index
    %swap3A_26 = vector.load %arg5[%swap3A_24, %swap3A_25] : memref<1000x128xf32, #tpu.memory_space<vmem>>, vector<1000x64xf32>
    tpu.vector_store %arg5[%swap3A_24, %swap3A_25], %mul3A_23 {strides = array<i32>} : memref<1000x128xf32, #tpu.memory_space<vmem>>, vector<1000x64xf32>,
    return
  }
  func.func @transform_0(%arg0: i32) -> (i32, i32) {
    %c0_i32 = arith.constant 0 : i32
    %c0_i32_0 = arith.constant 0 : i32
    return %arg0, %c0_i32 : i32, i32
  }
  func.func @transform_1(%arg0: i32) -> (i32, i32, i32) {
    %c0_i32 = arith.constant 0 : i32
    %c0_i32_0 = arith.constant 0 : i32
    %c0_i32_1 = arith.constant 0 : i32
    return %c0_i32, %arg0, %c0_i32_0 : i32, i32, i32
  }
  func.func @transform_2(%arg0: i32) -> (i32, i32) {
    %c0_i32 = arith.constant 0 : i32
    %c0_i32_0 = arith.constant 0 : i32
    return %arg0, %c0_i32 : i32, i32
  }
  func.func @transform_3(%arg0: i32) -> (i32, i32) {
    %c0_i32 = arith.constant 0 : i32
    %c0_i32_0 = arith.constant 0 : i32
    return %arg0, %c0_i32 : i32, i32
  }
  func.func @transform_4(%arg0: i32) -> (i32, i32) {
    %c0_i32 = arith.constant 0 : i32
    %c0_i32_0 = arith.constant 0 : i32
    return %arg0, %c0_i32 : i32, i32
  }
}

</mosaic_0001>

<sc_bundles>
// kernel: kernel.6.cloned.1.call-start
scs
__scs_entry_jumppad:
0x0: {  	(pc) =	sbr.rel $0x88, $3  }
0x1: {  	(tag) =	ssettag $0x0;
	lr =	simm.s32 $0x1  }
0x2: {  	[smem:$0x3F9F] =	sst lr;
	_ =	strace $0xD0000000  }
0x3: {  	_ = 	snop  }
0x4: {  	_ = 	snop  }
0x5: {  	_ = 	snop  }
0x6: {  	_ = 	snop  }
0x7: {  	_ = 	snop  }
__scs_overlays_trampoline_lowered:
0x8: {  	[smem:$0x3FAE] =	sst s0  }
0x9: {  	[smem:$0x3FAF] =	sst s1  }
0xa: {  	[smem:$0x3FB0] =	sst s2  }
0xb: {  	[smem:$0x3FB1] =	sst s3  }
0xc: {  	[smem:$0x3FB2] =	sst s4  }
0xd: {  	[smem:$0x3FB3] =	sst s5  }
0xe: {  	[smem:$0x3FB4] =	sst s6  }
0xf: {  	[smem:$0x3FB5] =	sst s7  }
0x10: {  	[smem:$0x3FB6] =	sst s8  }
0x11: {  	[smem:$0x3FB7] =	sst s9;
	s0 =	simm.s32 @!p0 $0x0  }
0x12: {  	s1 =	sld [smem:$0x3F9D];
	s0 =	simm.s32 @p0 $0x1  }
0x13: {  	[smem:$0x3FB8] =	sst s0;
	s0 =	simm.s32 @!p1 $0x0  }
0x14: {  	s2 =	sld [smem:$0x3F9C];
	s0 =	simm.s32 @p1 $0x1  }
0x15: {  	[smem:$0x3FB9] =	sst s0;
	s0 =	simm.s32 @!p2 $0x0  }
0x16: {  	s3 =	sld [smem:$0x3FDB];
	s0 =	simm.s32 @p2 $0x1  }
0x17: {  	s4 =	simm.s32 $0x1BF5;
	[smem:$0x3FBB] =	sst s0  }
0x18: {  	s0 =	sld [smem:$0x3F9E];
	_ =	swait.ge [sflag:s4], $0x0  }
0x19: {  	s7 =	sld [smem:$0x3F9F]  }
0x1a: {  	s8 =	sadd.s32 $0xFFFFE003, lr  }
0x1b: {  	s9 =	sadd.s32 $0xFFFFFEF7, lr;
	s5 =	simm.s32 $0xFFFFFFFF;
	p2 =	slt.u32 s8, $0xFFFFF086  }
0x1c: {  	p1 =	slt.u32 s9, $0xF7A;
	s5 =	simm.s32 @!p2 $0x0  }
0x1d: {  	s5 =	simm.s32 @p1 $0x1;
	p0 =	seq.s32 s7, s2  }
0x1e: {  	s7 =	smul.u32 @!p0 $0xF7A, s2;
	p2 =	seq.s32 @!p0 s5, $0x0  }
0x1f: {  	s9 =	smul.u32 $0xF7A, s1;
	s8 =	simm.s32 @!p0 $0x1BF5;
	p2 =	por !p2, p0  }
0x20: {  	[sflag:s8] =	ssyncset.s32 @!p0 $0xFFFFF086;
	s6 =	sadd.s32 @!p0 s3, s7;
	s7 =	simm.s32 @!p0 $0x108  }
0x21: {  	s3 =	sadd.s32 s3, s9;
	s6 =	sadd.s32 @!p0 $0x88, s6;
	s7 =	simm.s32 @p2 $0x1082  }
0x22: {  	[simem:s7], [sflag:s8] =	dma.local @!p0 [hbm:s6], $0xF7A  }
0x23: {  	s9 =	sor.u32 $0xD0000000, s2;
	s6 =	simm.s32 $0x108;
	_ =	swait.ge @!p0 [sflag:s8], $0x0  }
0x24: {  	s3 =	sadd.s32 $0x88, s3;
	s6 =	simm.s32 @!p1 $0x1082;
	[sflag:s4] =	ssyncset.s32 $0xFFFFF086  }
0x25: {  	[simem:s6], [sflag:s4] =	dma.local [hbm:s3], $0xF7A  }
0x26: {  	[smem:$0x3F9F] =	sst s1;
	(tag) =	ssettag s2;
	_ =	strace s9  }
0x27: {  	s1 =	sld [smem:$0x3FAF]  }
0x28: {  	s2 =	sld [smem:$0x3FB0]  }
0x29: {  	s4 =	sld [smem:$0x3FB2]  }
0x2a: {  	p0 =	seq.s32 s5, $0x0;
	s5 =	sld [smem:$0x3FB3]  }
0x2b: {  	s6 =	sld [smem:$0x3FB4]  }
0x2c: {  	s7 =	sld [smem:$0x3FB5]  }
0x2d: {  	s3 =	simm.s32 $0x108;
	s8 =	sld [smem:$0x3FB6]  }
0x2e: {  	s3 =	simm.s32 @!p0 $0x1082;
	s9 =	sld [smem:$0x3FB7]  }
0x2f: {  	lr =	sadd.s32 s0, s3;
	s0 =	sld [smem:$0x3FAE]  }
0x30: {  	s3 =	sld [smem:$0x3FB1]  }
0x31: {  	[smem:$0x3FBA] =	sst s10  }
0x32: {  	s10 =	sld [smem:$0x3FB8];
	_ =	sdelay $0x3  }
0x33: {  	p0 =	seq.s32 s10, $0x1;
	s10 =	sld [smem:$0x3FBA];
	_ =	sdelay $0x3  }
0x34: {  	[smem:$0x3FBA] =	sst s10  }
0x35: {  	s10 =	sld [smem:$0x3FB9];
	_ =	sdelay $0x3  }
0x36: {  	p1 =	seq.s32 s10, $0x1;
	s10 =	sld [smem:$0x3FBA];
	_ =	sdelay $0x3  }
0x37: {  	[smem:$0x3FBA] =	sst s10  }
0x38: {  	s10 =	sld [smem:$0x3FBB]  }
0x39: {  	_ = 	snop;
	(pc) =	sbr.ind lr, $3  }
0x3a: {  	_ = 	snop  }
0x3b: {  	_ = 	snop  }
0x3c: {  	p2 =	seq.s32 s10, $0x1;
	s10 =	sld [smem:$0x3FBA]  }
0x3d: {  	_ =	shalt  }
0x3e: {  	_ =	shalt  }
0x3f: {  	_ =	shalt  }
0x40: {  	_ =	shalt  }
0x41: {  	_ =	shalt  }
0x42: {  	_ =	shalt  }
0x43: {  	_ =	shalt  }
0x44: {  	_ =	shalt  }
0x45: {  	_ =	shalt  }
0x46: {  	_ =	shalt  }
0x47: {  	_ =	shalt  }
0x48: {  	_ =	shalt  }
0x49: {  	_ =	shalt  }
0x4a: {  	_ =	shalt  }
0x4b: {  	_ =	shalt  }
0x4c: {  	_ =	shalt  }
0x4d: {  	_ =	shalt  }
0x4e: {  	_ =	shalt  }
0x4f: {  	_ =	shalt  }
0x50: {  	_ =	shalt  }
0x51: {  	_ =	shalt  }
0x52: {  	_ =	shalt  }
0x53: {  	_ =	shalt  }
0x54: {  	_ =	shalt  }
0x55: {  	_ =	shalt  }
0x56: {  	_ =	shalt  }
0x57: {  	_ =	shalt  }
0x58: {  	_ =	shalt  }
0x59: {  	_ =	shalt  }
0x5a: {  	_ =	shalt  }
0x5b: {  	_ =	shalt  }
0x5c: {  	_ =	shalt  }
0x5d: {  	_ =	shalt  }
0x5e: {  	_ =	shalt  }
0x5f: {  	_ =	shalt  }
0x60: {  	_ =	shalt  }
0x61: {  	_ =	shalt  }
0x62: {  	_ =	shalt  }
0x63: {  	_ =	shalt  }
0x64: {  	_ =	shalt  }
0x65: {  	_ =	shalt  }
0x66: {  	_ =	shalt  }
0x67: {  	_ =	shalt  }
0x68: {  	_ =	shalt  }
0x69: {  	_ =	shalt  }
0x6a: {  	_ =	shalt  }
0x6b: {  	_ =	shalt  }
0x6c: {  	_ =	shalt  }
0x6d: {  	_ =	shalt  }
0x6e: {  	_ =	shalt  }
0x6f: {  	_ =	shalt  }
0x70: {  	_ =	shalt  }
0x71: {  	_ =	shalt  }
0x72: {  	_ =	shalt  }
0x73: {  	_ =	shalt  }
0x74: {  	_ =	shalt  }
0x75: {  	_ =	shalt  }
0x76: {  	_ =	shalt  }
0x77: {  	_ =	shalt  }
0x78: {  	_ =	shalt  }
0x79: {  	_ =	shalt  }
0x7a: {  	_ =	shalt  }
0x7b: {  	_ =	shalt  }
0x7c: {  	_ =	shalt  }
0x7d: {  	_ =	shalt  }
0x7e: {  	_ =	shalt  }
0x7f: {  	_ =	shalt  }
0x80: {  	_ =	shalt  }
0x81: {  	_ =	shalt  }
0x82: {  	_ =	shalt  }
0x83: {  	_ =	shalt  }
0x84: {  	_ =	shalt  }
0x85: {  	_ =	shalt  }
0x86: {  	_ =	shalt  }
0x87: {  	_ =	shalt  }
.Lfunc_end0:
.L_simem_size_0:
called_computation_lowered:
.L_overlay_start_0:
0x88: {  	s2 =	sld [smem:$0x3FD9]  }
0x89: {  	s3 =	sld [smem:$0x3FFE];
	_ =	sdelay $0x1  }
0x8a: {  	s1 =	srdreg.scid  }
0x8b: {  	s0 =	sand.u32 $0x1, s1  }
0x8c: {  	s17 =	sshll.u32 s0, $0xA;
	s2 =	sadd.s32 s3, s2  }
0x8d: {  	s2 =	sadd.s32 s2, s17  }
0x8e: {  	[smem:$0x3FC6] =	sst s2  }
0x8f: {  	_ = 	snop  }
0x90: {  	s2 =	sld [smem:$0x3FD0];
	(tm) =	ssettm $0x1  }
0x91: {  	s18 =	sld [smem:$0x3FFB];
	_ =	sdelay $0x3  }
0x92: {  	_ =	strace s18  }
0x93: {  	s3 =	sld [smem:$0x3FFC];
	_ =	sdelay $0x3  }
0x94: {  	_ =	strace s3  }
0x95: {  	s3 =	sld [smem:$0x3FFD];
	_ =	sdelay $0x3  }
0x96: {  	_ =	strace s3  }
0x97: {  	_ =	strace $0x8FFFFFFF  }
0x98: {  	s19 =	sld [smem:$0x3FDB];
	_ =	sdelay $0x1  }
0x99: {  	s4 =	simm.s32 $_scs_section_size  }
0x9a: {  	s5 =	simm.s32 $_size__tile_overlayer_lowered;
	s6 =	simm.s32 $_tile_overlayer_lowered  }
0x9b: {  	s22 =	simm.s32 $0x1BFF;
	s21 =	sshll.u32 s6, $0x1;
	s3 =	sadd.s32 s4, s19  }
0x9c: {  	s7 =	simm.s32 $0x0;
	s20 =	sshll.u32 s5, $0x1;
	s5 =	sadd.s32 s21, s3  }
0x9d: {  	[timem:s7], [sflag:s22] =	dma.local [hbm:s5], s20  }
0x9e: {  	_ =	swait.ge [sflag:s22], s20  }
0x9f: {  	s4 =	ssub.s32 $0x0, s20;
	[sflag:s22] =	ssyncset.done $0x0  }
0xa0: {  	[sflag:s22] =	ssyncadd.s32 s4;
	_ =	sdelay $0x1  }
0xa1: {  	s23 =	simm.s32 $0x1B8B  }
0xa2: {  	_ =	swait.ge [sflag:s23], $0x1  }
0xa3: {  	[sflag:s23] =	ssyncset.done $0x0  }
0xa4: {  	s25 =	simm.s32 $0x1B8E;
	s24 =	sld [smem:$0x3FFE];
	[sflag:s23] =	ssyncadd.s32 $0xFFFFFFFF  }
0xa5: {  	s26 =	simm.s32 $execute0_lowered;
	[smem:$0x3FD2] =	sst s25  }
0xa6: {  	s5 =	sshll.u32 s26, $0x1;
	_ =	strace $0x80000046;
	[dreg:$0x1] =	wrdreg $0xFFFFFFFF  }
0xa7: {  	s28 =	simm.s32 $_size_execute0_lowered;
	s3 =	sadd.s32 s3, s5;
	[dreg:$0x0] =	wrdreg $0x0  }
0xa8: {  	s5 =	sshll.u32 s28, $0x1;
	[dreg:$0x2] =	wrdreg s3  }
0xa9: {  	[dreg:$0x3] =	wrdreg s5  }
0xaa: {  	[dreg:$0x4] =	wrdreg $0xC0  }
0xab: {  	_ =	task [dreg:s7], $0x5FFFF  }
0xac: {  	[dreg:$0x1] =	wrdreg $0xFFFFFFFF  }
0xad: {  	[dreg:$0x0] =	wrdreg $0x60  }
0xae: {  	[dreg:$0x2] =	wrdreg s24  }
0xaf: {  	[dreg:$0x3] =	wrdreg s2  }
0xb0: {  	[dreg:$0x4] =	wrdreg $0x9  }
0xb1: {  	_ =	task.clear_ibuf [dreg:s7], $0x5FFFF;
	_ =	strace $0x90000046  }
0xb2: {  	s29 =	simm.s32 $0x9;
	_ =	strace $0x80000048  }
0xb3: {  	_ =	swait.ge [sflag:s29], $0x1  }
0xb4: {  	[sflag:s29] =	ssyncadd.s32 $0xFFFFFFFF  }
0xb5: {  	_ =	strace $0x90000048  }
0xb6: {  	_ =	sfence  }
0xb7: {  	s30 =	sld [smem:$0x0];
	_ =	sdelay $0x2  }
0xb8: {  	s31 =	sshll.u32 s1, $0xD;
	s1 =	sshrl.u32 s1, $0x2  }
0xb9: {  	s3 =	sand.u32 $0x4000, s31;
	s1 =	sadd.s32 s1, s30  }
0xba: {  	s0 =	sor.u32 s3, s0;
	s1 =	sshll.u32 s1, $0x11  }
0xbb: {  	s0 =	sor.u32 s1, s0  }
0xbc: {  	s0 =	sadd.s32 $0x8F2B, s0  }
0xbd: {  	[sflag:s0] =	ssyncadd.remote.s32 $0x1  }
0xbe: {  	_ =	sfence.sel $0xFFFF  }
0xbf: {  	[dreg:$0x0] =	wrdreg $0xFFFFFFFF;
	(pc) =	sbr.abs _section_cstart, $3  }
0xc0: {  	[dreg:$0x1] =	wrdreg $0xFFFFFFFF  }
0xc1: {  	_ =	task.clear_ibuf [dreg:s7], $0x2FFFF;
	_ =	strace $0x9FFFFFFF  }
0xc2: {  	(tm) =	ssettm $0x7FFFFFFF  }
0xc3: {  	_ =	shalt  }
tec
execute0_lowered:
.L_overlay_start_1:
0x0: {  	(tag) =	ssettag $0x1  }
0x1: {  	s0 =	srdreg.scid;
	s3 =	rddreg [dreg:$0x0]  }
0x2: {  	s5 =	rddreg [dreg:$0x1];
	s4 =	sand.u32 $0x1, s0  }
0x3: {  	s1 =	stileid.u32;
	s8 =	simm.s32 $0x0;
	s2 =	sshll.u32 s4, $0x4  }
0x4: {  	s4 =	ssub.s32 $0x2, s4;
	s6 =	sor.u32 s1, s2;
	s2 =	simm.s32 $0x0  }
0x5: {  	s7 =	sshrl.u32 s4, $0x1;
	s6 =	smul.u32 $0x500, s6;
	[smem:$0x7FF] =	sst s2  }
0x6: {  	s0 =	rddreg [dreg:$0x2];
	s7 =	ssub.s32 s4, s7;
	_ =	strace $0x80000047  }
0x7: {  	s3 =	sadd.s32 s6, s3;
	s4 =	sadd.s32 s5, s6;
	s5 =	smax.u32 s7, $0x1  }
0x8: {  	v0 =	vimm.f32 $0.0e+00;
	v1 =	vimm.f32 $1.000000000e+00;
	s6 =	simm.s32 $0x1;
	s7 =	simm.s32 $0x2800;
	s3 =	sadd.s32 $0xC00, s3  }
.LBB2_1:
0x9: {  	[tilespmem:s2], [sflag:$0x1] =	stream.linear.gather [hbm4b:s3+s2], $0x2800, $0x38;
	[tilespmem:$0x5000] =	vst v63  }
0xa: {  	_ =	swait.ge [sflag:s6], $0x2800  }
0xb: {  	[sflag:s6] =	ssyncset.done $0x0  }
0xc: {  	s9 =	simm.s32 $0x0;
	[sflag:s6] =	ssyncadd.s32 $0xFFFFD800  }
.LBB2_2:
0xd: {  	p0 =	sne.s32 s9, $0x9FC0  }
.Ltmp0:
0xe: {  	_ = 	snop;
	(pc) =	sbr.rel @p0 .LBB2_2-.Ltmp0, $3  }
0xf: {  	_ =	sdelay $0x1  }
0x10: {  	s10 =	sshra.s32 s9, $0x2  }
0x11: {  	s9 =	sadd.s32 $0x40, s9;
	[tilespmem:s10+$0x2800] =	vst v0  }
0x12: {  	s10 =	simm.s32 $0x0;
	s9 =	simm.s32 $0x40  }
.LBB2_4:
0x13: {  	p0 =	sne.s32 s9, $0x9FC0;
	v2 =	vld [tilespmem:s10+$0x0];
	_ =	sdelay $0x3  }
.Ltmp1:
0x14: {  	(pc) =	sbr.rel @p0 .LBB2_4-.Ltmp1, $2  }
0x15: {  	_ =	sdelay $0x2  }
0x16: {  	s10 =	sshra.s32 s9, $0x2;
	s9 =	sadd.s32 $0x40, s9;
	[tilespmem:v2+s7+$0x0] =	vst.idx.add.f32.msk $0xffff, v1  }
0x17: {  	v2 =	vld [tilespmem:s10+$0x0];
	_ =	sdelay $0x5  }
0x18: {  	s8 =	sadd.s32 $0x1, s8  }
0x19: {  	p0 =	sne.s32 s8, s5  }
.Ltmp2:
0x1a: {  	[tilespmem:v2+s7+$0x0] =	vst.idx.add.f32.msk $0xffff, v1;
	(pc) =	sbr.rel @p0 .LBB2_1-.Ltmp2, $4  }
0x1b: {  	[hbm4b:s4+s2] =	stream.linear.scatter [tilespmem:s7], [sflag:$0x1], $0x2800, $0x38;
	[tilespmem:$0x5000] =	vst v63  }
0x1c: {  	_ =	swait.ge [sflag:s6], $0x2800  }
0x1d: {  	[sflag:s6] =	ssyncset.done $0x0  }
0x1e: {  	[sflag:s6] =	ssyncadd.s32 $0xFFFFD800  }
0x1f: {  	_ =	sfence.sel $0x180000  }
0x20: {  	[bflag:$0x0] =	sbarrier.arrive $0xFFFF  }
0x21: {  	p0 =	sne.s32 s1, $0x0;
	_ =	strace $0x90000047  }
0x22: {  	s0 =	sadd.s32 @!p0 $0x100000, s0;
	[bflag:$0x2] =	sbarrier.arrive $0xFFFF  }
0x23: {  	[sflag:s0] =	ssyncadd.tile.s32 @!p0 $0x1;
	_ =	shalt  }
.Lfunc_end2:
_tile_overlayer_lowered:
.L_overlay_start_2:
0x24: {  	(tag) =	ssettag $0x2  }
0x25: {  	s0 =	rddreg [dreg:$0x0];
	s2 =	stileid.u32  }
0x26: {  	s1 =	rddreg [dreg:$0x1];
	p0 =	sne.s32 s2, $0x0  }
0x27: {  	s3 =	rddreg [dreg:$0x2];
	[bflag:$0x3] =	sbarrier.arrive $0xFFFF;
	s2 =	simm.s32 @!p0 $0x1C01  }
0x28: {  	[timem:s3], [sflag:s2] =	dma.local @!p0 [hbm:s0], s1  }
0x29: {  	s0 =	simm.s32 @!p0 $0x1  }
0x2a: {  	_ =	swait.ge @!p0 [sflag:s0], s1  }
0x2b: {  	s1 =	ssub.s32 @!p0 $0x0, s1;
	[sflag:s0] =	ssyncset.done @!p0 $0x0  }
0x2c: {  	[sflag:s0] =	ssyncadd.s32 @!p0 s1  }
0x2d: {  	[bflag:$0x3] =	sbarrier.arrive $0xFFFF  }
0x2e: {  	_ =	shalt  }

// kernel: kernel.9.cloned.1.call-start
scs
__scs_entry_jumppad:
0x0: {  	(pc) =	sbr.rel $0x88, $3  }
0x1: {  	(tag) =	ssettag $0x0;
	lr =	simm.s32 $0x1  }
0x2: {  	[smem:$0x3F9F] =	sst lr;
	_ =	strace $0xD0000000  }
0x3: {  	_ = 	snop  }
0x4: {  	_ = 	snop  }
0x5: {  	_ = 	snop  }
0x6: {  	_ = 	snop  }
0x7: {  	_ = 	snop  }
__scs_overlays_trampoline_lowered:
0x8: {  	[smem:$0x3FAE] =	sst s0  }
0x9: {  	[smem:$0x3FAF] =	sst s1  }
0xa: {  	[smem:$0x3FB0] =	sst s2  }
0xb: {  	[smem:$0x3FB1] =	sst s3  }
0xc: {  	[smem:$0x3FB2] =	sst s4  }
0xd: {  	[smem:$0x3FB3] =	sst s5  }
0xe: {  	[smem:$0x3FB4] =	sst s6  }
0xf: {  	[smem:$0x3FB5] =	sst s7  }
0x10: {  	[smem:$0x3FB6] =	sst s8  }
0x11: {  	[smem:$0x3FB7] =	sst s9;
	s0 =	simm.s32 @!p0 $0x0  }
0x12: {  	s1 =	sld [smem:$0x3F9D];
	s0 =	simm.s32 @p0 $0x1  }
0x13: {  	[smem:$0x3FB8] =	sst s0;
	s0 =	simm.s32 @!p1 $0x0  }
0x14: {  	s2 =	sld [smem:$0x3F9C];
	s0 =	simm.s32 @p1 $0x1  }
0x15: {  	[smem:$0x3FB9] =	sst s0;
	s0 =	simm.s32 @!p2 $0x0  }
0x16: {  	s3 =	sld [smem:$0x3FDB];
	s0 =	simm.s32 @p2 $0x1  }
0x17: {  	s4 =	simm.s32 $0x1BF5;
	[smem:$0x3FBB] =	sst s0  }
0x18: {  	s0 =	sld [smem:$0x3F9E];
	_ =	swait.ge [sflag:s4], $0x0  }
0x19: {  	s7 =	sld [smem:$0x3F9F]  }
0x1a: {  	s8 =	sadd.s32 $0xFFFFE003, lr  }
0x1b: {  	s9 =	sadd.s32 $0xFFFFFEF7, lr;
	s5 =	simm.s32 $0xFFFFFFFF;
	p2 =	slt.u32 s8, $0xFFFFF086  }
0x1c: {  	p1 =	slt.u32 s9, $0xF7A;
	s5 =	simm.s32 @!p2 $0x0  }
0x1d: {  	s5 =	simm.s32 @p1 $0x1;
	p0 =	seq.s32 s7, s2  }
0x1e: {  	s7 =	smul.u32 @!p0 $0xF7A, s2;
	p2 =	seq.s32 @!p0 s5, $0x0  }
0x1f: {  	s9 =	smul.u32 $0xF7A, s1;
	s8 =	simm.s32 @!p0 $0x1BF5;
	p2 =	por !p2, p0  }
0x20: {  	[sflag:s8] =	ssyncset.s32 @!p0 $0xFFFFF086;
	s6 =	sadd.s32 @!p0 s3, s7;
	s7 =	simm.s32 @!p0 $0x108  }
0x21: {  	s3 =	sadd.s32 s3, s9;
	s6 =	sadd.s32 @!p0 $0x88, s6;
	s7 =	simm.s32 @p2 $0x1082  }
0x22: {  	[simem:s7], [sflag:s8] =	dma.local @!p0 [hbm:s6], $0xF7A  }
0x23: {  	s9 =	sor.u32 $0xD0000000, s2;
	s6 =	simm.s32 $0x108;
	_ =	swait.ge @!p0 [sflag:s8], $0x0  }
0x24: {  	s3 =	sadd.s32 $0x88, s3;
	s6 =	simm.s32 @!p1 $0x1082;
	[sflag:s4] =	ssyncset.s32 $0xFFFFF086  }
0x25: {  	[simem:s6], [sflag:s4] =	dma.local [hbm:s3], $0xF7A  }
0x26: {  	[smem:$0x3F9F] =	sst s1;
	(tag) =	ssettag s2;
	_ =	strace s9  }
0x27: {  	s1 =	sld [smem:$0x3FAF]  }
0x28: {  	s2 =	sld [smem:$0x3FB0]  }
0x29: {  	s4 =	sld [smem:$0x3FB2]  }
0x2a: {  	p0 =	seq.s32 s5, $0x0;
	s5 =	sld [smem:$0x3FB3]  }
0x2b: {  	s6 =	sld [smem:$0x3FB4]  }
0x2c: {  	s7 =	sld [smem:$0x3FB5]  }
0x2d: {  	s3 =	simm.s32 $0x108;
	s8 =	sld [smem:$0x3FB6]  }
0x2e: {  	s3 =	simm.s32 @!p0 $0x1082;
	s9 =	sld [smem:$0x3FB7]  }
0x2f: {  	lr =	sadd.s32 s0, s3;
	s0 =	sld [smem:$0x3FAE]  }
0x30: {  	s3 =	sld [smem:$0x3FB1]  }
0x31: {  	[smem:$0x3FBA] =	sst s10  }
0x32: {  	s10 =	sld [smem:$0x3FB8];
	_ =	sdelay $0x3  }
0x33: {  	p0 =	seq.s32 s10, $0x1;
	s10 =	sld [smem:$0x3FBA];
	_ =	sdelay $0x3  }
0x34: {  	[smem:$0x3FBA] =	sst s10  }
0x35: {  	s10 =	sld [smem:$0x3FB9];
	_ =	sdelay $0x3  }
0x36: {  	p1 =	seq.s32 s10, $0x1;
	s10 =	sld [smem:$0x3FBA];
	_ =	sdelay $0x3  }
0x37: {  	[smem:$0x3FBA] =	sst s10  }
0x38: {  	s10 =	sld [smem:$0x3FBB]  }
0x39: {  	_ = 	snop;
	(pc) =	sbr.ind lr, $3  }
0x3a: {  	_ = 	snop  }
0x3b: {  	_ = 	snop  }
0x3c: {  	p2 =	seq.s32 s10, $0x1;
	s10 =	sld [smem:$0x3FBA]  }
0x3d: {  	_ =	shalt  }
0x3e: {  	_ =	shalt  }
0x3f: {  	_ =	shalt  }
0x40: {  	_ =	shalt  }
0x41: {  	_ =	shalt  }
0x42: {  	_ =	shalt  }
0x43: {  	_ =	shalt  }
0x44: {  	_ =	shalt  }
0x45: {  	_ =	shalt  }
0x46: {  	_ =	shalt  }
0x47: {  	_ =	shalt  }
0x48: {  	_ =	shalt  }
0x49: {  	_ =	shalt  }
0x4a: {  	_ =	shalt  }
0x4b: {  	_ =	shalt  }
0x4c: {  	_ =	shalt  }
0x4d: {  	_ =	shalt  }
0x4e: {  	_ =	shalt  }
0x4f: {  	_ =	shalt  }
0x50: {  	_ =	shalt  }
0x51: {  	_ =	shalt  }
0x52: {  	_ =	shalt  }
0x53: {  	_ =	shalt  }
0x54: {  	_ =	shalt  }
0x55: {  	_ =	shalt  }
0x56: {  	_ =	shalt  }
0x57: {  	_ =	shalt  }
0x58: {  	_ =	shalt  }
0x59: {  	_ =	shalt  }
0x5a: {  	_ =	shalt  }
0x5b: {  	_ =	shalt  }
0x5c: {  	_ =	shalt  }
0x5d: {  	_ =	shalt  }
0x5e: {  	_ =	shalt  }
0x5f: {  	_ =	shalt  }
0x60: {  	_ =	shalt  }
0x61: {  	_ =	shalt  }
0x62: {  	_ =	shalt  }
0x63: {  	_ =	shalt  }
0x64: {  	_ =	shalt  }
0x65: {  	_ =	shalt  }
0x66: {  	_ =	shalt  }
0x67: {  	_ =	shalt  }
0x68: {  	_ =	shalt  }
0x69: {  	_ =	shalt  }
0x6a: {  	_ =	shalt  }
0x6b: {  	_ =	shalt  }
0x6c: {  	_ =	shalt  }
0x6d: {  	_ =	shalt  }
0x6e: {  	_ =	shalt  }
0x6f: {  	_ =	shalt  }
0x70: {  	_ =	shalt  }
0x71: {  	_ =	shalt  }
0x72: {  	_ =	shalt  }
0x73: {  	_ =	shalt  }
0x74: {  	_ =	shalt  }
0x75: {  	_ =	shalt  }
0x76: {  	_ =	shalt  }
0x77: {  	_ =	shalt  }
0x78: {  	_ =	shalt  }
0x79: {  	_ =	shalt  }
0x7a: {  	_ =	shalt  }
0x7b: {  	_ =	shalt  }
0x7c: {  	_ =	shalt  }
0x7d: {  	_ =	shalt  }
0x7e: {  	_ =	shalt  }
0x7f: {  	_ =	shalt  }
0x80: {  	_ =	shalt  }
0x81: {  	_ =	shalt  }
0x82: {  	_ =	shalt  }
0x83: {  	_ =	shalt  }
0x84: {  	_ =	shalt  }
0x85: {  	_ =	shalt  }
0x86: {  	_ =	shalt  }
0x87: {  	_ =	shalt  }
.Lfunc_end0:
.L_simem_size_0:
called_computation.1_lowered:
.L_overlay_start_0:
0x88: {  	s2 =	sld [smem:$0x3FD9]  }
0x89: {  	s3 =	sld [smem:$0x3FFE];
	_ =	sdelay $0x1  }
0x8a: {  	s1 =	srdreg.scid  }
0x8b: {  	s0 =	sand.u32 $0x1, s1  }
0x8c: {  	s17 =	sshll.u32 s0, $0xA;
	s2 =	sadd.s32 s3, s2  }
0x8d: {  	s2 =	sadd.s32 s2, s17  }
0x8e: {  	[smem:$0x3FC6] =	sst s2  }
0x8f: {  	_ = 	snop  }
0x90: {  	s2 =	sld [smem:$0x3FD0];
	(tm) =	ssettm $0x1  }
0x91: {  	s18 =	sld [smem:$0x3FFB];
	_ =	sdelay $0x3  }
0x92: {  	_ =	strace s18  }
0x93: {  	s3 =	sld [smem:$0x3FFC];
	_ =	sdelay $0x3  }
0x94: {  	_ =	strace s3  }
0x95: {  	s3 =	sld [smem:$0x3FFD];
	_ =	sdelay $0x3  }
0x96: {  	_ =	strace s3  }
0x97: {  	_ =	strace $0x8FFFFFFF  }
0x98: {  	s19 =	sld [smem:$0x3FDB];
	_ =	sdelay $0x1  }
0x99: {  	s4 =	simm.s32 $_scs_section_size  }
0x9a: {  	s5 =	simm.s32 $_size__tile_overlayer_lowered;
	s6 =	simm.s32 $_tile_overlayer_lowered  }
0x9b: {  	s22 =	simm.s32 $0x1BFF;
	s21 =	sshll.u32 s6, $0x1;
	s3 =	sadd.s32 s4, s19  }
0x9c: {  	s7 =	simm.s32 $0x0;
	s20 =	sshll.u32 s5, $0x1;
	s5 =	sadd.s32 s21, s3  }
0x9d: {  	[timem:s7], [sflag:s22] =	dma.local [hbm:s5], s20  }
0x9e: {  	_ =	swait.ge [sflag:s22], s20  }
0x9f: {  	s4 =	ssub.s32 $0x0, s20;
	[sflag:s22] =	ssyncset.done $0x0  }
0xa0: {  	[sflag:s22] =	ssyncadd.s32 s4;
	_ =	sdelay $0x1  }
0xa1: {  	s23 =	simm.s32 $0x1B8B  }
0xa2: {  	_ =	swait.ge [sflag:s23], $0x1  }
0xa3: {  	[sflag:s23] =	ssyncset.done $0x0  }
0xa4: {  	s25 =	simm.s32 $0x1B8E;
	s24 =	sld [smem:$0x3FFE];
	[sflag:s23] =	ssyncadd.s32 $0xFFFFFFFF  }
0xa5: {  	s26 =	simm.s32 $execute0_lowered;
	[smem:$0x3FD2] =	sst s25  }
0xa6: {  	s5 =	sshll.u32 s26, $0x1;
	_ =	strace $0x80000049;
	[dreg:$0x1] =	wrdreg $0xFFFFFFFF  }
0xa7: {  	s28 =	simm.s32 $_size_execute0_lowered;
	s3 =	sadd.s32 s3, s5;
	[dreg:$0x0] =	wrdreg $0x0  }
0xa8: {  	s5 =	sshll.u32 s28, $0x1;
	[dreg:$0x2] =	wrdreg s3  }
0xa9: {  	[dreg:$0x3] =	wrdreg s5  }
0xaa: {  	[dreg:$0x4] =	wrdreg $0xC0  }
0xab: {  	_ =	task [dreg:s7], $0x5FFFF  }
0xac: {  	[dreg:$0x1] =	wrdreg $0xFFFFFFFF  }
0xad: {  	[dreg:$0x0] =	wrdreg $0x60  }
0xae: {  	[dreg:$0x2] =	wrdreg s24  }
0xaf: {  	[dreg:$0x3] =	wrdreg s2  }
0xb0: {  	[dreg:$0x4] =	wrdreg $0xA8000  }
0xb1: {  	[dreg:$0x5] =	wrdreg $0x148000  }
0xb2: {  	[dreg:$0x6] =	wrdreg $0x9  }
0xb3: {  	_ =	task.clear_ibuf [dreg:s7], $0x7FFFF;
	_ =	strace $0x90000049  }
0xb4: {  	s29 =	simm.s32 $0x9;
	_ =	strace $0x8000004B  }
0xb5: {  	_ =	swait.ge [sflag:s29], $0x1  }
0xb6: {  	[sflag:s29] =	ssyncadd.s32 $0xFFFFFFFF  }
0xb7: {  	_ =	strace $0x9000004B  }
0xb8: {  	_ =	sfence  }
0xb9: {  	s30 =	sld [smem:$0x0];
	_ =	sdelay $0x2  }
0xba: {  	s31 =	sshll.u32 s1, $0xD;
	s1 =	sshrl.u32 s1, $0x2  }
0xbb: {  	s3 =	sand.u32 $0x4000, s31;
	s1 =	sadd.s32 s1, s30  }
0xbc: {  	s0 =	sor.u32 s3, s0;
	s1 =	sshll.u32 s1, $0x11  }
0xbd: {  	s0 =	sor.u32 s1, s0  }
0xbe: {  	s0 =	sadd.s32 $0x8F2B, s0  }
0xbf: {  	[sflag:s0] =	ssyncadd.remote.s32 $0x1  }
0xc0: {  	_ =	sfence.sel $0xFFFF  }
0xc1: {  	[dreg:$0x0] =	wrdreg $0xFFFFFFFF;
	(pc) =	sbr.abs _section_cstart, $3  }
0xc2: {  	[dreg:$0x1] =	wrdreg $0xFFFFFFFF  }
0xc3: {  	_ =	task.clear_ibuf [dreg:s7], $0x2FFFF;
	_ =	strace $0x9FFFFFFF  }
0xc4: {  	(tm) =	ssettm $0x7FFFFFFF  }
0xc5: {  	_ =	shalt  }
tec
execute0_lowered:
.L_overlay_start_1:
0x0: {  	(tag) =	ssettag $0x1  }
0x1: {  	s1 =	rddreg [dreg:$0x0]  }
0x2: {  	s3 =	rddreg [dreg:$0x1]  }
0x3: {  	s0 =	rddreg [dreg:$0x2];
	s2 =	simm.s32 $0x0  }
0x4: {  	s4 =	srdreg.scid;
	s14 =	stileid.u32;
	s29 =	simm.s32 $0x9  }
0x5: {  	s30 =	simm.s32 $0x1400;
	s31 =	simm.s32 $0x80;
	s8 =	smul.u32 $0x9C40, s14  }
0x6: {  	[smem:$0x7FF] =	sst s2;
	s4 =	sand.u32 $0x1, s4;
	s11 =	smul.u32 $0xA00, s14  }
0x7: {  	s6 =	sadd.s32 $0xAC00, s1;
	s7 =	sadd.s32 $0xC00, s1;
	s13 =	smul.u32 $0x5000, s14  }
0x8: {  	s9 =	sadd.s32 $0x64200, s1;
	s5 =	smul.u32 $0x9C400, s4;
	s10 =	ssub.s32 $0x2, s4  }
0x9: {  	s1 =	sadd.s32 $0x62E00, s1;
	s4 =	smul.u32 $0xA0000, s4;
	s12 =	sshrl.u32 s10, $0x1  }
0xa: {  	s17 =	sadd.s32 s6, s11;
	s18 =	sshrl.u32 s13, $0x3;
	s19 =	sadd.s32 s7, s11  }
0xb: {  	s5 =	sadd.s32 s8, s5;
	s10 =	ssub.s32 s10, s12;
	[dreg:$0x6] =	wrdreg s17  }
0xc: {  	s12 =	smul.u32 $0xA000, s14;
	[dreg:$0x7] =	wrdreg s19;
	s20 =	sadd.s32 $0x280, s18  }
0xd: {  	s21 =	sadd.s32 $0x500, s18;
	s5 =	sshrl.u32 s5, $0x3;
	s22 =	sadd.s32 s6, s20  }
0xe: {  	s23 =	sadd.s32 s6, s21;
	s24 =	sadd.s32 s7, s21;
	[dreg:$0x8] =	wrdreg s22  }
0xf: {  	s21 =	sshll.u32 s14, $0x6;
	s14 =	simm.s32 $0x8;
	[dreg:$0xa] =	wrdreg s23  }
0x10: {  	s3 =	sadd.s32 s3, s5;
	s5 =	sadd.s32 s7, s20;
	[dreg:$0xb] =	wrdreg s24  }
0x11: {  	s26 =	sadd.s32 $0x2000, s12;
	s13 =	sadd.s32 $0x4000, s12;
	[dreg:$0x5] =	wrdreg s3  }
0x12: {  	s19 =	sadd.s32 $0x8000, s12;
	s21 =	sor.u32 $0x1C09, s21;
	[dreg:$0x9] =	wrdreg s5  }
0x13: {  	s3 =	sadd.s32 $0x780, s18;
	s11 =	sadd.s32 s4, s26;
	s15 =	sadd.s32 s4, s13  }
0x14: {  	s18 =	sadd.s32 $0x6000, s12;
	s23 =	sadd.s32 s13, s0;
	s13 =	simm.s32 $0x7  }
0x15: {  	s25 =	sadd.s32 s6, s3;
	s3 =	sadd.s32 s7, s3;
	s7 =	sadd.s32 s12, s4  }
0x16: {  	s6 =	sshrl.u32 s11, $0x3;
	s17 =	sshrl.u32 s15, $0x3;
	s20 =	sadd.s32 s4, s18  }
0x17: {  	s4 =	sadd.s32 s4, s19;
	s24 =	sadd.s32 s18, s0;
	[dreg:$0xc] =	wrdreg s25  }
0x18: {  	s15 =	simm.s32 $0x2800;
	s18 =	simm.s32 $0x2680;
	[dreg:$0xd] =	wrdreg s3  }
0x19: {  	s5 =	sshrl.u32 s7, $0x3;
	s16 =	sadd.s32 s9, s6;
	s11 =	sshrl.u32 s20, $0x3  }
0x1a: {  	s4 =	sshrl.u32 s4, $0x3;
	s20 =	sadd.s32 s12, s0;
	[dreg:$0xf] =	wrdreg s16  }
0x1b: {  	s3 =	sadd.s32 s26, s0;
	s5 =	sadd.s32 s9, s5;
	s16 =	rddreg [dreg:$0x3]  }
0x1c: {  	s25 =	sadd.s32 s19, s0;
	s11 =	sadd.s32 s9, s11;
	[dreg:$0xe] =	wrdreg s5  }
0x1d: {  	s26 =	smax.u32 s10, $0x1;
	s4 =	sadd.s32 s9, s4;
	[dreg:$0x11] =	wrdreg s11  }
0x1e: {  	s6 =	simm.s32 $0x8800;
	s5 =	sadd.s32 s9, s17;
	[dreg:$0x12] =	wrdreg s4  }
0x1f: {  	s7 =	simm.s32 $0x1;
	s10 =	simm.s32 $0x4;
	[dreg:$0x10] =	wrdreg s5  }
0x20: {  	s12 =	simm.s32 $0x6;
	_ =	strace $0x8000004A;
	[dreg:$0x13] =	wrdreg s1  }
0x21: {  	s19 =	simm.s32 $0x2700;
	s22 =	sadd.s32 s8, s16;
	[dreg:$0x14] =	wrdreg s3  }
0x22: {  	s4 =	simm.s32 $0x6800;
	s8 =	simm.s32 $0x2;
	[dreg:$0x15] =	wrdreg s23  }
0x23: {  	s9 =	simm.s32 $0x3;
	s11 =	simm.s32 $0x5;
	[dreg:$0x16] =	wrdreg s24  }
0x24: {  	s17 =	simm.s32 $0x2600;
	s28 =	sshrl.u32 s22, $0x3;
	[dreg:$0x17] =	wrdreg s25  }
0x25: {  	s5 =	simm.s32 $0x180;
	s22 =	simm.s32 $0x2780;
	[dreg:$0x18] =	wrdreg s26  }
0x26: {  	s1 =	simm.s32 $0x4800;
	s3 =	simm.s32 $0x100;
	s23 =	simm.s32 $0x0  }
.LBB2_1:
0x27: {  	s24 =	sshrl.u32 s20, $0x3;
	s25 =	rddreg [dreg:$0x13]  }
0x28: {  	[spmem:s24], [sflag:s21] =	dma.local [hbm:s25], $0x1400  }
0x29: {  	_ =	swait.ge [sflag:s29], $0x1400  }
0x2a: {  	[sflag:s29] =	ssyncset.done $0x0  }
0x2b: {  	s25 =	rddreg [dreg:$0x5];
	[sflag:s29] =	ssyncadd.s32 $0xFFFFEC00  }
0x2c: {  	[spmem:s28], [sflag:s21] =	dma.local [hbm:s25], $0x1388  }
0x2d: {  	_ =	swait.ge [sflag:s29], $0x1388  }
0x2e: {  	[sflag:s29] =	ssyncset.done $0x0  }
0x2f: {  	s26 =	rddreg [dreg:$0x6];
	[sflag:s29] =	ssyncadd.s32 $0xFFFFEC78  }
0x30: {  	[tilespmem:s2], [sflag:$0x9] =	stream.linear.gather [hbm4b:s26+s2], $0x1400, $0x38;
	[tilespmem:$0x1E440] =	vst v63  }
0x31: {  	_ =	swait.ge [sflag:s29], $0x1400  }
0x32: {  	[sflag:s29] =	ssyncset.done $0x0  }
0x33: {  	s25 =	rddreg [dreg:$0x7];
	[sflag:s29] =	ssyncadd.s32 $0xFFFFEC00  }
0x34: {  	[tilespmem:s30], [sflag:$0x9] =	stream.linear.gather [hbm4b:s25+s2], $0x1400, $0x38;
	[tilespmem:$0x1E440] =	vst v63  }
0x35: {  	_ =	swait.ge [sflag:s29], $0x1400  }
0x36: {  	[sflag:s29] =	ssyncset.done $0x0  }
0x37: {  	[sflag:s29] =	ssyncadd.s32 $0xFFFFEC00  }
0x38: {  	[bflag:$0x0] =	sbarrier.arrive $0xFFFF  }
0x39: {  	[tilespmem:s15], [sflag:$0x1] =	stream.indirect.gather [spmem:s16], $0x40, s2, s31, $0xb8;
	[tilespmem:$0x1E440] =	vst v63  }
0x3a: {  	_ = 	snop  }
0x3b: {  	[tilespmem:s1], [sflag:$0x2] =	stream.indirect.gather [spmem:s16], $0x40, s31, s31, $0xb8;
	[tilespmem:$0x1E440] =	vst v63  }
0x3c: {  	_ = 	snop  }
0x3d: {  	[tilespmem:s4], [sflag:$0x3] =	stream.indirect.gather [spmem:s16], $0x40, s3, s31, $0xb8;
	[tilespmem:$0x1E440] =	vst v63  }
0x3e: {  	_ = 	snop  }
0x3f: {  	[tilespmem:s6], [sflag:$0x4] =	stream.indirect.gather [spmem:s16], $0x40, s5, s31, $0xb8;
	[tilespmem:$0x1E440] =	vst v63  }
0x40: {  	_ =	swait.ge [sflag:s7], $0x2000  }
0x41: {  	[sflag:s7] =	ssyncset.done $0x0  }
0x42: {  	s26 =	simm.s32 $0x1400;
	[sflag:s7] =	ssyncadd.s32 $0xFFFFE000  }
0x43: {  	[spmem:s0] =	stream.indirect.scatter.add.f32 [tilespmem:s15], [sflag:$0x5], $0x40, s26, s31, $0xb8;
	[tilespmem:$0x1E440] =	vst v63  }
0x44: {  	_ =	swait.ge [sflag:s8], $0x2000  }
0x45: {  	[sflag:s8] =	ssyncset.done $0x0  }
0x46: {  	s25 =	simm.s32 $0x1480;
	[sflag:s8] =	ssyncadd.s32 $0xFFFFE000  }
0x47: {  	[spmem:s0] =	stream.indirect.scatter.add.f32 [tilespmem:s1], [sflag:$0x6], $0x40, s25, s31, $0xb8;
	[tilespmem:$0x1E440] =	vst v63  }
0x48: {  	_ =	swait.ge [sflag:s9], $0x2000  }
0x49: {  	[sflag:s9] =	ssyncset.done $0x0  }
0x4a: {  	s26 =	simm.s32 $0x1500;
	[sflag:s9] =	ssyncadd.s32 $0xFFFFE000  }
0x4b: {  	[spmem:s0] =	stream.indirect.scatter.add.f32 [tilespmem:s4], [sflag:$0x7], $0x40, s26, s31, $0xb8;
	[tilespmem:$0x1E440] =	vst v63  }
0x4c: {  	_ =	swait.ge [sflag:s10], $0x2000  }
0x4d: {  	[sflag:s10] =	ssyncset.done $0x0  }
0x4e: {  	s25 =	simm.s32 $0x1580;
	[sflag:s10] =	ssyncadd.s32 $0xFFFFE000  }
0x4f: {  	[spmem:s0] =	stream.indirect.scatter.add.f32 [tilespmem:s6], [sflag:$0x8], $0x40, s25, s31, $0xb8;
	[tilespmem:$0x1E440] =	vst v63  }
0x50: {  	_ =	swait.ge [sflag:s11], $0x2000  }
0x51: {  	[sflag:s11] =	ssyncset.done $0x0  }
0x52: {  	s26 =	simm.s32 $0x200;
	[sflag:s11] =	ssyncadd.s32 $0xFFFFE000  }
0x53: {  	[tilespmem:s15], [sflag:$0x1] =	stream.indirect.gather [spmem:s16], $0x40, s26, s31, $0xb8;
	[tilespmem:$0x1E440] =	vst v63  }
0x54: {  	_ =	swait.ge [sflag:s12], $0x2000  }
0x55: {  	[sflag:s12] =	ssyncset.done $0x0  }
0x56: {  	s25 =	simm.s32 $0x280;
	[sflag:s12] =	ssyncadd.s32 $0xFFFFE000  }
0x57: {  	[tilespmem:s1], [sflag:$0x2] =	stream.indirect.gather [spmem:s16], $0x40, s25, s31, $0xb8;
	[tilespmem:$0x1E440] =	vst v63  }
0x58: {  	_ =	swait.ge [sflag:s13], $0x2000  }
0x59: {  	[sflag:s13] =	ssyncset.done $0x0  }
0x5a: {  	s26 =	simm.s32 $0x300;
	[sflag:s13] =	ssyncadd.s32 $0xFFFFE000  }
0x5b: {  	[tilespmem:s4], [sflag:$0x3] =	stream.indirect.gather [spmem:s16], $0x40, s26, s31, $0xb8;
	[tilespmem:$0x1E440] =	vst v63  }
0x5c: {  	_ =	swait.ge [sflag:s14], $0x2000  }
0x5d: {  	[sflag:s14] =	ssyncset.done $0x0  }
0x5e: {  	s24 =	simm.s32 $0x800;
	s25 =	simm.s32 $0x380;
	[sflag:s14] =	ssyncadd.s32 $0xFFFFE000  }
.LBB2_2:
0x5f: {  	[tilespmem:s6], [sflag:$0x4] =	stream.indirect.gather [spmem:s16], $0x40, s25, s31, $0xb8;
	[tilespmem:$0x1E440] =	vst v63  }
0x60: {  	s25 =	smov.u32 s24  }
0x61: {  	p0 =	sne.s32 s24, $0x4000;
	s24 =	sadd.s32 $0x800, s24;
	_ =	swait.ge [sflag:s7], $0x2000  }
0x62: {  	s25 =	sshra.s32 s25, $0x2;
	[sflag:s7] =	ssyncset.done $0x0  }
0x63: {  	s26 =	sadd.s32 $0x1400, s25;
	[sflag:s7] =	ssyncadd.s32 $0xFFFFE000  }
0x64: {  	[spmem:s0] =	stream.indirect.scatter.add.f32 [tilespmem:s15], [sflag:$0x5], $0x40, s26, s31, $0xb8;
	[tilespmem:$0x1E440] =	vst v63  }
0x65: {  	_ =	swait.ge [sflag:s8], $0x2000  }
0x66: {  	[sflag:s8] =	ssyncset.done $0x0  }
0x67: {  	s26 =	sadd.s32 $0x1480, s25;
	[sflag:s8] =	ssyncadd.s32 $0xFFFFE000  }
0x68: {  	[spmem:s0] =	stream.indirect.scatter.add.f32 [tilespmem:s1], [sflag:$0x6], $0x40, s26, s31, $0xb8;
	[tilespmem:$0x1E440] =	vst v63  }
0x69: {  	_ =	swait.ge [sflag:s9], $0x2000  }
0x6a: {  	[sflag:s9] =	ssyncset.done $0x0  }
0x6b: {  	s26 =	sadd.s32 $0x1500, s25;
	[sflag:s9] =	ssyncadd.s32 $0xFFFFE000  }
0x6c: {  	[spmem:s0] =	stream.indirect.scatter.add.f32 [tilespmem:s4], [sflag:$0x7], $0x40, s26, s31, $0xb8;
	[tilespmem:$0x1E440] =	vst v63  }
0x6d: {  	_ =	swait.ge [sflag:s10], $0x2000  }
0x6e: {  	[sflag:s10] =	ssyncset.done $0x0  }
0x6f: {  	s26 =	sadd.s32 $0x1580, s25;
	[sflag:s10] =	ssyncadd.s32 $0xFFFFE000  }
0x70: {  	[spmem:s0] =	stream.indirect.scatter.add.f32 [tilespmem:s6], [sflag:$0x8], $0x40, s26, s31, $0xb8;
	[tilespmem:$0x1E440] =	vst v63  }
0x71: {  	_ =	swait.ge [sflag:s11], $0x2000  }
0x72: {  	[sflag:s11] =	ssyncset.done $0x0  }
0x73: {  	s26 =	sadd.s32 $0x200, s25;
	[sflag:s11] =	ssyncadd.s32 $0xFFFFE000  }
0x74: {  	[tilespmem:s15], [sflag:$0x1] =	stream.indirect.gather [spmem:s16], $0x40, s26, s31, $0xb8;
	[tilespmem:$0x1E440] =	vst v63  }
0x75: {  	_ =	swait.ge [sflag:s12], $0x2000  }
0x76: {  	[sflag:s12] =	ssyncset.done $0x0  }
0x77: {  	s26 =	sadd.s32 $0x280, s25;
	[sflag:s12] =	ssyncadd.s32 $0xFFFFE000  }
0x78: {  	[tilespmem:s1], [sflag:$0x2] =	stream.indirect.gather [spmem:s16], $0x40, s26, s31, $0xb8;
	[tilespmem:$0x1E440] =	vst v63  }
0x79: {  	_ =	swait.ge [sflag:s13], $0x2000  }
0x7a: {  	[sflag:s13] =	ssyncset.done $0x0  }
.Ltmp0:
0x7b: {  	s26 =	sadd.s32 $0x300, s25;
	[sflag:s13] =	ssyncadd.s32 $0xFFFFE000;
	(pc) =	sbr.rel @p0 .LBB2_2-.Ltmp0, $4  }
0x7c: {  	[tilespmem:s4], [sflag:$0x3] =	stream.indirect.gather [spmem:s16], $0x40, s26, s31, $0xb8;
	[tilespmem:$0x1E440] =	vst v63  }
0x7d: {  	_ =	swait.ge [sflag:s14], $0x2000  }
0x7e: {  	[sflag:s14] =	ssyncset.done $0x0  }
0x7f: {  	s25 =	sadd.s32 $0x380, s25;
	[sflag:s14] =	ssyncadd.s32 $0xFFFFE000  }
0x80: {  	[tilespmem:s6], [sflag:$0x4] =	stream.indirect.gather [spmem:s16], $0x40, s25, s31, $0xb8;
	[tilespmem:$0x1E440] =	vst v63  }
0x81: {  	_ =	swait.ge [sflag:s7], $0x2000  }
0x82: {  	[sflag:s7] =	ssyncset.done $0x0  }
0x83: {  	[sflag:s7] =	ssyncadd.s32 $0xFFFFE000  }
0x84: {  	[spmem:s0] =	stream.indirect.scatter.add.f32 [tilespmem:s15], [sflag:$0x5], $0x40, s17, s31, $0xb8;
	[tilespmem:$0x1E440] =	vst v63  }
0x85: {  	_ =	swait.ge [sflag:s8], $0x2000  }
0x86: {  	[sflag:s8] =	ssyncset.done $0x0  }
0x87: {  	[sflag:s8] =	ssyncadd.s32 $0xFFFFE000  }
0x88: {  	[spmem:s0] =	stream.indirect.scatter.add.f32 [tilespmem:s1], [sflag:$0x6], $0x40, s18, s31, $0xb8;
	[tilespmem:$0x1E440] =	vst v63  }
0x89: {  	_ =	swait.ge [sflag:s9], $0x2000  }
0x8a: {  	[sflag:s9] =	ssyncset.done $0x0  }
0x8b: {  	[sflag:s9] =	ssyncadd.s32 $0xFFFFE000  }
0x8c: {  	[spmem:s0] =	stream.indirect.scatter.add.f32 [tilespmem:s4], [sflag:$0x7], $0x40, s19, s31, $0xb8;
	[tilespmem:$0x1E440] =	vst v63  }
0x8d: {  	_ =	swait.ge [sflag:s10], $0x2000  }
0x8e: {  	[sflag:s10] =	ssyncset.done $0x0  }
0x8f: {  	[sflag:s10] =	ssyncadd.s32 $0xFFFFE000  }
0x90: {  	[spmem:s0] =	stream.indirect.scatter.add.f32 [tilespmem:s6], [sflag:$0x8], $0x40, s22, s31, $0xb8;
	[tilespmem:$0x1E440] =	vst v63  }
0x91: {  	_ =	swait.ge [sflag:s11], $0x2000  }
0x92: {  	[sflag:s11] =	ssyncset.done $0x0  }
0x93: {  	[sflag:s11] =	ssyncadd.s32 $0xFFFFE000  }
0x94: {  	_ =	swait.ge [sflag:s12], $0x2000  }
0x95: {  	[sflag:s12] =	ssyncset.done $0x0  }
0x96: {  	[sflag:s12] =	ssyncadd.s32 $0xFFFFE000  }
0x97: {  	_ =	swait.ge [sflag:s13], $0x2000  }
0x98: {  	[sflag:s13] =	ssyncset.done $0x0  }
0x99: {  	[sflag:s13] =	ssyncadd.s32 $0xFFFFE000  }
0x9a: {  	_ =	swait.ge [sflag:s14], $0x2000  }
0x9b: {  	[sflag:s14] =	ssyncset.done $0x0  }
0x9c: {  	s24 =	simm.s32 $0x0;
	s26 =	rddreg [dreg:$0x8];
	[sflag:s14] =	ssyncadd.s32 $0xFFFFE000  }
0x9d: {  	[tilespmem:s24], [sflag:$0x9] =	stream.linear.gather [hbm4b:s26+s24], $0x1400, $0x38;
	[tilespmem:$0x1E440] =	vst v63  }
0x9e: {  	_ =	swait.ge [sflag:s29], $0x1400  }
0x9f: {  	[sflag:s29] =	ssyncset.done $0x0  }
0xa0: {  	s26 =	rddreg [dreg:$0x9];
	[sflag:s29] =	ssyncadd.s32 $0xFFFFEC00  }
0xa1: {  	[tilespmem:s30], [sflag:$0x9] =	stream.linear.gather [hbm4b:s26+s24], $0x1400, $0x38;
	[tilespmem:$0x1E440] =	vst v63  }
0xa2: {  	_ =	swait.ge [sflag:s29], $0x1400  }
0xa3: {  	[sflag:s29] =	ssyncset.done $0x0  }
0xa4: {  	[sflag:s29] =	ssyncadd.s32 $0xFFFFEC00  }
0xa5: {  	[tilespmem:s15], [sflag:$0x1] =	stream.indirect.gather [spmem:s16], $0x40, s24, s31, $0xb8;
	[tilespmem:$0x1E440] =	vst v63  }
0xa6: {  	_ = 	snop  }
0xa7: {  	[tilespmem:s1], [sflag:$0x2] =	stream.indirect.gather [spmem:s16], $0x40, s31, s31, $0xb8;
	[tilespmem:$0x1E440] =	vst v63  }
0xa8: {  	_ = 	snop  }
0xa9: {  	[tilespmem:s4], [sflag:$0x3] =	stream.indirect.gather [spmem:s16], $0x40, s3, s31, $0xb8;
	[tilespmem:$0x1E440] =	vst v63  }
0xaa: {  	_ = 	snop  }
0xab: {  	[tilespmem:s6], [sflag:$0x4] =	stream.indirect.gather [spmem:s16], $0x40, s5, s31, $0xb8;
	[tilespmem:$0x1E440] =	vst v63  }
0xac: {  	_ =	swait.ge [sflag:s7], $0x2000  }
0xad: {  	[sflag:s7] =	ssyncset.done $0x0  }
0xae: {  	s26 =	simm.s32 $0x1400;
	[sflag:s7] =	ssyncadd.s32 $0xFFFFE000  }
0xaf: {  	[spmem:s0] =	stream.indirect.scatter.add.f32 [tilespmem:s15], [sflag:$0x5], $0x40, s26, s31, $0xb8;
	[tilespmem:$0x1E440] =	vst v63  }
0xb0: {  	_ =	swait.ge [sflag:s8], $0x2000  }
0xb1: {  	[sflag:s8] =	ssyncset.done $0x0  }
0xb2: {  	s25 =	simm.s32 $0x1480;
	[sflag:s8] =	ssyncadd.s32 $0xFFFFE000  }
0xb3: {  	[spmem:s0] =	stream.indirect.scatter.add.f32 [tilespmem:s1], [sflag:$0x6], $0x40, s25, s31, $0xb8;
	[tilespmem:$0x1E440] =	vst v63  }
0xb4: {  	_ =	swait.ge [sflag:s9], $0x2000  }
0xb5: {  	[sflag:s9] =	ssyncset.done $0x0  }
0xb6: {  	s26 =	simm.s32 $0x1500;
	[sflag:s9] =	ssyncadd.s32 $0xFFFFE000  }
0xb7: {  	[spmem:s0] =	stream.indirect.scatter.add.f32 [tilespmem:s4], [sflag:$0x7], $0x40, s26, s31, $0xb8;
	[tilespmem:$0x1E440] =	vst v63  }
0xb8: {  	_ =	swait.ge [sflag:s10], $0x2000  }
0xb9: {  	[sflag:s10] =	ssyncset.done $0x0  }
0xba: {  	s25 =	simm.s32 $0x1580;
	[sflag:s10] =	ssyncadd.s32 $0xFFFFE000  }
0xbb: {  	[spmem:s0] =	stream.indirect.scatter.add.f32 [tilespmem:s6], [sflag:$0x8], $0x40, s25, s31, $0xb8;
	[tilespmem:$0x1E440] =	vst v63  }
0xbc: {  	_ =	swait.ge [sflag:s11], $0x2000  }
0xbd: {  	[sflag:s11] =	ssyncset.done $0x0  }
0xbe: {  	s26 =	simm.s32 $0x200;
	[sflag:s11] =	ssyncadd.s32 $0xFFFFE000  }
0xbf: {  	[tilespmem:s15], [sflag:$0x1] =	stream.indirect.gather [spmem:s16], $0x40, s26, s31, $0xb8;
	[tilespmem:$0x1E440] =	vst v63  }
0xc0: {  	_ =	swait.ge [sflag:s12], $0x2000  }
0xc1: {  	[sflag:s12] =	ssyncset.done $0x0  }
0xc2: {  	s25 =	simm.s32 $0x280;
	[sflag:s12] =	ssyncadd.s32 $0xFFFFE000  }
0xc3: {  	[tilespmem:s1], [sflag:$0x2] =	stream.indirect.gather [spmem:s16], $0x40, s25, s31, $0xb8;
	[tilespmem:$0x1E440] =	vst v63  }
0xc4: {  	_ =	swait.ge [sflag:s13], $0x2000  }
0xc5: {  	[sflag:s13] =	ssyncset.done $0x0  }
0xc6: {  	s26 =	simm.s32 $0x300;
	[sflag:s13] =	ssyncadd.s32 $0xFFFFE000  }
0xc7: {  	[tilespmem:s4], [sflag:$0x3] =	stream.indirect.gather [spmem:s16], $0x40, s26, s31, $0xb8;
	[tilespmem:$0x1E440] =	vst v63  }
0xc8: {  	_ =	swait.ge [sflag:s14], $0x2000  }
0xc9: {  	[sflag:s14] =	ssyncset.done $0x0  }
0xca: {  	s24 =	simm.s32 $0x800;
	s25 =	simm.s32 $0x380;
	[sflag:s14] =	ssyncadd.s32 $0xFFFFE000  }
.LBB2_4:
0xcb: {  	[tilespmem:s6], [sflag:$0x4] =	stream.indirect.gather [spmem:s16], $0x40, s25, s31, $0xb8;
	[tilespmem:$0x1E440] =	vst v63  }
0xcc: {  	s25 =	smov.u32 s24  }
0xcd: {  	p0 =	sne.s32 s24, $0x4000;
	s24 =	sadd.s32 $0x800, s24;
	_ =	swait.ge [sflag:s7], $0x2000  }
0xce: {  	s25 =	sshra.s32 s25, $0x2;
	[sflag:s7] =	ssyncset.done $0x0  }
0xcf: {  	s26 =	sadd.s32 $0x1400, s25;
	[sflag:s7] =	ssyncadd.s32 $0xFFFFE000  }
0xd0: {  	[spmem:s0] =	stream.indirect.scatter.add.f32 [tilespmem:s15], [sflag:$0x5], $0x40, s26, s31, $0xb8;
	[tilespmem:$0x1E440] =	vst v63  }
0xd1: {  	_ =	swait.ge [sflag:s8], $0x2000  }
0xd2: {  	[sflag:s8] =	ssyncset.done $0x0  }
0xd3: {  	s26 =	sadd.s32 $0x1480, s25;
	[sflag:s8] =	ssyncadd.s32 $0xFFFFE000  }
0xd4: {  	[spmem:s0] =	stream.indirect.scatter.add.f32 [tilespmem:s1], [sflag:$0x6], $0x40, s26, s31, $0xb8;
	[tilespmem:$0x1E440] =	vst v63  }
0xd5: {  	_ =	swait.ge [sflag:s9], $0x2000  }
0xd6: {  	[sflag:s9] =	ssyncset.done $0x0  }
0xd7: {  	s26 =	sadd.s32 $0x1500, s25;
	[sflag:s9] =	ssyncadd.s32 $0xFFFFE000  }
0xd8: {  	[spmem:s0] =	stream.indirect.scatter.add.f32 [tilespmem:s4], [sflag:$0x7], $0x40, s26, s31, $0xb8;
	[tilespmem:$0x1E440] =	vst v63  }
0xd9: {  	_ =	swait.ge [sflag:s10], $0x2000  }
0xda: {  	[sflag:s10] =	ssyncset.done $0x0  }
0xdb: {  	s26 =	sadd.s32 $0x1580, s25;
	[sflag:s10] =	ssyncadd.s32 $0xFFFFE000  }
0xdc: {  	[spmem:s0] =	stream.indirect.scatter.add.f32 [tilespmem:s6], [sflag:$0x8], $0x40, s26, s31, $0xb8;
	[tilespmem:$0x1E440] =	vst v63  }
0xdd: {  	_ =	swait.ge [sflag:s11], $0x2000  }
0xde: {  	[sflag:s11] =	ssyncset.done $0x0  }
0xdf: {  	s26 =	sadd.s32 $0x200, s25;
	[sflag:s11] =	ssyncadd.s32 $0xFFFFE000  }
0xe0: {  	[tilespmem:s15], [sflag:$0x1] =	stream.indirect.gather [spmem:s16], $0x40, s26, s31, $0xb8;
	[tilespmem:$0x1E440] =	vst v63  }
0xe1: {  	_ =	swait.ge [sflag:s12], $0x2000  }
0xe2: {  	[sflag:s12] =	ssyncset.done $0x0  }
0xe3: {  	s26 =	sadd.s32 $0x280, s25;
	[sflag:s12] =	ssyncadd.s32 $0xFFFFE000  }
0xe4: {  	[tilespmem:s1], [sflag:$0x2] =	stream.indirect.gather [spmem:s16], $0x40, s26, s31, $0xb8;
	[tilespmem:$0x1E440] =	vst v63  }
0xe5: {  	_ =	swait.ge [sflag:s13], $0x2000  }
0xe6: {  	[sflag:s13] =	ssyncset.done $0x0  }
.Ltmp1:
0xe7: {  	s26 =	sadd.s32 $0x300, s25;
	[sflag:s13] =	ssyncadd.s32 $0xFFFFE000;
	(pc) =	sbr.rel @p0 .LBB2_4-.Ltmp1, $4  }
0xe8: {  	[tilespmem:s4], [sflag:$0x3] =	stream.indirect.gather [spmem:s16], $0x40, s26, s31, $0xb8;
	[tilespmem:$0x1E440] =	vst v63  }
0xe9: {  	_ =	swait.ge [sflag:s14], $0x2000  }
0xea: {  	[sflag:s14] =	ssyncset.done $0x0  }
0xeb: {  	s25 =	sadd.s32 $0x380, s25;
	[sflag:s14] =	ssyncadd.s32 $0xFFFFE000  }
0xec: {  	[tilespmem:s6], [sflag:$0x4] =	stream.indirect.gather [spmem:s16], $0x40, s25, s31, $0xb8;
	[tilespmem:$0x1E440] =	vst v63  }
0xed: {  	_ =	swait.ge [sflag:s7], $0x2000  }
0xee: {  	[sflag:s7] =	ssyncset.done $0x0  }
0xef: {  	[sflag:s7] =	ssyncadd.s32 $0xFFFFE000  }
0xf0: {  	[spmem:s0] =	stream.indirect.scatter.add.f32 [tilespmem:s15], [sflag:$0x5], $0x40, s17, s31, $0xb8;
	[tilespmem:$0x1E440] =	vst v63  }
0xf1: {  	_ =	swait.ge [sflag:s8], $0x2000  }
0xf2: {  	[sflag:s8] =	ssyncset.done $0x0  }
0xf3: {  	[sflag:s8] =	ssyncadd.s32 $0xFFFFE000  }
0xf4: {  	[spmem:s0] =	stream.indirect.scatter.add.f32 [tilespmem:s1], [sflag:$0x6], $0x40, s18, s31, $0xb8;
	[tilespmem:$0x1E440] =	vst v63  }
0xf5: {  	_ =	swait.ge [sflag:s9], $0x2000  }
0xf6: {  	[sflag:s9] =	ssyncset.done $0x0  }
0xf7: {  	[sflag:s9] =	ssyncadd.s32 $0xFFFFE000  }
0xf8: {  	[spmem:s0] =	stream.indirect.scatter.add.f32 [tilespmem:s4], [sflag:$0x7], $0x40, s19, s31, $0xb8;
	[tilespmem:$0x1E440] =	vst v63  }
0xf9: {  	_ =	swait.ge [sflag:s10], $0x2000  }
0xfa: {  	[sflag:s10] =	ssyncset.done $0x0  }
0xfb: {  	[sflag:s10] =	ssyncadd.s32 $0xFFFFE000  }
0xfc: {  	[spmem:s0] =	stream.indirect.scatter.add.f32 [tilespmem:s6], [sflag:$0x8], $0x40, s22, s31, $0xb8;
	[tilespmem:$0x1E440] =	vst v63  }
0xfd: {  	_ =	swait.ge [sflag:s11], $0x2000  }
0xfe: {  	[sflag:s11] =	ssyncset.done $0x0  }
0xff: {  	[sflag:s11] =	ssyncadd.s32 $0xFFFFE000  }
0x100: {  	_ =	swait.ge [sflag:s12], $0x2000  }
0x101: {  	[sflag:s12] =	ssyncset.done $0x0  }
0x102: {  	[sflag:s12] =	ssyncadd.s32 $0xFFFFE000  }
0x103: {  	_ =	swait.ge [sflag:s13], $0x2000  }
0x104: {  	[sflag:s13] =	ssyncset.done $0x0  }
0x105: {  	[sflag:s13] =	ssyncadd.s32 $0xFFFFE000  }
0x106: {  	_ =	swait.ge [sflag:s14], $0x2000  }
0x107: {  	[sflag:s14] =	ssyncset.done $0x0  }
0x108: {  	s24 =	simm.s32 $0x0;
	s26 =	rddreg [dreg:$0xa];
	[sflag:s14] =	ssyncadd.s32 $0xFFFFE000  }
0x109: {  	[tilespmem:s24], [sflag:$0x9] =	stream.linear.gather [hbm4b:s26+s24], $0x1400, $0x38;
	[tilespmem:$0x1E440] =	vst v63  }
0x10a: {  	_ =	swait.ge [sflag:s29], $0x1400  }
0x10b: {  	[sflag:s29] =	ssyncset.done $0x0  }
0x10c: {  	s26 =	rddreg [dreg:$0xb];
	[sflag:s29] =	ssyncadd.s32 $0xFFFFEC00  }
0x10d: {  	[tilespmem:s30], [sflag:$0x9] =	stream.linear.gather [hbm4b:s26+s24], $0x1400, $0x38;
	[tilespmem:$0x1E440] =	vst v63  }
0x10e: {  	_ =	swait.ge [sflag:s29], $0x1400  }
0x10f: {  	[sflag:s29] =	ssyncset.done $0x0  }
0x110: {  	[sflag:s29] =	ssyncadd.s32 $0xFFFFEC00  }
0x111: {  	[tilespmem:s15], [sflag:$0x1] =	stream.indirect.gather [spmem:s16], $0x40, s24, s31, $0xb8;
	[tilespmem:$0x1E440] =	vst v63  }
0x112: {  	_ = 	snop  }
0x113: {  	[tilespmem:s1], [sflag:$0x2] =	stream.indirect.gather [spmem:s16], $0x40, s31, s31, $0xb8;
	[tilespmem:$0x1E440] =	vst v63  }
0x114: {  	_ = 	snop  }
0x115: {  	[tilespmem:s4], [sflag:$0x3] =	stream.indirect.gather [spmem:s16], $0x40, s3, s31, $0xb8;
	[tilespmem:$0x1E440] =	vst v63  }
0x116: {  	_ = 	snop  }
0x117: {  	[tilespmem:s6], [sflag:$0x4] =	stream.indirect.gather [spmem:s16], $0x40, s5, s31, $0xb8;
	[tilespmem:$0x1E440] =	vst v63  }
0x118: {  	_ =	swait.ge [sflag:s7], $0x2000  }
0x119: {  	[sflag:s7] =	ssyncset.done $0x0  }
0x11a: {  	s26 =	simm.s32 $0x1400;
	[sflag:s7] =	ssyncadd.s32 $0xFFFFE000  }
0x11b: {  	[spmem:s0] =	stream.indirect.scatter.add.f32 [tilespmem:s15], [sflag:$0x5], $0x40, s26, s31, $0xb8;
	[tilespmem:$0x1E440] =	vst v63  }
0x11c: {  	_ =	swait.ge [sflag:s8], $0x2000  }
0x11d: {  	[sflag:s8] =	ssyncset.done $0x0  }
0x11e: {  	s25 =	simm.s32 $0x1480;
	[sflag:s8] =	ssyncadd.s32 $0xFFFFE000  }
0x11f: {  	[spmem:s0] =	stream.indirect.scatter.add.f32 [tilespmem:s1], [sflag:$0x6], $0x40, s25, s31, $0xb8;
	[tilespmem:$0x1E440] =	vst v63  }
0x120: {  	_ =	swait.ge [sflag:s9], $0x2000  }
0x121: {  	[sflag:s9] =	ssyncset.done $0x0  }
0x122: {  	s26 =	simm.s32 $0x1500;
	[sflag:s9] =	ssyncadd.s32 $0xFFFFE000  }
0x123: {  	[spmem:s0] =	stream.indirect.scatter.add.f32 [tilespmem:s4], [sflag:$0x7], $0x40, s26, s31, $0xb8;
	[tilespmem:$0x1E440] =	vst v63  }
0x124: {  	_ =	swait.ge [sflag:s10], $0x2000  }
0x125: {  	[sflag:s10] =	ssyncset.done $0x0  }
0x126: {  	s25 =	simm.s32 $0x1580;
	[sflag:s10] =	ssyncadd.s32 $0xFFFFE000  }
0x127: {  	[spmem:s0] =	stream.indirect.scatter.add.f32 [tilespmem:s6], [sflag:$0x8], $0x40, s25, s31, $0xb8;
	[tilespmem:$0x1E440] =	vst v63  }
0x128: {  	_ =	swait.ge [sflag:s11], $0x2000  }
0x129: {  	[sflag:s11] =	ssyncset.done $0x0  }
0x12a: {  	s26 =	simm.s32 $0x200;
	[sflag:s11] =	ssyncadd.s32 $0xFFFFE000  }
0x12b: {  	[tilespmem:s15], [sflag:$0x1] =	stream.indirect.gather [spmem:s16], $0x40, s26, s31, $0xb8;
	[tilespmem:$0x1E440] =	vst v63  }
0x12c: {  	_ =	swait.ge [sflag:s12], $0x2000  }
0x12d: {  	[sflag:s12] =	ssyncset.done $0x0  }
0x12e: {  	s25 =	simm.s32 $0x280;
	[sflag:s12] =	ssyncadd.s32 $0xFFFFE000  }
0x12f: {  	[tilespmem:s1], [sflag:$0x2] =	stream.indirect.gather [spmem:s16], $0x40, s25, s31, $0xb8;
	[tilespmem:$0x1E440] =	vst v63  }
0x130: {  	_ =	swait.ge [sflag:s13], $0x2000  }
0x131: {  	[sflag:s13] =	ssyncset.done $0x0  }
0x132: {  	s26 =	simm.s32 $0x300;
	[sflag:s13] =	ssyncadd.s32 $0xFFFFE000  }
0x133: {  	[tilespmem:s4], [sflag:$0x3] =	stream.indirect.gather [spmem:s16], $0x40, s26, s31, $0xb8;
	[tilespmem:$0x1E440] =	vst v63  }
0x134: {  	_ =	swait.ge [sflag:s14], $0x2000  }
0x135: {  	[sflag:s14] =	ssyncset.done $0x0  }
0x136: {  	s24 =	simm.s32 $0x800;
	s25 =	simm.s32 $0x380;
	[sflag:s14] =	ssyncadd.s32 $0xFFFFE000  }
.LBB2_6:
0x137: {  	[tilespmem:s6], [sflag:$0x4] =	stream.indirect.gather [spmem:s16], $0x40, s25, s31, $0xb8;
	[tilespmem:$0x1E440] =	vst v63  }
0x138: {  	s25 =	smov.u32 s24  }
0x139: {  	p0 =	sne.s32 s24, $0x4000;
	s24 =	sadd.s32 $0x800, s24;
	_ =	swait.ge [sflag:s7], $0x2000  }
0x13a: {  	s25 =	sshra.s32 s25, $0x2;
	[sflag:s7] =	ssyncset.done $0x0  }
0x13b: {  	s26 =	sadd.s32 $0x1400, s25;
	[sflag:s7] =	ssyncadd.s32 $0xFFFFE000  }
0x13c: {  	[spmem:s0] =	stream.indirect.scatter.add.f32 [tilespmem:s15], [sflag:$0x5], $0x40, s26, s31, $0xb8;
	[tilespmem:$0x1E440] =	vst v63  }
0x13d: {  	_ =	swait.ge [sflag:s8], $0x2000  }
0x13e: {  	[sflag:s8] =	ssyncset.done $0x0  }
0x13f: {  	s26 =	sadd.s32 $0x1480, s25;
	[sflag:s8] =	ssyncadd.s32 $0xFFFFE000  }
0x140: {  	[spmem:s0] =	stream.indirect.scatter.add.f32 [tilespmem:s1], [sflag:$0x6], $0x40, s26, s31, $0xb8;
	[tilespmem:$0x1E440] =	vst v63  }
0x141: {  	_ =	swait.ge [sflag:s9], $0x2000  }
0x142: {  	[sflag:s9] =	ssyncset.done $0x0  }
0x143: {  	s26 =	sadd.s32 $0x1500, s25;
	[sflag:s9] =	ssyncadd.s32 $0xFFFFE000  }
0x144: {  	[spmem:s0] =	stream.indirect.scatter.add.f32 [tilespmem:s4], [sflag:$0x7], $0x40, s26, s31, $0xb8;
	[tilespmem:$0x1E440] =	vst v63  }
0x145: {  	_ =	swait.ge [sflag:s10], $0x2000  }
0x146: {  	[sflag:s10] =	ssyncset.done $0x0  }
0x147: {  	s26 =	sadd.s32 $0x1580, s25;
	[sflag:s10] =	ssyncadd.s32 $0xFFFFE000  }
0x148: {  	[spmem:s0] =	stream.indirect.scatter.add.f32 [tilespmem:s6], [sflag:$0x8], $0x40, s26, s31, $0xb8;
	[tilespmem:$0x1E440] =	vst v63  }
0x149: {  	_ =	swait.ge [sflag:s11], $0x2000  }
0x14a: {  	[sflag:s11] =	ssyncset.done $0x0  }
0x14b: {  	s26 =	sadd.s32 $0x200, s25;
	[sflag:s11] =	ssyncadd.s32 $0xFFFFE000  }
0x14c: {  	[tilespmem:s15], [sflag:$0x1] =	stream.indirect.gather [spmem:s16], $0x40, s26, s31, $0xb8;
	[tilespmem:$0x1E440] =	vst v63  }
0x14d: {  	_ =	swait.ge [sflag:s12], $0x2000  }
0x14e: {  	[sflag:s12] =	ssyncset.done $0x0  }
0x14f: {  	s26 =	sadd.s32 $0x280, s25;
	[sflag:s12] =	ssyncadd.s32 $0xFFFFE000  }
0x150: {  	[tilespmem:s1], [sflag:$0x2] =	stream.indirect.gather [spmem:s16], $0x40, s26, s31, $0xb8;
	[tilespmem:$0x1E440] =	vst v63  }
0x151: {  	_ =	swait.ge [sflag:s13], $0x2000  }
0x152: {  	[sflag:s13] =	ssyncset.done $0x0  }
.Ltmp2:
0x153: {  	s26 =	sadd.s32 $0x300, s25;
	[sflag:s13] =	ssyncadd.s32 $0xFFFFE000;
	(pc) =	sbr.rel @p0 .LBB2_6-.Ltmp2, $4  }
0x154: {  	[tilespmem:s4], [sflag:$0x3] =	stream.indirect.gather [spmem:s16], $0x40, s26, s31, $0xb8;
	[tilespmem:$0x1E440] =	vst v63  }
0x155: {  	_ =	swait.ge [sflag:s14], $0x2000  }
0x156: {  	[sflag:s14] =	ssyncset.done $0x0  }
0x157: {  	s25 =	sadd.s32 $0x380, s25;
	[sflag:s14] =	ssyncadd.s32 $0xFFFFE000  }
0x158: {  	[tilespmem:s6], [sflag:$0x4] =	stream.indirect.gather [spmem:s16], $0x40, s25, s31, $0xb8;
	[tilespmem:$0x1E440] =	vst v63  }
0x159: {  	_ =	swait.ge [sflag:s7], $0x2000  }
0x15a: {  	[sflag:s7] =	ssyncset.done $0x0  }
0x15b: {  	[sflag:s7] =	ssyncadd.s32 $0xFFFFE000  }
0x15c: {  	[spmem:s0] =	stream.indirect.scatter.add.f32 [tilespmem:s15], [sflag:$0x5], $0x40, s17, s31, $0xb8;
	[tilespmem:$0x1E440] =	vst v63  }
0x15d: {  	_ =	swait.ge [sflag:s8], $0x2000  }
0x15e: {  	[sflag:s8] =	ssyncset.done $0x0  }
0x15f: {  	[sflag:s8] =	ssyncadd.s32 $0xFFFFE000  }
0x160: {  	[spmem:s0] =	stream.indirect.scatter.add.f32 [tilespmem:s1], [sflag:$0x6], $0x40, s18, s31, $0xb8;
	[tilespmem:$0x1E440] =	vst v63  }
0x161: {  	_ =	swait.ge [sflag:s9], $0x2000  }
0x162: {  	[sflag:s9] =	ssyncset.done $0x0  }
0x163: {  	[sflag:s9] =	ssyncadd.s32 $0xFFFFE000  }
0x164: {  	[spmem:s0] =	stream.indirect.scatter.add.f32 [tilespmem:s4], [sflag:$0x7], $0x40, s19, s31, $0xb8;
	[tilespmem:$0x1E440] =	vst v63  }
0x165: {  	_ =	swait.ge [sflag:s10], $0x2000  }
0x166: {  	[sflag:s10] =	ssyncset.done $0x0  }
0x167: {  	[sflag:s10] =	ssyncadd.s32 $0xFFFFE000  }
0x168: {  	[spmem:s0] =	stream.indirect.scatter.add.f32 [tilespmem:s6], [sflag:$0x8], $0x40, s22, s31, $0xb8;
	[tilespmem:$0x1E440] =	vst v63  }
0x169: {  	_ =	swait.ge [sflag:s11], $0x2000  }
0x16a: {  	[sflag:s11] =	ssyncset.done $0x0  }
0x16b: {  	[sflag:s11] =	ssyncadd.s32 $0xFFFFE000  }
0x16c: {  	_ =	swait.ge [sflag:s12], $0x2000  }
0x16d: {  	[sflag:s12] =	ssyncset.done $0x0  }
0x16e: {  	[sflag:s12] =	ssyncadd.s32 $0xFFFFE000  }
0x16f: {  	_ =	swait.ge [sflag:s13], $0x2000  }
0x170: {  	[sflag:s13] =	ssyncset.done $0x0  }
0x171: {  	[sflag:s13] =	ssyncadd.s32 $0xFFFFE000  }
0x172: {  	_ =	swait.ge [sflag:s14], $0x2000  }
0x173: {  	[sflag:s14] =	ssyncset.done $0x0  }
0x174: {  	s24 =	simm.s32 $0x0;
	s26 =	rddreg [dreg:$0xc];
	[sflag:s14] =	ssyncadd.s32 $0xFFFFE000  }
0x175: {  	[tilespmem:s24], [sflag:$0x9] =	stream.linear.gather [hbm4b:s26+s24], $0x1400, $0x38;
	[tilespmem:$0x1E440] =	vst v63  }
0x176: {  	_ =	swait.ge [sflag:s29], $0x1400  }
0x177: {  	[sflag:s29] =	ssyncset.done $0x0  }
0x178: {  	s26 =	rddreg [dreg:$0xd];
	[sflag:s29] =	ssyncadd.s32 $0xFFFFEC00  }
0x179: {  	[tilespmem:s30], [sflag:$0x9] =	stream.linear.gather [hbm4b:s26+s24], $0x1400, $0x38;
	[tilespmem:$0x1E440] =	vst v63  }
0x17a: {  	_ =	swait.ge [sflag:s29], $0x1400  }
0x17b: {  	[sflag:s29] =	ssyncset.done $0x0  }
0x17c: {  	[sflag:s29] =	ssyncadd.s32 $0xFFFFEC00  }
0x17d: {  	[tilespmem:s15], [sflag:$0x1] =	stream.indirect.gather [spmem:s16], $0x40, s24, s31, $0xb8;
	[tilespmem:$0x1E440] =	vst v63  }
0x17e: {  	_ = 	snop  }
0x17f: {  	[tilespmem:s1], [sflag:$0x2] =	stream.indirect.gather [spmem:s16], $0x40, s31, s31, $0xb8;
	[tilespmem:$0x1E440] =	vst v63  }
0x180: {  	_ = 	snop  }
0x181: {  	[tilespmem:s4], [sflag:$0x3] =	stream.indirect.gather [spmem:s16], $0x40, s3, s31, $0xb8;
	[tilespmem:$0x1E440] =	vst v63  }
0x182: {  	_ = 	snop  }
0x183: {  	[tilespmem:s6], [sflag:$0x4] =	stream.indirect.gather [spmem:s16], $0x40, s5, s31, $0xb8;
	[tilespmem:$0x1E440] =	vst v63  }
0x184: {  	_ =	swait.ge [sflag:s7], $0x2000  }
0x185: {  	[sflag:s7] =	ssyncset.done $0x0  }
0x186: {  	s26 =	simm.s32 $0x1400;
	[sflag:s7] =	ssyncadd.s32 $0xFFFFE000  }
0x187: {  	[spmem:s0] =	stream.indirect.scatter.add.f32 [tilespmem:s15], [sflag:$0x5], $0x40, s26, s31, $0xb8;
	[tilespmem:$0x1E440] =	vst v63  }
0x188: {  	_ =	swait.ge [sflag:s8], $0x2000  }
0x189: {  	[sflag:s8] =	ssyncset.done $0x0  }
0x18a: {  	s25 =	simm.s32 $0x1480;
	[sflag:s8] =	ssyncadd.s32 $0xFFFFE000  }
0x18b: {  	[spmem:s0] =	stream.indirect.scatter.add.f32 [tilespmem:s1], [sflag:$0x6], $0x40, s25, s31, $0xb8;
	[tilespmem:$0x1E440] =	vst v63  }
0x18c: {  	_ =	swait.ge [sflag:s9], $0x2000  }
0x18d: {  	[sflag:s9] =	ssyncset.done $0x0  }
0x18e: {  	s26 =	simm.s32 $0x1500;
	[sflag:s9] =	ssyncadd.s32 $0xFFFFE000  }
0x18f: {  	[spmem:s0] =	stream.indirect.scatter.add.f32 [tilespmem:s4], [sflag:$0x7], $0x40, s26, s31, $0xb8;
	[tilespmem:$0x1E440] =	vst v63  }
0x190: {  	_ =	swait.ge [sflag:s10], $0x2000  }
0x191: {  	[sflag:s10] =	ssyncset.done $0x0  }
0x192: {  	s25 =	simm.s32 $0x1580;
	[sflag:s10] =	ssyncadd.s32 $0xFFFFE000  }
0x193: {  	[spmem:s0] =	stream.indirect.scatter.add.f32 [tilespmem:s6], [sflag:$0x8], $0x40, s25, s31, $0xb8;
	[tilespmem:$0x1E440] =	vst v63  }
0x194: {  	_ =	swait.ge [sflag:s11], $0x2000  }
0x195: {  	[sflag:s11] =	ssyncset.done $0x0  }
0x196: {  	s26 =	simm.s32 $0x200;
	[sflag:s11] =	ssyncadd.s32 $0xFFFFE000  }
0x197: {  	[tilespmem:s15], [sflag:$0x1] =	stream.indirect.gather [spmem:s16], $0x40, s26, s31, $0xb8;
	[tilespmem:$0x1E440] =	vst v63  }
0x198: {  	_ =	swait.ge [sflag:s12], $0x2000  }
0x199: {  	[sflag:s12] =	ssyncset.done $0x0  }
0x19a: {  	s25 =	simm.s32 $0x280;
	[sflag:s12] =	ssyncadd.s32 $0xFFFFE000  }
0x19b: {  	[tilespmem:s1], [sflag:$0x2] =	stream.indirect.gather [spmem:s16], $0x40, s25, s31, $0xb8;
	[tilespmem:$0x1E440] =	vst v63  }
0x19c: {  	_ =	swait.ge [sflag:s13], $0x2000  }
0x19d: {  	[sflag:s13] =	ssyncset.done $0x0  }
0x19e: {  	s26 =	simm.s32 $0x300;
	[sflag:s13] =	ssyncadd.s32 $0xFFFFE000  }
0x19f: {  	[tilespmem:s4], [sflag:$0x3] =	stream.indirect.gather [spmem:s16], $0x40, s26, s31, $0xb8;
	[tilespmem:$0x1E440] =	vst v63  }
0x1a0: {  	_ =	swait.ge [sflag:s14], $0x2000  }
0x1a1: {  	[sflag:s14] =	ssyncset.done $0x0  }
0x1a2: {  	s24 =	simm.s32 $0x800;
	s25 =	simm.s32 $0x380;
	[sflag:s14] =	ssyncadd.s32 $0xFFFFE000  }
.LBB2_8:
0x1a3: {  	[tilespmem:s6], [sflag:$0x4] =	stream.indirect.gather [spmem:s16], $0x40, s25, s31, $0xb8;
	[tilespmem:$0x1E440] =	vst v63  }
0x1a4: {  	s25 =	smov.u32 s24  }
0x1a5: {  	p0 =	sne.s32 s24, $0x4000;
	s24 =	sadd.s32 $0x800, s24;
	_ =	swait.ge [sflag:s7], $0x2000  }
0x1a6: {  	s25 =	sshra.s32 s25, $0x2;
	[sflag:s7] =	ssyncset.done $0x0  }
0x1a7: {  	s26 =	sadd.s32 $0x1400, s25;
	[sflag:s7] =	ssyncadd.s32 $0xFFFFE000  }
0x1a8: {  	[spmem:s0] =	stream.indirect.scatter.add.f32 [tilespmem:s15], [sflag:$0x5], $0x40, s26, s31, $0xb8;
	[tilespmem:$0x1E440] =	vst v63  }
0x1a9: {  	_ =	swait.ge [sflag:s8], $0x2000  }
0x1aa: {  	[sflag:s8] =	ssyncset.done $0x0  }
0x1ab: {  	s26 =	sadd.s32 $0x1480, s25;
	[sflag:s8] =	ssyncadd.s32 $0xFFFFE000  }
0x1ac: {  	[spmem:s0] =	stream.indirect.scatter.add.f32 [tilespmem:s1], [sflag:$0x6], $0x40, s26, s31, $0xb8;
	[tilespmem:$0x1E440] =	vst v63  }
0x1ad: {  	_ =	swait.ge [sflag:s9], $0x2000  }
0x1ae: {  	[sflag:s9] =	ssyncset.done $0x0  }
0x1af: {  	s26 =	sadd.s32 $0x1500, s25;
	[sflag:s9] =	ssyncadd.s32 $0xFFFFE000  }
0x1b0: {  	[spmem:s0] =	stream.indirect.scatter.add.f32 [tilespmem:s4], [sflag:$0x7], $0x40, s26, s31, $0xb8;
	[tilespmem:$0x1E440] =	vst v63  }
0x1b1: {  	_ =	swait.ge [sflag:s10], $0x2000  }
0x1b2: {  	[sflag:s10] =	ssyncset.done $0x0  }
0x1b3: {  	s26 =	sadd.s32 $0x1580, s25;
	[sflag:s10] =	ssyncadd.s32 $0xFFFFE000  }
0x1b4: {  	[spmem:s0] =	stream.indirect.scatter.add.f32 [tilespmem:s6], [sflag:$0x8], $0x40, s26, s31, $0xb8;
	[tilespmem:$0x1E440] =	vst v63  }
0x1b5: {  	_ =	swait.ge [sflag:s11], $0x2000  }
0x1b6: {  	[sflag:s11] =	ssyncset.done $0x0  }
0x1b7: {  	s26 =	sadd.s32 $0x200, s25;
	[sflag:s11] =	ssyncadd.s32 $0xFFFFE000  }
0x1b8: {  	[tilespmem:s15], [sflag:$0x1] =	stream.indirect.gather [spmem:s16], $0x40, s26, s31, $0xb8;
	[tilespmem:$0x1E440] =	vst v63  }
0x1b9: {  	_ =	swait.ge [sflag:s12], $0x2000  }
0x1ba: {  	[sflag:s12] =	ssyncset.done $0x0  }
0x1bb: {  	s26 =	sadd.s32 $0x280, s25;
	[sflag:s12] =	ssyncadd.s32 $0xFFFFE000  }
0x1bc: {  	[tilespmem:s1], [sflag:$0x2] =	stream.indirect.gather [spmem:s16], $0x40, s26, s31, $0xb8;
	[tilespmem:$0x1E440] =	vst v63  }
0x1bd: {  	_ =	swait.ge [sflag:s13], $0x2000  }
0x1be: {  	[sflag:s13] =	ssyncset.done $0x0  }
.Ltmp3:
0x1bf: {  	s26 =	sadd.s32 $0x300, s25;
	[sflag:s13] =	ssyncadd.s32 $0xFFFFE000;
	(pc) =	sbr.rel @p0 .LBB2_8-.Ltmp3, $4  }
0x1c0: {  	[tilespmem:s4], [sflag:$0x3] =	stream.indirect.gather [spmem:s16], $0x40, s26, s31, $0xb8;
	[tilespmem:$0x1E440] =	vst v63  }
0x1c1: {  	_ =	swait.ge [sflag:s14], $0x2000  }
0x1c2: {  	[sflag:s14] =	ssyncset.done $0x0  }
0x1c3: {  	s25 =	sadd.s32 $0x380, s25;
	[sflag:s14] =	ssyncadd.s32 $0xFFFFE000  }
0x1c4: {  	[tilespmem:s6], [sflag:$0x4] =	stream.indirect.gather [spmem:s16], $0x40, s25, s31, $0xb8;
	[tilespmem:$0x1E440] =	vst v63  }
0x1c5: {  	_ =	swait.ge [sflag:s7], $0x2000  }
0x1c6: {  	[sflag:s7] =	ssyncset.done $0x0  }
0x1c7: {  	[sflag:s7] =	ssyncadd.s32 $0xFFFFE000  }
0x1c8: {  	[spmem:s0] =	stream.indirect.scatter.add.f32 [tilespmem:s15], [sflag:$0x5], $0x40, s17, s31, $0xb8;
	[tilespmem:$0x1E440] =	vst v63  }
0x1c9: {  	_ =	swait.ge [sflag:s8], $0x2000  }
0x1ca: {  	[sflag:s8] =	ssyncset.done $0x0  }
0x1cb: {  	[sflag:s8] =	ssyncadd.s32 $0xFFFFE000  }
0x1cc: {  	[spmem:s0] =	stream.indirect.scatter.add.f32 [tilespmem:s1], [sflag:$0x6], $0x40, s18, s31, $0xb8;
	[tilespmem:$0x1E440] =	vst v63  }
0x1cd: {  	_ =	swait.ge [sflag:s9], $0x2000  }
0x1ce: {  	[sflag:s9] =	ssyncset.done $0x0  }
0x1cf: {  	[sflag:s9] =	ssyncadd.s32 $0xFFFFE000  }
0x1d0: {  	[spmem:s0] =	stream.indirect.scatter.add.f32 [tilespmem:s4], [sflag:$0x7], $0x40, s19, s31, $0xb8;
	[tilespmem:$0x1E440] =	vst v63  }
0x1d1: {  	_ =	swait.ge [sflag:s10], $0x2000  }
0x1d2: {  	[sflag:s10] =	ssyncset.done $0x0  }
0x1d3: {  	[sflag:s10] =	ssyncadd.s32 $0xFFFFE000  }
0x1d4: {  	[spmem:s0] =	stream.indirect.scatter.add.f32 [tilespmem:s6], [sflag:$0x8], $0x40, s22, s31, $0xb8;
	[tilespmem:$0x1E440] =	vst v63  }
0x1d5: {  	_ =	swait.ge [sflag:s11], $0x2000  }
0x1d6: {  	[sflag:s11] =	ssyncset.done $0x0  }
0x1d7: {  	[sflag:s11] =	ssyncadd.s32 $0xFFFFE000  }
0x1d8: {  	_ =	swait.ge [sflag:s12], $0x2000  }
0x1d9: {  	[sflag:s12] =	ssyncset.done $0x0  }
0x1da: {  	[sflag:s12] =	ssyncadd.s32 $0xFFFFE000  }
0x1db: {  	_ =	swait.ge [sflag:s13], $0x2000  }
0x1dc: {  	[sflag:s13] =	ssyncset.done $0x0  }
0x1dd: {  	[sflag:s13] =	ssyncadd.s32 $0xFFFFE000  }
0x1de: {  	_ =	swait.ge [sflag:s14], $0x2000  }
0x1df: {  	[sflag:s14] =	ssyncset.done $0x0  }
0x1e0: {  	[sflag:s14] =	ssyncadd.s32 $0xFFFFE000  }
0x1e1: {  	[bflag:$0x0] =	sbarrier.arrive $0xFFFF  }
0x1e2: {  	[tilespmem:s15], [sflag:$0x1] =	stream.linear.gather [spmem:s20], $0x2000, $0x38;
	[tilespmem:$0x1E440] =	vst v63  }
0x1e3: {  	_ =	swait.ge [sflag:s7], $0x2000  }
0x1e4: {  	[sflag:s7] =	ssyncset.done $0x0  }
0x1e5: {  	s24 =	rddreg [dreg:$0xe];
	[sflag:s7] =	ssyncadd.s32 $0xFFFFE000  }
0x1e6: {  	[hbm4b:s24+s2] =	stream.linear.scatter [tilespmem:s15], [sflag:$0x5], $0x2000, $0x38;
	[tilespmem:$0x1E440] =	vst v63  }
0x1e7: {  	s26 =	rddreg [dreg:$0x14]  }
0x1e8: {  	[tilespmem:s1], [sflag:$0x2] =	stream.linear.gather [spmem:s26], $0x2000, $0x38;
	[tilespmem:$0x1E440] =	vst v63  }
0x1e9: {  	_ =	swait.ge [sflag:s8], $0x2000  }
0x1ea: {  	[sflag:s8] =	ssyncset.done $0x0  }
0x1eb: {  	s25 =	rddreg [dreg:$0xf];
	[sflag:s8] =	ssyncadd.s32 $0xFFFFE000  }
0x1ec: {  	[hbm4b:s25+s2] =	stream.linear.scatter [tilespmem:s1], [sflag:$0x6], $0x2000, $0x38;
	[tilespmem:$0x1E440] =	vst v63  }
0x1ed: {  	s26 =	rddreg [dreg:$0x15]  }
0x1ee: {  	[tilespmem:s4], [sflag:$0x3] =	stream.linear.gather [spmem:s26], $0x2000, $0x38;
	[tilespmem:$0x1E440] =	vst v63  }
0x1ef: {  	_ =	swait.ge [sflag:s9], $0x2000  }
0x1f0: {  	[sflag:s9] =	ssyncset.done $0x0  }
0x1f1: {  	s25 =	rddreg [dreg:$0x10];
	[sflag:s9] =	ssyncadd.s32 $0xFFFFE000  }
0x1f2: {  	[hbm4b:s25+s2] =	stream.linear.scatter [tilespmem:s4], [sflag:$0x7], $0x2000, $0x38;
	[tilespmem:$0x1E440] =	vst v63  }
0x1f3: {  	s26 =	rddreg [dreg:$0x16]  }
0x1f4: {  	[tilespmem:s6], [sflag:$0x4] =	stream.linear.gather [spmem:s26], $0x2000, $0x38;
	[tilespmem:$0x1E440] =	vst v63  }
0x1f5: {  	_ =	swait.ge [sflag:s10], $0x2000  }
0x1f6: {  	[sflag:s10] =	ssyncset.done $0x0  }
0x1f7: {  	s25 =	rddreg [dreg:$0x11];
	[sflag:s10] =	ssyncadd.s32 $0xFFFFE000  }
0x1f8: {  	[hbm4b:s25+s2] =	stream.linear.scatter [tilespmem:s6], [sflag:$0x8], $0x2000, $0x38;
	[tilespmem:$0x1E440] =	vst v63  }
0x1f9: {  	_ =	swait.ge [sflag:s11], $0x2000  }
0x1fa: {  	[sflag:s11] =	ssyncset.done $0x0  }
0x1fb: {  	s26 =	rddreg [dreg:$0x17];
	[sflag:s11] =	ssyncadd.s32 $0xFFFFE000  }
0x1fc: {  	[tilespmem:s15], [sflag:$0x1] =	stream.linear.gather [spmem:s26], $0x2000, $0x38;
	[tilespmem:$0x1E440] =	vst v63  }
0x1fd: {  	_ =	swait.ge [sflag:s7], $0x2000  }
0x1fe: {  	[sflag:s7] =	ssyncset.done $0x0  }
0x1ff: {  	s25 =	rddreg [dreg:$0x12];
	[sflag:s7] =	ssyncadd.s32 $0xFFFFE000  }
0x200: {  	[hbm4b:s25+s2] =	stream.linear.scatter [tilespmem:s15], [sflag:$0x5], $0x2000, $0x38;
	[tilespmem:$0x1E440] =	vst v63  }
0x201: {  	_ =	swait.ge [sflag:s12], $0x2000  }
0x202: {  	[sflag:s12] =	ssyncset.done $0x0  }
0x203: {  	[sflag:s12] =	ssyncadd.s32 $0xFFFFE000  }
0x204: {  	_ =	swait.ge [sflag:s13], $0x2000  }
0x205: {  	[sflag:s13] =	ssyncset.done $0x0  }
0x206: {  	[sflag:s13] =	ssyncadd.s32 $0xFFFFE000  }
0x207: {  	_ =	swait.ge [sflag:s14], $0x2000  }
0x208: {  	[sflag:s14] =	ssyncset.done $0x0  }
0x209: {  	[sflag:s14] =	ssyncadd.s32 $0xFFFFE000  }
0x20a: {  	_ =	swait.ge [sflag:s11], $0x2000  }
0x20b: {  	s23 =	sadd.s32 $0x1, s23;
	s26 =	rddreg [dreg:$0x18]  }
0x20c: {  	p0 =	sne.s32 s23, s26  }
.Ltmp4:
0x20d: {  	_ = 	snop;
	(pc) =	sbr.rel @p0 .LBB2_1-.Ltmp4, $3  }
0x20e: {  	_ =	sdelay $0x1  }
0x20f: {  	[sflag:s11] =	ssyncset.done $0x0  }
0x210: {  	[sflag:s11] =	ssyncadd.s32 $0xFFFFE000  }
0x211: {  	_ =	sfence.sel $0x180000  }
0x212: {  	[bflag:$0x0] =	sbarrier.arrive $0xFFFF  }
0x213: {  	_ =	strace $0x9000004A  }
0x214: {  	s0 =	stileid.u32;
	[bflag:$0x2] =	sbarrier.arrive $0xFFFF  }
0x215: {  	p0 =	sne.s32 s0, $0x0;
	s0 =	rddreg [dreg:$0x4]  }
0x216: {  	s0 =	sadd.s32 @!p0 $0x100000, s0  }
0x217: {  	[sflag:s0] =	ssyncadd.tile.s32 @!p0 $0x1;
	_ =	shalt  }
.Lfunc_end2:
_tile_overlayer_lowered:
.L_overlay_start_2:
0x218: {  	(tag) =	ssettag $0x2  }
0x219: {  	s0 =	rddreg [dreg:$0x0];
	s2 =	stileid.u32  }
0x21a: {  	s1 =	rddreg [dreg:$0x1];
	p0 =	sne.s32 s2, $0x0  }
0x21b: {  	s3 =	rddreg [dreg:$0x2];
	[bflag:$0x3] =	sbarrier.arrive $0xFFFF;
	s2 =	simm.s32 @!p0 $0x1C09  }
0x21c: {  	[timem:s3], [sflag:s2] =	dma.local @!p0 [hbm:s0], s1  }
0x21d: {  	s0 =	simm.s32 @!p0 $0x9  }
0x21e: {  	_ =	swait.ge @!p0 [sflag:s0], s1  }
0x21f: {  	s1 =	ssub.s32 @!p0 $0x0, s1;
	[sflag:s0] =	ssyncset.done @!p0 $0x0  }
0x220: {  	[sflag:s0] =	ssyncadd.s32 @!p0 s1  }
0x221: {  	[bflag:$0x3] =	sbarrier.arrive $0xFFFF  }
0x222: {  	_ =	shalt  }

</sc_bundles>
